<compile_context>
chip_gen: v7x
topology: tpu7x:2x2x1
jax: 0.10.2.dev20260603
libtpu: 0.0.44.dev20260713+nightly
codegen_flags: <defaults>
</compile_context>

<pallas_src>
import functools

import numpy as np
import jax
import jax.numpy as jnp
from jax import lax
from jax.experimental import pallas as pl
from jax.experimental.pallas import tpu as pltpu
from jax.experimental.pallas import tpu_sc as plsc

_CHUNK = 128
_BLK = 2000
_NS = 16
_NC = 2


def _sc_aggregate(xcat, ei32, N, E, half):
    nchunk = E // _CHUNK
    maxk = -(-nchunk // _NS)
    rpt = 640
    last_rpt = N - (_NS - 1) * rpt

    mesh = plsc.VectorSubcoreMesh(core_axis_name="c", subcore_axis_name="s")

    @functools.partial(
        pl.kernel,
        mesh=mesh,
        compiler_params=pltpu.CompilerParams(needs_layout_passes=False),
        out_type=[
            jax.ShapeDtypeStruct((_NC, N, half), jnp.float32),
            jax.ShapeDtypeStruct((N // _BLK, _NC * _NS, 1, _BLK),
                                 jnp.float32),
        ],
        scratch_types=[
            pltpu.VMEM((2, _CHUNK), jnp.int32),
            pltpu.VMEM((2, _CHUNK), jnp.int32),
            pltpu.VMEM((2, _CHUNK), jnp.int32),
            pltpu.VMEM((2, _CHUNK), jnp.int32),
            pltpu.VMEM((_CHUNK, half), jnp.float32),
            pltpu.VMEM((_CHUNK, half), jnp.float32),
            pltpu.VMEM((N,), jnp.float32),
            pltpu.VMEM_SHARED((N, half), jnp.float32),
            pltpu.SemaphoreType.DMA,
            pltpu.SemaphoreType.DMA,
            pltpu.SemaphoreType.DMA,
            pltpu.SemaphoreType.DMA,
            pltpu.SemaphoreType.DMA,
            pltpu.SemaphoreType.DMA,
        ],
    )
    def sc_kernel(xcat_h, ei_h, agg_h, deg_h,
                  idx0, idx1, idx2, idx3, rows0, rows1, degp, acc,
                  semg0, semg1, semi0, semi1, semi2, semi3):
        c = lax.axis_index("c")
        w = lax.axis_index("s")
        z16 = jnp.zeros((16,), jnp.float32)

        def zfill(i, carry):
            for j in range(half // 16):
                rows0[i, pl.ds(j * 16, 16)] = z16
            return carry

        lax.fori_loop(jnp.int32(0), jnp.int32(_CHUNK), zfill, jnp.int32(0))

        @pl.when(w < _NS - 1)
        def _():
            for s in range(rpt // _CHUNK):
                pltpu.sync_copy(rows0,
                                acc.at[pl.ds(w * rpt + s * _CHUNK, _CHUNK)])

        @pl.when(w == _NS - 1)
        def _():
            for s in range(last_rpt // _CHUNK):
                pltpu.sync_copy(
                    rows0,
                    acc.at[pl.ds((_NS - 1) * rpt + s * _CHUNK, _CHUNK)])
            rem = last_rpt % _CHUNK
            if rem:
                pltpu.sync_copy(
                    rows0.at[pl.ds(0, rem)],
                    acc.at[pl.ds((_NS - 1) * rpt + last_rpt - rem, rem)])

        def zdeg(i, carry):
            degp[pl.ds(pl.multiple_of(i * 16, 16), 16)] = z16
            return carry

        lax.fori_loop(jnp.int32(0), jnp.int32(N // 16), zdeg, jnp.int32(0))

        plsc.subcore_barrier()

        ones16 = jnp.full((16,), 1.0, dtype=jnp.float32)

        ibufs = [(idx0, semi0), (idx1, semi1), (idx2, semi2), (idx3, semi3)]

        def load_idx(k, r):
            cid = w + _NS * k
            idxb, semi = ibufs[r]

            @pl.when(cid < nchunk)
            def _():
                base = pl.multiple_of(cid * _CHUNK, _CHUNK)
                pltpu.async_copy(ei_h.at[:, pl.ds(base, _CHUNK)],
                                 idxb, semi)

        def issue_gather(k, r, rowsb, semg):
            cid = w + _NS * k
            idxb, semi = ibufs[r]

            @pl.when(cid < nchunk)
            def _():
                base = pl.multiple_of(cid * _CHUNK, _CHUNK)
                pltpu.make_async_copy(ei_h.at[:, pl.ds(base, _CHUNK)],
                                      idxb, semi).wait()
                for j in range(_CHUNK // 16):
                    sl = pl.ds(j * 16, 16)
                    idxb[0, sl] = idxb[0, sl] * 2 + c
                pltpu.async_copy(xcat_h.at[idxb.at[jnp.int32(0)]],
                                 rowsb, semg)

            load_idx(k + 2, (r + 2) % 4)

        def finish(k, r, rowsb, semg):
            cid = w + _NS * k
            idxb, _ = ibufs[r]

            @pl.when(cid < nchunk)
            def _():
                pltpu.make_async_copy(xcat_h.at[idxb.at[jnp.int32(0)]],
                                      rowsb, semg).wait()
                pltpu.sync_copy(rowsb, acc.at[idxb.at[jnp.int32(1)]],
                                add=True)
                cbase = c * (_CHUNK // 2)
                for j in range(_CHUNK // 32):
                    plsc.addupdate_scatter(
                        degp, [idxb[1, pl.ds(cbase + j * 16, 16)]], ones16)

        load_idx(0, 0)
        load_idx(1, 1)
        issue_gather(0, 0, rows0, semg0)
        issue_gather(1, 1, rows1, semg1)

        def quad(i, carry):
            k0 = 4 * i
            for b in range(4):
                rb, sg = (rows0, semg0) if b % 2 == 0 else (rows1, semg1)
                finish(k0 + b, b, rb, sg)
                issue_gather(k0 + b + 2, (b + 2) % 4, rb, sg)
            return carry

        lax.fori_loop(jnp.int32(0), jnp.int32((maxk + 3) // 4), quad,
                      jnp.int32(0))
        plsc.subcore_barrier()

        @pl.when(w < _NS - 1)
        def _():
            pltpu.sync_copy(acc.at[pl.ds(w * rpt, rpt)],
                            agg_h.at[c, pl.ds(w * rpt, rpt)])

        @pl.when(w == _NS - 1)
        def _():
            pltpu.sync_copy(acc.at[pl.ds((_NS - 1) * rpt, last_rpt)],
                            agg_h.at[c, pl.ds((_NS - 1) * rpt, last_rpt)])

        for g in range(N // _BLK):
            pltpu.sync_copy(degp.at[pl.ds(g * _BLK, _BLK)],
                            deg_h.at[jnp.int32(g), c * _NS + w,
                                     jnp.int32(0)])

    return sc_kernel(xcat, ei32)


def _tc_fused(x, agg3, deg16, W1, b1, W2, b2, C, W3, b3, W4, b4):
    N, D = x.shape
    K, CD = C.shape
    half = D // 2
    G = N // _BLK
    f32 = jnp.float32

    def body(x_ref, a3_ref, dg_ref, W1_ref, b1_ref, W2_ref, b2_ref, C_ref,
             W3_ref, b3_ref, W4_ref, b4_ref, xr_ref, loss_ref, idx_ref):
        i = pl.program_id(0)
        xb = x_ref[...]
        deg = jnp.sum(dg_ref[0, :, 0, :], axis=0) + 1.0
        hlo = (a3_ref[0] + xb[:, :half]) / deg[:, None]
        hhi = (a3_ref[1] + xb[:, half:]) / deg[:, None]
        h1 = jnp.maximum(
            jnp.dot(hlo, W1_ref[:half, :], preferred_element_type=f32)
            + jnp.dot(hhi, W1_ref[half:, :], preferred_element_type=f32)
            + b1_ref[...][None, :], 0.0)
        z = (jnp.dot(h1, W2_ref[...], preferred_element_type=f32)
             + b2_ref[...][None, :])
        Cb = C_ref[...]
        csq = jnp.sum(Cb * Cb, axis=1)
        zsq = jnp.sum(z * z, axis=1, keepdims=True)
        zc = lax.dot_general(z, Cb, (((1,), (1,)), ((), ())),
                             preferred_element_type=f32)
        d2 = zsq - 2.0 * zc + csq[None, :]
        m = jnp.min(d2, axis=1, keepdims=True)
        iota = lax.broadcasted_iota(jnp.int32, d2.shape, 1)
        idx = jnp.min(jnp.where(d2 == m, iota, K), axis=1)
        oh = (iota == idx[:, None]).astype(f32)
        zq = jnp.dot(oh, Cb, preferred_element_type=f32)
        diff = zq - z
        lp = jnp.sum(diff * diff)

        @pl.when(i == 0)
        def _():
            loss_ref[...] = jnp.zeros_like(loss_ref)

        loss_ref[...] = loss_ref[...] + lp * (1.25 / (N * CD))
        h2 = jnp.maximum(
            jnp.dot(zq, W3_ref[...], preferred_element_type=f32)
            + b3_ref[...][None, :], 0.0)
        xr_ref[...] = (jnp.dot(h2, W4_ref[...], preferred_element_type=f32)
                       + b4_ref[...][None, :])
        idx_ref[...] = idx.reshape(1, 1, _BLK)

    z = np.int32(0)
    full2 = lambda shape: pl.BlockSpec(shape, lambda i: (z,) * len(shape))
    return pl.pallas_call(
        body,
        grid=(G,),
        in_specs=[
            pl.BlockSpec((_BLK, D), lambda i: (i, z)),
            pl.BlockSpec((_NC, _BLK, half), lambda i: (z, i, z)),
            pl.BlockSpec((1, _NC * _NS, 1, _BLK), lambda i: (i, z, z, z)),
            full2((D, D)), full2((D,)), full2((D, CD)), full2((CD,)),
            full2((K, CD)),
            full2((CD, D)), full2((D,)), full2((D, D)), full2((D,)),
        ],
        out_specs=[
            pl.BlockSpec((_BLK, D), lambda i: (i, z)),
            pl.BlockSpec((1, 1), lambda i: (z, z)),
            pl.BlockSpec((1, 1, _BLK), lambda i: (i, z, z)),
        ],
        out_shape=[
            jax.ShapeDtypeStruct((N, D), f32),
            jax.ShapeDtypeStruct((1, 1), f32),
            jax.ShapeDtypeStruct((G, 1, _BLK), jnp.int32),
        ],
    )(x, agg3, deg16, W1, b1, W2, b2, C, W3, b3, W4, b4)


def kernel(x, edge_index, W_enc1, b_enc1, W_enc2, b_enc2, codebook,
           W_dec1, b_dec1, W_dec2, b_dec2):
    N, D = x.shape
    E = edge_index.shape[1]
    half = D // 2

    ei32 = edge_index.astype(jnp.int32)
    xcat = x.reshape(2 * N, half)

    agg3, deg16 = _sc_aggregate(xcat, ei32, N, E, half)
    xrec, loss, idx3 = _tc_fused(x, agg3, deg16, W_enc1, b_enc1, W_enc2,
                                 b_enc2, codebook, W_dec1, b_dec1, W_dec2,
                                 b_dec2)
    indices = idx3.reshape(N).astype(jnp.int64)
    return xrec, loss[0, 0], indices

# --- scband reference (transcript-rebuilt; emitter-appended) ---
"""Pipeline reference for scband-g-vqvae-13211319403262 (READ-ONLY COPY).

The authoritative reference and input builder live on the scoring server;
editing this copy changes nothing except your own understanding.
"""

import jax
jax.config.update("jax_enable_x64", True)
import jax.numpy as jnp
import numpy as np

N, D, H, K, CD, E = 10000, 256, 256, 512, 256, 160000
COMMITMENT_COST = 0.25


def setup_inputs(seed: int = 0) -> dict:
    key = jax.random.key(seed)
    ks = jax.random.split(key, 12)
    x = jax.random.normal(ks[0], (N, D), dtype=jnp.float32)
    edge_index = jax.random.randint(ks[1], (2, E), 0, N, dtype=jnp.int64)
    s = 0.02
    W_enc1 = jax.random.normal(ks[2], (D, H), dtype=jnp.float32) * s
    b_enc1 = jnp.zeros((H,), dtype=jnp.float32)
    W_enc2 = jax.random.normal(ks[3], (H, CD), dtype=jnp.float32) * s
    b_enc2 = jnp.zeros((CD,), dtype=jnp.float32)
    codebook = jax.random.normal(ks[4], (K, CD), dtype=jnp.float32)
    W_dec1 = jax.random.normal(ks[5], (CD, H), dtype=jnp.float32) * s
    b_dec1 = jnp.zeros((H,), dtype=jnp.float32)
    W_dec2 = jax.random.normal(ks[6], (H, D), dtype=jnp.float32) * s
    b_dec2 = jnp.zeros((D,), dtype=jnp.float32)
    return {"x": x, "edge_index": edge_index, "W_enc1": W_enc1, "b_enc1": b_enc1,
            "W_enc2": W_enc2, "b_enc2": b_enc2, "codebook": codebook,
            "W_dec1": W_dec1, "b_dec1": b_dec1, "W_dec2": W_dec2, "b_dec2": b_dec2}


def reference(x, edge_index, W_enc1, b_enc1, W_enc2, b_enc2, codebook,
              W_dec1, b_dec1, W_dec2, b_dec2):
    src = edge_index[0]
    dst = edge_index[1]
    # --- GraphEncoder: GCN-style mean aggregation (with self loop) + MLP ---
    deg = jax.ops.segment_sum(jnp.ones((E,), dtype=jnp.float32), dst, num_segments=N) + 1.0
    agg = jax.ops.segment_sum(jnp.take(x, src, axis=0), dst, num_segments=N)
    h = (agg + x) / deg[:, None]
    h = jax.nn.relu(h @ W_enc1 + b_enc1)
    z = h @ W_enc2 + b_enc2
    # --- GraphVectorQuantizer: nearest-codebook lookup + VQ losses ---
    d2 = (jnp.sum(z * z, axis=1, keepdims=True)
          - 2.0 * (z @ codebook.T)
          + jnp.sum(codebook * codebook, axis=1)[None, :])
    indices = jnp.argmin(d2, axis=1)
    z_q = jnp.take(codebook, indices, axis=0)
    codebook_loss = jnp.mean((z_q - jax.lax.stop_gradient(z)) ** 2)
    commitment_loss = jnp.mean((z - jax.lax.stop_gradient(z_q)) ** 2)
    loss = codebook_loss + COMMITMENT_COST * commitment_loss
    # straight-through estimator
    z_q_st = z + jax.lax.stop_gradient(z_q - z)
    # --- GraphDecoder: MLP back to node feature space ---
    h2 = jax.nn.relu(z_q_st @ W_dec1 + b_dec1)
    x_rec = h2 @ W_dec2 + b_dec2
    return x_rec, loss, indices

if __name__ == "__main__":
    import jax
    _d = setup_inputs()
    print(jax.jit(kernel)(*tuple(_d.values())))

</pallas_src>

<mosaic_0001>
#map = affine_map<(d0, d1) -> (0, 0)>
#map1 = affine_map<(d0, d1) -> (0, 0, 0)>
#map2 = affine_map<(d0, d1) -> (0, 0, 0, 0)>
module attributes {stable_mosaic.version = 14 : i64} {
  func.func @sc_kernel(%arg0: i32, %arg1: i32, %arg2: memref<20000x128xf32, #tpu.memory_space<hbm>>, %arg3: memref<2x160000xi32, #tpu.memory_space<hbm>>, %arg4: memref<2x10000x128xf32, #tpu.memory_space<hbm>>, %arg5: memref<5x32x1x2000xf32, #tpu.memory_space<hbm>>, %arg6: memref<2x128xi32, #tpu.memory_space<vmem>>, %arg7: memref<2x128xi32, #tpu.memory_space<vmem>>, %arg8: memref<2x128xi32, #tpu.memory_space<vmem>>, %arg9: memref<2x128xi32, #tpu.memory_space<vmem>>, %arg10: memref<128x128xf32, #tpu.memory_space<vmem>>, %arg11: memref<128x128xf32, #tpu.memory_space<vmem>>, %arg12: memref<10000xf32, #tpu.memory_space<vmem>>, %arg13: memref<10000x128xf32, #tpu.memory_space<vmem_shared>>, %arg14: memref<!tpu.dma_semaphore, #tpu.memory_space<semaphore_mem>>, %arg15: memref<!tpu.dma_semaphore, #tpu.memory_space<semaphore_mem>>, %arg16: memref<!tpu.dma_semaphore, #tpu.memory_space<semaphore_mem>>, %arg17: memref<!tpu.dma_semaphore, #tpu.memory_space<semaphore_mem>>, %arg18: memref<!tpu.dma_semaphore, #tpu.memory_space<semaphore_mem>>, %arg19: memref<!tpu.dma_semaphore, #tpu.memory_space<semaphore_mem>>) attributes {dimension_semantics = [#tpu.dimension_semantics<core_parallel>, #tpu.dimension_semantics<subcore_parallel>], iteration_bounds = array<i64: 2, 16>, scalar_prefetch = 0 : i64, scratch_operands = 14 : i64, tpu.core_type = #tpu.core_type<sc_vector_subcore>, window_params = [{transform_indices = #map}, {transform_indices = #map}, {transform_indices = #map1}, {transform_indices = #map2}]} {
    %broadcast_in_dim3A = arith.constant 0.000000e+00 : f32
    %broadcast_in_dim3A_0 = vector.broadcast %broadcast_in_dim3A : f32 to vector<16xf32>
    %while3A = arith.constant 0 : i32
    %while3A_1 = arith.constant 0 : i32
    %while3A_2 = arith.constant 128 : i32
    %while3A_3 = arith.subi %while3A_2, %while3A_1 : i32
    %while3A_4 = arith.addi %while3A_1, %while3A_3 : i32
    %while3A_5 = arith.constant 1 : i32
    %while3A_6 = arith.divsi %while3A_3, %while3A_5 : i32
    %while3A_7 = arith.muli %while3A_6, %while3A_5 : i32
    %while3A_8 = arith.addi %while3A_1, %while3A_7 : i32
    %while3A_9 = arith.constant 1 : i32
    scf.for %while3A_116 = %while3A_1 to %while3A_8 step %while3A_9  : i32 {
      %swap3A = arith.index_cast %while3A_116 : i32 to index
      %swap3A_117 = arith.constant 0 : index
      %swap3A_118 = tpu.vector_load %arg10[%swap3A, %swap3A_117] {strides = array<i32>} : memref<128x128xf32, #tpu.memory_space<vmem>>, vector<16xf32>,
      tpu.vector_store %arg10[%swap3A, %swap3A_117], %broadcast_in_dim3A_0 {strides = array<i32>} : memref<128x128xf32, #tpu.memory_space<vmem>>, vector<16xf32>,
      %swap3A_119 = arith.index_cast %while3A_116 : i32 to index
      %swap3A_120 = arith.constant 16 : index
      %swap3A_121 = tpu.vector_load %arg10[%swap3A_119, %swap3A_120] {strides = array<i32>} : memref<128x128xf32, #tpu.memory_space<vmem>>, vector<16xf32>,
      tpu.vector_store %arg10[%swap3A_119, %swap3A_120], %broadcast_in_dim3A_0 {strides = array<i32>} : memref<128x128xf32, #tpu.memory_space<vmem>>, vector<16xf32>,
      %swap3A_122 = arith.index_cast %while3A_116 : i32 to index
      %swap3A_123 = arith.constant 32 : index
      %swap3A_124 = tpu.vector_load %arg10[%swap3A_122, %swap3A_123] {strides = array<i32>} : memref<128x128xf32, #tpu.memory_space<vmem>>, vector<16xf32>,
      tpu.vector_store %arg10[%swap3A_122, %swap3A_123], %broadcast_in_dim3A_0 {strides = array<i32>} : memref<128x128xf32, #tpu.memory_space<vmem>>, vector<16xf32>,
      %swap3A_125 = arith.index_cast %while3A_116 : i32 to index
      %swap3A_126 = arith.constant 48 : index
      %swap3A_127 = tpu.vector_load %arg10[%swap3A_125, %swap3A_126] {strides = array<i32>} : memref<128x128xf32, #tpu.memory_space<vmem>>, vector<16xf32>,
      tpu.vector_store %arg10[%swap3A_125, %swap3A_126], %broadcast_in_dim3A_0 {strides = array<i32>} : memref<128x128xf32, #tpu.memory_space<vmem>>, vector<16xf32>,
      %swap3A_128 = arith.index_cast %while3A_116 : i32 to index
      %swap3A_129 = arith.constant 64 : index
      %swap3A_130 = tpu.vector_load %arg10[%swap3A_128, %swap3A_129] {strides = array<i32>} : memref<128x128xf32, #tpu.memory_space<vmem>>, vector<16xf32>,
      tpu.vector_store %arg10[%swap3A_128, %swap3A_129], %broadcast_in_dim3A_0 {strides = array<i32>} : memref<128x128xf32, #tpu.memory_space<vmem>>, vector<16xf32>,
      %swap3A_131 = arith.index_cast %while3A_116 : i32 to index
      %swap3A_132 = arith.constant 80 : index
      %swap3A_133 = tpu.vector_load %arg10[%swap3A_131, %swap3A_132] {strides = array<i32>} : memref<128x128xf32, #tpu.memory_space<vmem>>, vector<16xf32>,
      tpu.vector_store %arg10[%swap3A_131, %swap3A_132], %broadcast_in_dim3A_0 {strides = array<i32>} : memref<128x128xf32, #tpu.memory_space<vmem>>, vector<16xf32>,
      %swap3A_134 = arith.index_cast %while3A_116 : i32 to index
      %swap3A_135 = arith.constant 96 : index
      %swap3A_136 = tpu.vector_load %arg10[%swap3A_134, %swap3A_135] {strides = array<i32>} : memref<128x128xf32, #tpu.memory_space<vmem>>, vector<16xf32>,
      tpu.vector_store %arg10[%swap3A_134, %swap3A_135], %broadcast_in_dim3A_0 {strides = array<i32>} : memref<128x128xf32, #tpu.memory_space<vmem>>, vector<16xf32>,
      %swap3A_137 = arith.index_cast %while3A_116 : i32 to index
      %swap3A_138 = arith.constant 112 : index
      %swap3A_139 = tpu.vector_load %arg10[%swap3A_137, %swap3A_138] {strides = array<i32>} : memref<128x128xf32, #tpu.memory_space<vmem>>, vector<16xf32>,
      tpu.vector_store %arg10[%swap3A_137, %swap3A_138], %broadcast_in_dim3A_0 {strides = array<i32>} : memref<128x128xf32, #tpu.memory_space<vmem>>, vector<16xf32>,
    }
    %while3A_10 = arith.constant 1 : i32
    scf.for %while3A_116 = %while3A_8 to %while3A_4 step %while3A_10  : i32 {
      %swap3A = arith.index_cast %while3A_116 : i32 to index
      %swap3A_117 = arith.constant 0 : index
      %swap3A_118 = tpu.vector_load %arg10[%swap3A, %swap3A_117] {strides = array<i32>} : memref<128x128xf32, #tpu.memory_space<vmem>>, vector<16xf32>,
      tpu.vector_store %arg10[%swap3A, %swap3A_117], %broadcast_in_dim3A_0 {strides = array<i32>} : memref<128x128xf32, #tpu.memory_space<vmem>>, vector<16xf32>,
      %swap3A_119 = arith.index_cast %while3A_116 : i32 to index
      %swap3A_120 = arith.constant 16 : index
      %swap3A_121 = tpu.vector_load %arg10[%swap3A_119, %swap3A_120] {strides = array<i32>} : memref<128x128xf32, #tpu.memory_space<vmem>>, vector<16xf32>,
      tpu.vector_store %arg10[%swap3A_119, %swap3A_120], %broadcast_in_dim3A_0 {strides = array<i32>} : memref<128x128xf32, #tpu.memory_space<vmem>>, vector<16xf32>,
      %swap3A_122 = arith.index_cast %while3A_116 : i32 to index
      %swap3A_123 = arith.constant 32 : index
      %swap3A_124 = tpu.vector_load %arg10[%swap3A_122, %swap3A_123] {strides = array<i32>} : memref<128x128xf32, #tpu.memory_space<vmem>>, vector<16xf32>,
      tpu.vector_store %arg10[%swap3A_122, %swap3A_123], %broadcast_in_dim3A_0 {strides = array<i32>} : memref<128x128xf32, #tpu.memory_space<vmem>>, vector<16xf32>,
      %swap3A_125 = arith.index_cast %while3A_116 : i32 to index
      %swap3A_126 = arith.constant 48 : index
      %swap3A_127 = tpu.vector_load %arg10[%swap3A_125, %swap3A_126] {strides = array<i32>} : memref<128x128xf32, #tpu.memory_space<vmem>>, vector<16xf32>,
      tpu.vector_store %arg10[%swap3A_125, %swap3A_126], %broadcast_in_dim3A_0 {strides = array<i32>} : memref<128x128xf32, #tpu.memory_space<vmem>>, vector<16xf32>,
      %swap3A_128 = arith.index_cast %while3A_116 : i32 to index
      %swap3A_129 = arith.constant 64 : index
      %swap3A_130 = tpu.vector_load %arg10[%swap3A_128, %swap3A_129] {strides = array<i32>} : memref<128x128xf32, #tpu.memory_space<vmem>>, vector<16xf32>,
      tpu.vector_store %arg10[%swap3A_128, %swap3A_129], %broadcast_in_dim3A_0 {strides = array<i32>} : memref<128x128xf32, #tpu.memory_space<vmem>>, vector<16xf32>,
      %swap3A_131 = arith.index_cast %while3A_116 : i32 to index
      %swap3A_132 = arith.constant 80 : index
      %swap3A_133 = tpu.vector_load %arg10[%swap3A_131, %swap3A_132] {strides = array<i32>} : memref<128x128xf32, #tpu.memory_space<vmem>>, vector<16xf32>,
      tpu.vector_store %arg10[%swap3A_131, %swap3A_132], %broadcast_in_dim3A_0 {strides = array<i32>} : memref<128x128xf32, #tpu.memory_space<vmem>>, vector<16xf32>,
      %swap3A_134 = arith.index_cast %while3A_116 : i32 to index
      %swap3A_135 = arith.constant 96 : index
      %swap3A_136 = tpu.vector_load %arg10[%swap3A_134, %swap3A_135] {strides = array<i32>} : memref<128x128xf32, #tpu.memory_space<vmem>>, vector<16xf32>,
      tpu.vector_store %arg10[%swap3A_134, %swap3A_135], %broadcast_in_dim3A_0 {strides = array<i32>} : memref<128x128xf32, #tpu.memory_space<vmem>>, vector<16xf32>,
      %swap3A_137 = arith.index_cast %while3A_116 : i32 to index
      %swap3A_138 = arith.constant 112 : index
      %swap3A_139 = tpu.vector_load %arg10[%swap3A_137, %swap3A_138] {strides = array<i32>} : memref<128x128xf32, #tpu.memory_space<vmem>>, vector<16xf32>,
      tpu.vector_store %arg10[%swap3A_137, %swap3A_138], %broadcast_in_dim3A_0 {strides = array<i32>} : memref<128x128xf32, #tpu.memory_space<vmem>>, vector<16xf32>,
    }
    %lt3A = arith.constant 15 : i32
    %lt3A_11 = arith.cmpi slt, %arg1, %lt3A : i32
    %convert_element_type3A = arith.extui %lt3A_11 : i1 to i32
    %cond3A = arith.constant 0 : i32
    %cond3A_12 = arith.cmpi ne, %convert_element_type3A, %cond3A : i32
    scf.if %cond3A_12 {
      %mul3A_116 = arith.constant 640 : i32
      %mul3A_117 = arith.muli %arg1, %mul3A_116 : i32
      %add3A_118 = arith.constant 0 : i32
      %add3A_119 = arith.addi %mul3A_117, %add3A_118 : i32
      "tpu.region"() ({
        %run_scoped3A_136 = tpu.sem_alloc : memref<!tpu.dma_semaphore, #tpu.memory_space<semaphore_mem>>
        %dma_start3A = arith.constant 0 : i32
        %dma_start3A_137 = tpu.memref_slice %arg13[%add3A_119, %dma_start3A] : memref<10000x128xf32, #tpu.memory_space<vmem_shared>> -> memref<128x128xf32, #tpu.memory_space<vmem_shared>>
        %dma_start3A_138 = arith.constant 0 : i32
        %dma_start3A_139 = tpu.memref_slice %arg13[%add3A_119, %dma_start3A_138] : memref<10000x128xf32, #tpu.memory_space<vmem_shared>> -> memref<128x128xf32, #tpu.memory_space<vmem_shared>>
        tpu.enqueue_dma source(%arg10 : memref<128x128xf32, #tpu.memory_space<vmem>>) target(%dma_start3A_139 : memref<128x128xf32, #tpu.memory_space<vmem_shared>>) target_semaphore(%run_scoped3A_136 : memref<!tpu.dma_semaphore, #tpu.memory_space<semaphore_mem>>)
        %dma_wait3A = arith.constant 0 : i32
        %dma_wait3A_140 = tpu.memref_slice %arg13[%add3A_119, %dma_wait3A] : memref<10000x128xf32, #tpu.memory_space<vmem_shared>> -> memref<128x128xf32, #tpu.memory_space<vmem_shared>>
        %dma_wait3A_141 = arith.constant 0 : i32
        %dma_wait3A_142 = tpu.memref_slice %arg13[%add3A_119, %dma_wait3A_141] : memref<10000x128xf32, #tpu.memory_space<vmem_shared>> -> memref<128x128xf32, #tpu.memory_space<vmem_shared>>
        tpu.wait_dma2 semaphore(%run_scoped3A_136 : memref<!tpu.dma_semaphore, #tpu.memory_space<semaphore_mem>>) src(%arg10 : memref<128x128xf32, #tpu.memory_space<vmem>>) dst(%dma_wait3A_142 : memref<128x128xf32, #tpu.memory_space<vmem_shared>>)
        tpu.yield
      }) : () -> ()
      %mul3A_120 = arith.constant 640 : i32
      %mul3A_121 = arith.muli %arg1, %mul3A_120 : i32
      %add3A_122 = arith.constant 128 : i32
      %add3A_123 = arith.addi %mul3A_121, %add3A_122 : i32
      "tpu.region"() ({
        %run_scoped3A_136 = tpu.sem_alloc : memref<!tpu.dma_semaphore, #tpu.memory_space<semaphore_mem>>
        %dma_start3A = arith.constant 0 : i32
        %dma_start3A_137 = tpu.memref_slice %arg13[%add3A_123, %dma_start3A] : memref<10000x128xf32, #tpu.memory_space<vmem_shared>> -> memref<128x128xf32, #tpu.memory_space<vmem_shared>>
        %dma_start3A_138 = arith.constant 0 : i32
        %dma_start3A_139 = tpu.memref_slice %arg13[%add3A_123, %dma_start3A_138] : memref<10000x128xf32, #tpu.memory_space<vmem_shared>> -> memref<128x128xf32, #tpu.memory_space<vmem_shared>>
        tpu.enqueue_dma source(%arg10 : memref<128x128xf32, #tpu.memory_space<vmem>>) target(%dma_start3A_139 : memref<128x128xf32, #tpu.memory_space<vmem_shared>>) target_semaphore(%run_scoped3A_136 : memref<!tpu.dma_semaphore, #tpu.memory_space<semaphore_mem>>)
        %dma_wait3A = arith.constant 0 : i32
        %dma_wait3A_140 = tpu.memref_slice %arg13[%add3A_123, %dma_wait3A] : memref<10000x128xf32, #tpu.memory_space<vmem_shared>> -> memref<128x128xf32, #tpu.memory_space<vmem_shared>>
        %dma_wait3A_141 = arith.constant 0 : i32
        %dma_wait3A_142 = tpu.memref_slice %arg13[%add3A_123, %dma_wait3A_141] : memref<10000x128xf32, #tpu.memory_space<vmem_shared>> -> memref<128x128xf32, #tpu.memory_space<vmem_shared>>
        tpu.wait_dma2 semaphore(%run_scoped3A_136 : memref<!tpu.dma_semaphore, #tpu.memory_space<semaphore_mem>>) src(%arg10 : memref<128x128xf32, #tpu.memory_space<vmem>>) dst(%dma_wait3A_142 : memref<128x128xf32, #tpu.memory_space<vmem_shared>>)
        tpu.yield
      }) : () -> ()
      %mul3A_124 = arith.constant 640 : i32
      %mul3A_125 = arith.muli %arg1, %mul3A_124 : i32
      %add3A_126 = arith.constant 256 : i32
      %add3A_127 = arith.addi %mul3A_125, %add3A_126 : i32
      "tpu.region"() ({
        %run_scoped3A_136 = tpu.sem_alloc : memref<!tpu.dma_semaphore, #tpu.memory_space<semaphore_mem>>
        %dma_start3A = arith.constant 0 : i32
        %dma_start3A_137 = tpu.memref_slice %arg13[%add3A_127, %dma_start3A] : memref<10000x128xf32, #tpu.memory_space<vmem_shared>> -> memref<128x128xf32, #tpu.memory_space<vmem_shared>>
        %dma_start3A_138 = arith.constant 0 : i32
        %dma_start3A_139 = tpu.memref_slice %arg13[%add3A_127, %dma_start3A_138] : memref<10000x128xf32, #tpu.memory_space<vmem_shared>> -> memref<128x128xf32, #tpu.memory_space<vmem_shared>>
        tpu.enqueue_dma source(%arg10 : memref<128x128xf32, #tpu.memory_space<vmem>>) target(%dma_start3A_139 : memref<128x128xf32, #tpu.memory_space<vmem_shared>>) target_semaphore(%run_scoped3A_136 : memref<!tpu.dma_semaphore, #tpu.memory_space<semaphore_mem>>)
        %dma_wait3A = arith.constant 0 : i32
        %dma_wait3A_140 = tpu.memref_slice %arg13[%add3A_127, %dma_wait3A] : memref<10000x128xf32, #tpu.memory_space<vmem_shared>> -> memref<128x128xf32, #tpu.memory_space<vmem_shared>>
        %dma_wait3A_141 = arith.constant 0 : i32
        %dma_wait3A_142 = tpu.memref_slice %arg13[%add3A_127, %dma_wait3A_141] : memref<10000x128xf32, #tpu.memory_space<vmem_shared>> -> memref<128x128xf32, #tpu.memory_space<vmem_shared>>
        tpu.wait_dma2 semaphore(%run_scoped3A_136 : memref<!tpu.dma_semaphore, #tpu.memory_space<semaphore_mem>>) src(%arg10 : memref<128x128xf32, #tpu.memory_space<vmem>>) dst(%dma_wait3A_142 : memref<128x128xf32, #tpu.memory_space<vmem_shared>>)
        tpu.yield
      }) : () -> ()
      %mul3A_128 = arith.constant 640 : i32
      %mul3A_129 = arith.muli %arg1, %mul3A_128 : i32
      %add3A_130 = arith.constant 384 : i32
      %add3A_131 = arith.addi %mul3A_129, %add3A_130 : i32
      "tpu.region"() ({
        %run_scoped3A_136 = tpu.sem_alloc : memref<!tpu.dma_semaphore, #tpu.memory_space<semaphore_mem>>
        %dma_start3A = arith.constant 0 : i32
        %dma_start3A_137 = tpu.memref_slice %arg13[%add3A_131, %dma_start3A] : memref<10000x128xf32, #tpu.memory_space<vmem_shared>> -> memref<128x128xf32, #tpu.memory_space<vmem_shared>>
        %dma_start3A_138 = arith.constant 0 : i32
        %dma_start3A_139 = tpu.memref_slice %arg13[%add3A_131, %dma_start3A_138] : memref<10000x128xf32, #tpu.memory_space<vmem_shared>> -> memref<128x128xf32, #tpu.memory_space<vmem_shared>>
        tpu.enqueue_dma source(%arg10 : memref<128x128xf32, #tpu.memory_space<vmem>>) target(%dma_start3A_139 : memref<128x128xf32, #tpu.memory_space<vmem_shared>>) target_semaphore(%run_scoped3A_136 : memref<!tpu.dma_semaphore, #tpu.memory_space<semaphore_mem>>)
        %dma_wait3A = arith.constant 0 : i32
        %dma_wait3A_140 = tpu.memref_slice %arg13[%add3A_131, %dma_wait3A] : memref<10000x128xf32, #tpu.memory_space<vmem_shared>> -> memref<128x128xf32, #tpu.memory_space<vmem_shared>>
        %dma_wait3A_141 = arith.constant 0 : i32
        %dma_wait3A_142 = tpu.memref_slice %arg13[%add3A_131, %dma_wait3A_141] : memref<10000x128xf32, #tpu.memory_space<vmem_shared>> -> memref<128x128xf32, #tpu.memory_space<vmem_shared>>
        tpu.wait_dma2 semaphore(%run_scoped3A_136 : memref<!tpu.dma_semaphore, #tpu.memory_space<semaphore_mem>>) src(%arg10 : memref<128x128xf32, #tpu.memory_space<vmem>>) dst(%dma_wait3A_142 : memref<128x128xf32, #tpu.memory_space<vmem_shared>>)
        tpu.yield
      }) : () -> ()
      %mul3A_132 = arith.constant 640 : i32
      %mul3A_133 = arith.muli %arg1, %mul3A_132 : i32
      %add3A_134 = arith.constant 512 : i32
      %add3A_135 = arith.addi %mul3A_133, %add3A_134 : i32
      "tpu.region"() ({
        %run_scoped3A_136 = tpu.sem_alloc : memref<!tpu.dma_semaphore, #tpu.memory_space<semaphore_mem>>
        %dma_start3A = arith.constant 0 : i32
        %dma_start3A_137 = tpu.memref_slice %arg13[%add3A_135, %dma_start3A] : memref<10000x128xf32, #tpu.memory_space<vmem_shared>> -> memref<128x128xf32, #tpu.memory_space<vmem_shared>>
        %dma_start3A_138 = arith.constant 0 : i32
        %dma_start3A_139 = tpu.memref_slice %arg13[%add3A_135, %dma_start3A_138] : memref<10000x128xf32, #tpu.memory_space<vmem_shared>> -> memref<128x128xf32, #tpu.memory_space<vmem_shared>>
        tpu.enqueue_dma source(%arg10 : memref<128x128xf32, #tpu.memory_space<vmem>>) target(%dma_start3A_139 : memref<128x128xf32, #tpu.memory_space<vmem_shared>>) target_semaphore(%run_scoped3A_136 : memref<!tpu.dma_semaphore, #tpu.memory_space<semaphore_mem>>)
        %dma_wait3A = arith.constant 0 : i32
        %dma_wait3A_140 = tpu.memref_slice %arg13[%add3A_135, %dma_wait3A] : memref<10000x128xf32, #tpu.memory_space<vmem_shared>> -> memref<128x128xf32, #tpu.memory_space<vmem_shared>>
        %dma_wait3A_141 = arith.constant 0 : i32
        %dma_wait3A_142 = tpu.memref_slice %arg13[%add3A_135, %dma_wait3A_141] : memref<10000x128xf32, #tpu.memory_space<vmem_shared>> -> memref<128x128xf32, #tpu.memory_space<vmem_shared>>
        tpu.wait_dma2 semaphore(%run_scoped3A_136 : memref<!tpu.dma_semaphore, #tpu.memory_space<semaphore_mem>>) src(%arg10 : memref<128x128xf32, #tpu.memory_space<vmem>>) dst(%dma_wait3A_142 : memref<128x128xf32, #tpu.memory_space<vmem_shared>>)
        tpu.yield
      }) : () -> ()
    } else {
    }
    %eq3A = arith.constant 15 : i32
    %eq3A_13 = arith.cmpi eq, %arg1, %eq3A : i32
    %convert_element_type3A_14 = arith.extui %eq3A_13 : i1 to i32
    %cond3A_15 = arith.constant 0 : i32
    %cond3A_16 = arith.cmpi ne, %convert_element_type3A_14, %cond3A_15 : i32
    scf.if %cond3A_16 {
      "tpu.region"() ({
        %run_scoped3A_116 = tpu.sem_alloc : memref<!tpu.dma_semaphore, #tpu.memory_space<semaphore_mem>>
        %dma_start3A = arith.constant 9600 : i32
        %dma_start3A_117 = arith.constant 0 : i32
        %dma_start3A_118 = tpu.memref_slice %arg13[%dma_start3A, %dma_start3A_117] : memref<10000x128xf32, #tpu.memory_space<vmem_shared>> -> memref<128x128xf32, #tpu.memory_space<vmem_shared>>
        %dma_start3A_119 = arith.constant 9600 : i32
        %dma_start3A_120 = arith.constant 0 : i32
        %dma_start3A_121 = tpu.memref_slice %arg13[%dma_start3A_119, %dma_start3A_120] : memref<10000x128xf32, #tpu.memory_space<vmem_shared>> -> memref<128x128xf32, #tpu.memory_space<vmem_shared>>
        tpu.enqueue_dma source(%arg10 : memref<128x128xf32, #tpu.memory_space<vmem>>) target(%dma_start3A_121 : memref<128x128xf32, #tpu.memory_space<vmem_shared>>) target_semaphore(%run_scoped3A_116 : memref<!tpu.dma_semaphore, #tpu.memory_space<semaphore_mem>>)
        %dma_wait3A = arith.constant 9600 : i32
        %dma_wait3A_122 = arith.constant 0 : i32
        %dma_wait3A_123 = tpu.memref_slice %arg13[%dma_wait3A, %dma_wait3A_122] : memref<10000x128xf32, #tpu.memory_space<vmem_shared>> -> memref<128x128xf32, #tpu.memory_space<vmem_shared>>
        %dma_wait3A_124 = arith.constant 9600 : i32
        %dma_wait3A_125 = arith.constant 0 : i32
        %dma_wait3A_126 = tpu.memref_slice %arg13[%dma_wait3A_124, %dma_wait3A_125] : memref<10000x128xf32, #tpu.memory_space<vmem_shared>> -> memref<128x128xf32, #tpu.memory_space<vmem_shared>>
        tpu.wait_dma2 semaphore(%run_scoped3A_116 : memref<!tpu.dma_semaphore, #tpu.memory_space<semaphore_mem>>) src(%arg10 : memref<128x128xf32, #tpu.memory_space<vmem>>) dst(%dma_wait3A_126 : memref<128x128xf32, #tpu.memory_space<vmem_shared>>)
        tpu.yield
      }) : () -> ()
      "tpu.region"() ({
        %run_scoped3A_116 = tpu.sem_alloc : memref<!tpu.dma_semaphore, #tpu.memory_space<semaphore_mem>>
        %dma_start3A = arith.constant 9728 : i32
        %dma_start3A_117 = arith.constant 0 : i32
        %dma_start3A_118 = tpu.memref_slice %arg13[%dma_start3A, %dma_start3A_117] : memref<10000x128xf32, #tpu.memory_space<vmem_shared>> -> memref<128x128xf32, #tpu.memory_space<vmem_shared>>
        %dma_start3A_119 = arith.constant 9728 : i32
        %dma_start3A_120 = arith.constant 0 : i32
        %dma_start3A_121 = tpu.memref_slice %arg13[%dma_start3A_119, %dma_start3A_120] : memref<10000x128xf32, #tpu.memory_space<vmem_shared>> -> memref<128x128xf32, #tpu.memory_space<vmem_shared>>
        tpu.enqueue_dma source(%arg10 : memref<128x128xf32, #tpu.memory_space<vmem>>) target(%dma_start3A_121 : memref<128x128xf32, #tpu.memory_space<vmem_shared>>) target_semaphore(%run_scoped3A_116 : memref<!tpu.dma_semaphore, #tpu.memory_space<semaphore_mem>>)
        %dma_wait3A = arith.constant 9728 : i32
        %dma_wait3A_122 = arith.constant 0 : i32
        %dma_wait3A_123 = tpu.memref_slice %arg13[%dma_wait3A, %dma_wait3A_122] : memref<10000x128xf32, #tpu.memory_space<vmem_shared>> -> memref<128x128xf32, #tpu.memory_space<vmem_shared>>
        %dma_wait3A_124 = arith.constant 9728 : i32
        %dma_wait3A_125 = arith.constant 0 : i32
        %dma_wait3A_126 = tpu.memref_slice %arg13[%dma_wait3A_124, %dma_wait3A_125] : memref<10000x128xf32, #tpu.memory_space<vmem_shared>> -> memref<128x128xf32, #tpu.memory_space<vmem_shared>>
        tpu.wait_dma2 semaphore(%run_scoped3A_116 : memref<!tpu.dma_semaphore, #tpu.memory_space<semaphore_mem>>) src(%arg10 : memref<128x128xf32, #tpu.memory_space<vmem>>) dst(%dma_wait3A_126 : memref<128x128xf32, #tpu.memory_space<vmem_shared>>)
        tpu.yield
      }) : () -> ()
      "tpu.region"() ({
        %run_scoped3A_116 = tpu.sem_alloc : memref<!tpu.dma_semaphore, #tpu.memory_space<semaphore_mem>>
        %dma_start3A = arith.constant 9856 : i32
        %dma_start3A_117 = arith.constant 0 : i32
        %dma_start3A_118 = tpu.memref_slice %arg13[%dma_start3A, %dma_start3A_117] : memref<10000x128xf32, #tpu.memory_space<vmem_shared>> -> memref<128x128xf32, #tpu.memory_space<vmem_shared>>
        %dma_start3A_119 = arith.constant 9856 : i32
        %dma_start3A_120 = arith.constant 0 : i32
        %dma_start3A_121 = tpu.memref_slice %arg13[%dma_start3A_119, %dma_start3A_120] : memref<10000x128xf32, #tpu.memory_space<vmem_shared>> -> memref<128x128xf32, #tpu.memory_space<vmem_shared>>
        tpu.enqueue_dma source(%arg10 : memref<128x128xf32, #tpu.memory_space<vmem>>) target(%dma_start3A_121 : memref<128x128xf32, #tpu.memory_space<vmem_shared>>) target_semaphore(%run_scoped3A_116 : memref<!tpu.dma_semaphore, #tpu.memory_space<semaphore_mem>>)
        %dma_wait3A = arith.constant 9856 : i32
        %dma_wait3A_122 = arith.constant 0 : i32
        %dma_wait3A_123 = tpu.memref_slice %arg13[%dma_wait3A, %dma_wait3A_122] : memref<10000x128xf32, #tpu.memory_space<vmem_shared>> -> memref<128x128xf32, #tpu.memory_space<vmem_shared>>
        %dma_wait3A_124 = arith.constant 9856 : i32
        %dma_wait3A_125 = arith.constant 0 : i32
        %dma_wait3A_126 = tpu.memref_slice %arg13[%dma_wait3A_124, %dma_wait3A_125] : memref<10000x128xf32, #tpu.memory_space<vmem_shared>> -> memref<128x128xf32, #tpu.memory_space<vmem_shared>>
        tpu.wait_dma2 semaphore(%run_scoped3A_116 : memref<!tpu.dma_semaphore, #tpu.memory_space<semaphore_mem>>) src(%arg10 : memref<128x128xf32, #tpu.memory_space<vmem>>) dst(%dma_wait3A_126 : memref<128x128xf32, #tpu.memory_space<vmem_shared>>)
        tpu.yield
      }) : () -> ()
      "tpu.region"() ({
        %run_scoped3A_116 = tpu.sem_alloc : memref<!tpu.dma_semaphore, #tpu.memory_space<semaphore_mem>>
        %dma_start3A = arith.constant 0 : i32
        %dma_start3A_117 = arith.constant 0 : i32
        %dma_start3A_118 = tpu.memref_slice %arg10[%dma_start3A, %dma_start3A_117] : memref<128x128xf32, #tpu.memory_space<vmem>> -> memref<16x128xf32, #tpu.memory_space<vmem>>
        %dma_start3A_119 = arith.constant 9984 : i32
        %dma_start3A_120 = arith.constant 0 : i32
        %dma_start3A_121 = tpu.memref_slice %arg13[%dma_start3A_119, %dma_start3A_120] : memref<10000x128xf32, #tpu.memory_space<vmem_shared>> -> memref<16x128xf32, #tpu.memory_space<vmem_shared>>
        %dma_start3A_122 = arith.constant 9984 : i32
        %dma_start3A_123 = arith.constant 0 : i32
        %dma_start3A_124 = tpu.memref_slice %arg13[%dma_start3A_122, %dma_start3A_123] : memref<10000x128xf32, #tpu.memory_space<vmem_shared>> -> memref<16x128xf32, #tpu.memory_space<vmem_shared>>
        %dma_start3A_125 = arith.constant 0 : i32
        %dma_start3A_126 = arith.constant 0 : i32
        %dma_start3A_127 = tpu.memref_slice %arg10[%dma_start3A_125, %dma_start3A_126] : memref<128x128xf32, #tpu.memory_space<vmem>> -> memref<16x128xf32, #tpu.memory_space<vmem>>
        tpu.enqueue_dma source(%dma_start3A_127 : memref<16x128xf32, #tpu.memory_space<vmem>>) target(%dma_start3A_124 : memref<16x128xf32, #tpu.memory_space<vmem_shared>>) target_semaphore(%run_scoped3A_116 : memref<!tpu.dma_semaphore, #tpu.memory_space<semaphore_mem>>)
        %dma_wait3A = arith.constant 0 : i32
        %dma_wait3A_128 = arith.constant 0 : i32
        %dma_wait3A_129 = tpu.memref_slice %arg10[%dma_wait3A, %dma_wait3A_128] : memref<128x128xf32, #tpu.memory_space<vmem>> -> memref<16x128xf32, #tpu.memory_space<vmem>>
        %dma_wait3A_130 = arith.constant 9984 : i32
        %dma_wait3A_131 = arith.constant 0 : i32
        %dma_wait3A_132 = tpu.memref_slice %arg13[%dma_wait3A_130, %dma_wait3A_131] : memref<10000x128xf32, #tpu.memory_space<vmem_shared>> -> memref<16x128xf32, #tpu.memory_space<vmem_shared>>
        %dma_wait3A_133 = arith.constant 9984 : i32
        %dma_wait3A_134 = arith.constant 0 : i32
        %dma_wait3A_135 = tpu.memref_slice %arg13[%dma_wait3A_133, %dma_wait3A_134] : memref<10000x128xf32, #tpu.memory_space<vmem_shared>> -> memref<16x128xf32, #tpu.memory_space<vmem_shared>>
        %dma_wait3A_136 = arith.constant 0 : i32
        %dma_wait3A_137 = arith.constant 0 : i32
        %dma_wait3A_138 = tpu.memref_slice %arg10[%dma_wait3A_136, %dma_wait3A_137] : memref<128x128xf32, #tpu.memory_space<vmem>> -> memref<16x128xf32, #tpu.memory_space<vmem>>
        tpu.wait_dma2 semaphore(%run_scoped3A_116 : memref<!tpu.dma_semaphore, #tpu.memory_space<semaphore_mem>>) src(%dma_wait3A_138 : memref<16x128xf32, #tpu.memory_space<vmem>>) dst(%dma_wait3A_135 : memref<16x128xf32, #tpu.memory_space<vmem_shared>>)
        tpu.yield
      }) : () -> ()
    } else {
    }
    %while3A_17 = arith.constant 0 : i32
    %while3A_18 = arith.constant 0 : i32
    %while3A_19 = arith.constant 625 : i32
    %while3A_20 = arith.subi %while3A_19, %while3A_18 : i32
    %while3A_21 = arith.addi %while3A_18, %while3A_20 : i32
    %while3A_22 = arith.constant 1 : i32
    %while3A_23 = arith.divsi %while3A_20, %while3A_22 : i32
    %while3A_24 = arith.muli %while3A_23, %while3A_22 : i32
    %while3A_25 = arith.addi %while3A_18, %while3A_24 : i32
    %while3A_26 = arith.constant 1 : i32
    scf.for %while3A_116 = %while3A_18 to %while3A_25 step %while3A_26  : i32 {
      %mul3A_117 = arith.constant 16 : i32
      %mul3A_118 = arith.muli %while3A_116, %mul3A_117 : i32
      %multiple_of3A = tpu.assume_multiple %mul3A_118, 16 : i32
      %swap3A = arith.index_cast %multiple_of3A : i32 to index
      %swap3A_119 = tpu.vector_load %arg12[%swap3A] {strides = array<i32>} : memref<10000xf32, #tpu.memory_space<vmem>>, vector<16xf32>,
      tpu.vector_store %arg12[%swap3A], %broadcast_in_dim3A_0 {strides = array<i32>} : memref<10000xf32, #tpu.memory_space<vmem>>, vector<16xf32>,
    }
    %while3A_27 = arith.constant 1 : i32
    scf.for %while3A_116 = %while3A_25 to %while3A_21 step %while3A_27  : i32 {
      %mul3A_117 = arith.constant 16 : i32
      %mul3A_118 = arith.muli %while3A_116, %mul3A_117 : i32
      %multiple_of3A = tpu.assume_multiple %mul3A_118, 16 : i32
      %swap3A = arith.index_cast %multiple_of3A : i32 to index
      %swap3A_119 = tpu.vector_load %arg12[%swap3A] {strides = array<i32>} : memref<10000xf32, #tpu.memory_space<vmem>>, vector<16xf32>,
      tpu.vector_store %arg12[%swap3A], %broadcast_in_dim3A_0 {strides = array<i32>} : memref<10000xf32, #tpu.memory_space<vmem>>, vector<16xf32>,
    }
    %barrier3A = arith.constant 0 : index
    tpu.barrier barrier_id(%barrier3A)
    %broadcast_in_dim3A_28 = arith.constant 1.000000e+00 : f32
    %broadcast_in_dim3A_29 = vector.broadcast %broadcast_in_dim3A_28 : f32 to vector<16xf32>
    %add3A = arith.constant 0 : i32
    %add3A_30 = arith.addi %arg1, %add3A : i32
    %lt3A_31 = arith.constant 1250 : i32
    %lt3A_32 = arith.cmpi slt, %add3A_30, %lt3A_31 : i32
    %convert_element_type3A_33 = arith.extui %lt3A_32 : i1 to i32
    %cond3A_34 = arith.constant 0 : i32
    %cond3A_35 = arith.cmpi ne, %convert_element_type3A_33, %cond3A_34 : i32
    scf.if %cond3A_35 {
      %mul3A_116 = arith.constant 128 : i32
      %mul3A_117 = arith.muli %add3A_30, %mul3A_116 : i32
      %multiple_of3A = tpu.assume_multiple %mul3A_117, 128 : i32
      %dma_start3A = arith.constant 0 : i32
      %dma_start3A_118 = tpu.memref_slice %arg3[%dma_start3A, %multiple_of3A] : memref<2x160000xi32, #tpu.memory_space<hbm>> -> memref<2x128xi32, #tpu.memory_space<hbm>>
      %dma_start3A_119 = arith.constant 0 : i32
      %dma_start3A_120 = tpu.memref_slice %arg3[%dma_start3A_119, %multiple_of3A] : memref<2x160000xi32, #tpu.memory_space<hbm>> -> memref<2x128xi32, #tpu.memory_space<hbm>>
      tpu.enqueue_dma source(%dma_start3A_120 : memref<2x128xi32, #tpu.memory_space<hbm>>) target(%arg6 : memref<2x128xi32, #tpu.memory_space<vmem>>) target_semaphore(%arg16 : memref<!tpu.dma_semaphore, #tpu.memory_space<semaphore_mem>>)
    } else {
    }
    %add3A_36 = arith.constant 16 : i32
    %add3A_37 = arith.addi %arg1, %add3A_36 : i32
    %lt3A_38 = arith.constant 1250 : i32
    %lt3A_39 = arith.cmpi slt, %add3A_37, %lt3A_38 : i32
    %convert_element_type3A_40 = arith.extui %lt3A_39 : i1 to i32
    %cond3A_41 = arith.constant 0 : i32
    %cond3A_42 = arith.cmpi ne, %convert_element_type3A_40, %cond3A_41 : i32
    scf.if %cond3A_42 {
      %mul3A_116 = arith.constant 128 : i32
      %mul3A_117 = arith.muli %add3A_37, %mul3A_116 : i32
      %multiple_of3A = tpu.assume_multiple %mul3A_117, 128 : i32
      %dma_start3A = arith.constant 0 : i32
      %dma_start3A_118 = tpu.memref_slice %arg3[%dma_start3A, %multiple_of3A] : memref<2x160000xi32, #tpu.memory_space<hbm>> -> memref<2x128xi32, #tpu.memory_space<hbm>>
      %dma_start3A_119 = arith.constant 0 : i32
      %dma_start3A_120 = tpu.memref_slice %arg3[%dma_start3A_119, %multiple_of3A] : memref<2x160000xi32, #tpu.memory_space<hbm>> -> memref<2x128xi32, #tpu.memory_space<hbm>>
      tpu.enqueue_dma source(%dma_start3A_120 : memref<2x128xi32, #tpu.memory_space<hbm>>) target(%arg7 : memref<2x128xi32, #tpu.memory_space<vmem>>) target_semaphore(%arg17 : memref<!tpu.dma_semaphore, #tpu.memory_space<semaphore_mem>>)
    } else {
    }
    %add3A_43 = arith.constant 0 : i32
    %add3A_44 = arith.addi %arg1, %add3A_43 : i32
    %lt3A_45 = arith.constant 1250 : i32
    %lt3A_46 = arith.cmpi slt, %add3A_44, %lt3A_45 : i32
    %convert_element_type3A_47 = arith.extui %lt3A_46 : i1 to i32
    %cond3A_48 = arith.constant 0 : i32
    %cond3A_49 = arith.cmpi ne, %convert_element_type3A_47, %cond3A_48 : i32
    scf.if %cond3A_49 {
      %mul3A_116 = arith.constant 128 : i32
      %mul3A_117 = arith.muli %add3A_44, %mul3A_116 : i32
      %multiple_of3A = tpu.assume_multiple %mul3A_117, 128 : i32
      %dma_wait3A = arith.constant 0 : i32
      %dma_wait3A_118 = tpu.memref_slice %arg3[%dma_wait3A, %multiple_of3A] : memref<2x160000xi32, #tpu.memory_space<hbm>> -> memref<2x128xi32, #tpu.memory_space<hbm>>
      %dma_wait3A_119 = arith.constant 0 : i32
      %dma_wait3A_120 = tpu.memref_slice %arg3[%dma_wait3A_119, %multiple_of3A] : memref<2x160000xi32, #tpu.memory_space<hbm>> -> memref<2x128xi32, #tpu.memory_space<hbm>>
      tpu.wait_dma2 semaphore(%arg16 : memref<!tpu.dma_semaphore, #tpu.memory_space<semaphore_mem>>) src(%dma_wait3A_120 : memref<2x128xi32, #tpu.memory_space<hbm>>) dst(%arg6 : memref<2x128xi32, #tpu.memory_space<vmem>>)
      %get3A = arith.constant 0 : i64
      %get3A_121 = arith.index_cast %get3A : i64 to index
      %get3A_122 = arith.constant 0 : index
      %get3A_123 = tpu.vector_load %arg6[%get3A_121, %get3A_122] {strides = array<i32>} : memref<2x128xi32, #tpu.memory_space<vmem>>, vector<16xi32>,
      %mul3A_124 = arith.constant 2 : i32
      %mul3A_125 = vector.broadcast %mul3A_124 : i32 to vector<16xi32>
      %mul3A_126 = arith.muli %get3A_123, %mul3A_125 : vector<16xi32>
      %add3A_127 = vector.broadcast %arg0 : i32 to vector<16xi32>
      %add3A_128 = arith.addi %mul3A_126, %add3A_127 : vector<16xi32>
      %swap3A = arith.constant 0 : i64
      %swap3A_129 = arith.index_cast %swap3A : i64 to index
      %swap3A_130 = arith.constant 0 : index
      %swap3A_131 = tpu.vector_load %arg6[%swap3A_129, %swap3A_130] {strides = array<i32>} : memref<2x128xi32, #tpu.memory_space<vmem>>, vector<16xi32>,
      tpu.vector_store %arg6[%swap3A_129, %swap3A_130], %add3A_128 {strides = array<i32>} : memref<2x128xi32, #tpu.memory_space<vmem>>, vector<16xi32>,
      %get3A_132 = arith.constant 0 : i64
      %get3A_133 = arith.index_cast %get3A_132 : i64 to index
      %get3A_134 = arith.constant 16 : index
      %get3A_135 = tpu.vector_load %arg6[%get3A_133, %get3A_134] {strides = array<i32>} : memref<2x128xi32, #tpu.memory_space<vmem>>, vector<16xi32>,
      %mul3A_136 = arith.constant 2 : i32
      %mul3A_137 = vector.broadcast %mul3A_136 : i32 to vector<16xi32>
      %mul3A_138 = arith.muli %get3A_135, %mul3A_137 : vector<16xi32>
      %add3A_139 = vector.broadcast %arg0 : i32 to vector<16xi32>
      %add3A_140 = arith.addi %mul3A_138, %add3A_139 : vector<16xi32>
      %swap3A_141 = arith.constant 0 : i64
      %swap3A_142 = arith.index_cast %swap3A_141 : i64 to index
      %swap3A_143 = arith.constant 16 : index
      %swap3A_144 = tpu.vector_load %arg6[%swap3A_142, %swap3A_143] {strides = array<i32>} : memref<2x128xi32, #tpu.memory_space<vmem>>, vector<16xi32>,
      tpu.vector_store %arg6[%swap3A_142, %swap3A_143], %add3A_140 {strides = array<i32>} : memref<2x128xi32, #tpu.memory_space<vmem>>, vector<16xi32>,
      %get3A_145 = arith.constant 0 : i64
      %get3A_146 = arith.index_cast %get3A_145 : i64 to index
      %get3A_147 = arith.constant 32 : index
      %get3A_148 = tpu.vector_load %arg6[%get3A_146, %get3A_147] {strides = array<i32>} : memref<2x128xi32, #tpu.memory_space<vmem>>, vector<16xi32>,
      %mul3A_149 = arith.constant 2 : i32
      %mul3A_150 = vector.broadcast %mul3A_149 : i32 to vector<16xi32>
      %mul3A_151 = arith.muli %get3A_148, %mul3A_150 : vector<16xi32>
      %add3A_152 = vector.broadcast %arg0 : i32 to vector<16xi32>
      %add3A_153 = arith.addi %mul3A_151, %add3A_152 : vector<16xi32>
      %swap3A_154 = arith.constant 0 : i64
      %swap3A_155 = arith.index_cast %swap3A_154 : i64 to index
      %swap3A_156 = arith.constant 32 : index
      %swap3A_157 = tpu.vector_load %arg6[%swap3A_155, %swap3A_156] {strides = array<i32>} : memref<2x128xi32, #tpu.memory_space<vmem>>, vector<16xi32>,
      tpu.vector_store %arg6[%swap3A_155, %swap3A_156], %add3A_153 {strides = array<i32>} : memref<2x128xi32, #tpu.memory_space<vmem>>, vector<16xi32>,
      %get3A_158 = arith.constant 0 : i64
      %get3A_159 = arith.index_cast %get3A_158 : i64 to index
      %get3A_160 = arith.constant 48 : index
      %get3A_161 = tpu.vector_load %arg6[%get3A_159, %get3A_160] {strides = array<i32>} : memref<2x128xi32, #tpu.memory_space<vmem>>, vector<16xi32>,
      %mul3A_162 = arith.constant 2 : i32
      %mul3A_163 = vector.broadcast %mul3A_162 : i32 to vector<16xi32>
      %mul3A_164 = arith.muli %get3A_161, %mul3A_163 : vector<16xi32>
      %add3A_165 = vector.broadcast %arg0 : i32 to vector<16xi32>
      %add3A_166 = arith.addi %mul3A_164, %add3A_165 : vector<16xi32>
      %swap3A_167 = arith.constant 0 : i64
      %swap3A_168 = arith.index_cast %swap3A_167 : i64 to index
      %swap3A_169 = arith.constant 48 : index
      %swap3A_170 = tpu.vector_load %arg6[%swap3A_168, %swap3A_169] {strides = array<i32>} : memref<2x128xi32, #tpu.memory_space<vmem>>, vector<16xi32>,
      tpu.vector_store %arg6[%swap3A_168, %swap3A_169], %add3A_166 {strides = array<i32>} : memref<2x128xi32, #tpu.memory_space<vmem>>, vector<16xi32>,
      %get3A_171 = arith.constant 0 : i64
      %get3A_172 = arith.index_cast %get3A_171 : i64 to index
      %get3A_173 = arith.constant 64 : index
      %get3A_174 = tpu.vector_load %arg6[%get3A_172, %get3A_173] {strides = array<i32>} : memref<2x128xi32, #tpu.memory_space<vmem>>, vector<16xi32>,
      %mul3A_175 = arith.constant 2 : i32
      %mul3A_176 = vector.broadcast %mul3A_175 : i32 to vector<16xi32>
      %mul3A_177 = arith.muli %get3A_174, %mul3A_176 : vector<16xi32>
      %add3A_178 = vector.broadcast %arg0 : i32 to vector<16xi32>
      %add3A_179 = arith.addi %mul3A_177, %add3A_178 : vector<16xi32>
      %swap3A_180 = arith.constant 0 : i64
      %swap3A_181 = arith.index_cast %swap3A_180 : i64 to index
      %swap3A_182 = arith.constant 64 : index
      %swap3A_183 = tpu.vector_load %arg6[%swap3A_181, %swap3A_182] {strides = array<i32>} : memref<2x128xi32, #tpu.memory_space<vmem>>, vector<16xi32>,
      tpu.vector_store %arg6[%swap3A_181, %swap3A_182], %add3A_179 {strides = array<i32>} : memref<2x128xi32, #tpu.memory_space<vmem>>, vector<16xi32>,
      %get3A_184 = arith.constant 0 : i64
      %get3A_185 = arith.index_cast %get3A_184 : i64 to index
      %get3A_186 = arith.constant 80 : index
      %get3A_187 = tpu.vector_load %arg6[%get3A_185, %get3A_186] {strides = array<i32>} : memref<2x128xi32, #tpu.memory_space<vmem>>, vector<16xi32>,
      %mul3A_188 = arith.constant 2 : i32
      %mul3A_189 = vector.broadcast %mul3A_188 : i32 to vector<16xi32>
      %mul3A_190 = arith.muli %get3A_187, %mul3A_189 : vector<16xi32>
      %add3A_191 = vector.broadcast %arg0 : i32 to vector<16xi32>
      %add3A_192 = arith.addi %mul3A_190, %add3A_191 : vector<16xi32>
      %swap3A_193 = arith.constant 0 : i64
      %swap3A_194 = arith.index_cast %swap3A_193 : i64 to index
      %swap3A_195 = arith.constant 80 : index
      %swap3A_196 = tpu.vector_load %arg6[%swap3A_194, %swap3A_195] {strides = array<i32>} : memref<2x128xi32, #tpu.memory_space<vmem>>, vector<16xi32>,
      tpu.vector_store %arg6[%swap3A_194, %swap3A_195], %add3A_192 {strides = array<i32>} : memref<2x128xi32, #tpu.memory_space<vmem>>, vector<16xi32>,
      %get3A_197 = arith.constant 0 : i64
      %get3A_198 = arith.index_cast %get3A_197 : i64 to index
      %get3A_199 = arith.constant 96 : index
      %get3A_200 = tpu.vector_load %arg6[%get3A_198, %get3A_199] {strides = array<i32>} : memref<2x128xi32, #tpu.memory_space<vmem>>, vector<16xi32>,
      %mul3A_201 = arith.constant 2 : i32
      %mul3A_202 = vector.broadcast %mul3A_201 : i32 to vector<16xi32>
      %mul3A_203 = arith.muli %get3A_200, %mul3A_202 : vector<16xi32>
      %add3A_204 = vector.broadcast %arg0 : i32 to vector<16xi32>
      %add3A_205 = arith.addi %mul3A_203, %add3A_204 : vector<16xi32>
      %swap3A_206 = arith.constant 0 : i64
      %swap3A_207 = arith.index_cast %swap3A_206 : i64 to index
      %swap3A_208 = arith.constant 96 : index
      %swap3A_209 = tpu.vector_load %arg6[%swap3A_207, %swap3A_208] {strides = array<i32>} : memref<2x128xi32, #tpu.memory_space<vmem>>, vector<16xi32>,
      tpu.vector_store %arg6[%swap3A_207, %swap3A_208], %add3A_205 {strides = array<i32>} : memref<2x128xi32, #tpu.memory_space<vmem>>, vector<16xi32>,
      %get3A_210 = arith.constant 0 : i64
      %get3A_211 = arith.index_cast %get3A_210 : i64 to index
      %get3A_212 = arith.constant 112 : index
      %get3A_213 = tpu.vector_load %arg6[%get3A_211, %get3A_212] {strides = array<i32>} : memref<2x128xi32, #tpu.memory_space<vmem>>, vector<16xi32>,
      %mul3A_214 = arith.constant 2 : i32
      %mul3A_215 = vector.broadcast %mul3A_214 : i32 to vector<16xi32>
      %mul3A_216 = arith.muli %get3A_213, %mul3A_215 : vector<16xi32>
      %add3A_217 = vector.broadcast %arg0 : i32 to vector<16xi32>
      %add3A_218 = arith.addi %mul3A_216, %add3A_217 : vector<16xi32>
      %swap3A_219 = arith.constant 0 : i64
      %swap3A_220 = arith.index_cast %swap3A_219 : i64 to index
      %swap3A_221 = arith.constant 112 : index
      %swap3A_222 = tpu.vector_load %arg6[%swap3A_220, %swap3A_221] {strides = array<i32>} : memref<2x128xi32, #tpu.memory_space<vmem>>, vector<16xi32>,
      tpu.vector_store %arg6[%swap3A_220, %swap3A_221], %add3A_218 {strides = array<i32>} : memref<2x128xi32, #tpu.memory_space<vmem>>, vector<16xi32>,
      %dma_start3A = arith.constant 0 : i32
      %dma_start3A_223 = arith.constant 0 : i32
      %dma_start3A_224 = tpu.memref_slice %arg6[%dma_start3A, %dma_start3A_223] : memref<2x128xi32, #tpu.memory_space<vmem>> -> memref<1x128xi32, #tpu.memory_space<vmem>>
      %dma_start3A_225 = tpu.memref_squeeze %dma_start3A_224 : memref<1x128xi32, #tpu.memory_space<vmem>> -> memref<128xi32, #tpu.memory_space<vmem>>
      %dma_start3A_226 = arith.constant 0 : i32
      %dma_start3A_227 = arith.constant 0 : i32
      %dma_start3A_228 = tpu.memref_slice %arg2[%dma_start3A_226, %dma_start3A_227] : memref<20000x128xf32, #tpu.memory_space<hbm>> -> memref<20000x128xf32, #tpu.memory_space<hbm>>
      tpu.enqueue_indirect_dma source(%dma_start3A_228 : memref<20000x128xf32, #tpu.memory_space<hbm>>) target(%arg10 : memref<128x128xf32, #tpu.memory_space<vmem>>) offsets(%dma_start3A_225 : memref<128xi32, #tpu.memory_space<vmem>>) semaphore(%arg14 : memref<!tpu.dma_semaphore, #tpu.memory_space<semaphore_mem>>)
    } else {
    }
    %add3A_50 = arith.constant 32 : i32
    %add3A_51 = arith.addi %arg1, %add3A_50 : i32
    %lt3A_52 = arith.constant 1250 : i32
    %lt3A_53 = arith.cmpi slt, %add3A_51, %lt3A_52 : i32
    %convert_element_type3A_54 = arith.extui %lt3A_53 : i1 to i32
    %cond3A_55 = arith.constant 0 : i32
    %cond3A_56 = arith.cmpi ne, %convert_element_type3A_54, %cond3A_55 : i32
    scf.if %cond3A_56 {
      %mul3A_116 = arith.constant 128 : i32
      %mul3A_117 = arith.muli %add3A_51, %mul3A_116 : i32
      %multiple_of3A = tpu.assume_multiple %mul3A_117, 128 : i32
      %dma_start3A = arith.constant 0 : i32
      %dma_start3A_118 = tpu.memref_slice %arg3[%dma_start3A, %multiple_of3A] : memref<2x160000xi32, #tpu.memory_space<hbm>> -> memref<2x128xi32, #tpu.memory_space<hbm>>
      %dma_start3A_119 = arith.constant 0 : i32
      %dma_start3A_120 = tpu.memref_slice %arg3[%dma_start3A_119, %multiple_of3A] : memref<2x160000xi32, #tpu.memory_space<hbm>> -> memref<2x128xi32, #tpu.memory_space<hbm>>
      tpu.enqueue_dma source(%dma_start3A_120 : memref<2x128xi32, #tpu.memory_space<hbm>>) target(%arg8 : memref<2x128xi32, #tpu.memory_space<vmem>>) target_semaphore(%arg18 : memref<!tpu.dma_semaphore, #tpu.memory_space<semaphore_mem>>)
    } else {
    }
    %add3A_57 = arith.constant 16 : i32
    %add3A_58 = arith.addi %arg1, %add3A_57 : i32
    %lt3A_59 = arith.constant 1250 : i32
    %lt3A_60 = arith.cmpi slt, %add3A_58, %lt3A_59 : i32
    %convert_element_type3A_61 = arith.extui %lt3A_60 : i1 to i32
    %cond3A_62 = arith.constant 0 : i32
    %cond3A_63 = arith.cmpi ne, %convert_element_type3A_61, %cond3A_62 : i32
    scf.if %cond3A_63 {
      %mul3A_116 = arith.constant 128 : i32
      %mul3A_117 = arith.muli %add3A_58, %mul3A_116 : i32
      %multiple_of3A = tpu.assume_multiple %mul3A_117, 128 : i32
      %dma_wait3A = arith.constant 0 : i32
      %dma_wait3A_118 = tpu.memref_slice %arg3[%dma_wait3A, %multiple_of3A] : memref<2x160000xi32, #tpu.memory_space<hbm>> -> memref<2x128xi32, #tpu.memory_space<hbm>>
      %dma_wait3A_119 = arith.constant 0 : i32
      %dma_wait3A_120 = tpu.memref_slice %arg3[%dma_wait3A_119, %multiple_of3A] : memref<2x160000xi32, #tpu.memory_space<hbm>> -> memref<2x128xi32, #tpu.memory_space<hbm>>
      tpu.wait_dma2 semaphore(%arg17 : memref<!tpu.dma_semaphore, #tpu.memory_space<semaphore_mem>>) src(%dma_wait3A_120 : memref<2x128xi32, #tpu.memory_space<hbm>>) dst(%arg7 : memref<2x128xi32, #tpu.memory_space<vmem>>)
      %get3A = arith.constant 0 : i64
      %get3A_121 = arith.index_cast %get3A : i64 to index
      %get3A_122 = arith.constant 0 : index
      %get3A_123 = tpu.vector_load %arg7[%get3A_121, %get3A_122] {strides = array<i32>} : memref<2x128xi32, #tpu.memory_space<vmem>>, vector<16xi32>,
      %mul3A_124 = arith.constant 2 : i32
      %mul3A_125 = vector.broadcast %mul3A_124 : i32 to vector<16xi32>
      %mul3A_126 = arith.muli %get3A_123, %mul3A_125 : vector<16xi32>
      %add3A_127 = vector.broadcast %arg0 : i32 to vector<16xi32>
      %add3A_128 = arith.addi %mul3A_126, %add3A_127 : vector<16xi32>
      %swap3A = arith.constant 0 : i64
      %swap3A_129 = arith.index_cast %swap3A : i64 to index
      %swap3A_130 = arith.constant 0 : index
      %swap3A_131 = tpu.vector_load %arg7[%swap3A_129, %swap3A_130] {strides = array<i32>} : memref<2x128xi32, #tpu.memory_space<vmem>>, vector<16xi32>,
      tpu.vector_store %arg7[%swap3A_129, %swap3A_130], %add3A_128 {strides = array<i32>} : memref<2x128xi32, #tpu.memory_space<vmem>>, vector<16xi32>,
      %get3A_132 = arith.constant 0 : i64
      %get3A_133 = arith.index_cast %get3A_132 : i64 to index
      %get3A_134 = arith.constant 16 : index
      %get3A_135 = tpu.vector_load %arg7[%get3A_133, %get3A_134] {strides = array<i32>} : memref<2x128xi32, #tpu.memory_space<vmem>>, vector<16xi32>,
      %mul3A_136 = arith.constant 2 : i32
      %mul3A_137 = vector.broadcast %mul3A_136 : i32 to vector<16xi32>
      %mul3A_138 = arith.muli %get3A_135, %mul3A_137 : vector<16xi32>
      %add3A_139 = vector.broadcast %arg0 : i32 to vector<16xi32>
      %add3A_140 = arith.addi %mul3A_138, %add3A_139 : vector<16xi32>
      %swap3A_141 = arith.constant 0 : i64
      %swap3A_142 = arith.index_cast %swap3A_141 : i64 to index
      %swap3A_143 = arith.constant 16 : index
      %swap3A_144 = tpu.vector_load %arg7[%swap3A_142, %swap3A_143] {strides = array<i32>} : memref<2x128xi32, #tpu.memory_space<vmem>>, vector<16xi32>,
      tpu.vector_store %arg7[%swap3A_142, %swap3A_143], %add3A_140 {strides = array<i32>} : memref<2x128xi32, #tpu.memory_space<vmem>>, vector<16xi32>,
      %get3A_145 = arith.constant 0 : i64
      %get3A_146 = arith.index_cast %get3A_145 : i64 to index
      %get3A_147 = arith.constant 32 : index
      %get3A_148 = tpu.vector_load %arg7[%get3A_146, %get3A_147] {strides = array<i32>} : memref<2x128xi32, #tpu.memory_space<vmem>>, vector<16xi32>,
      %mul3A_149 = arith.constant 2 : i32
      %mul3A_150 = vector.broadcast %mul3A_149 : i32 to vector<16xi32>
      %mul3A_151 = arith.muli %get3A_148, %mul3A_150 : vector<16xi32>
      %add3A_152 = vector.broadcast %arg0 : i32 to vector<16xi32>
      %add3A_153 = arith.addi %mul3A_151, %add3A_152 : vector<16xi32>
      %swap3A_154 = arith.constant 0 : i64
      %swap3A_155 = arith.index_cast %swap3A_154 : i64 to index
      %swap3A_156 = arith.constant 32 : index
      %swap3A_157 = tpu.vector_load %arg7[%swap3A_155, %swap3A_156] {strides = array<i32>} : memref<2x128xi32, #tpu.memory_space<vmem>>, vector<16xi32>,
      tpu.vector_store %arg7[%swap3A_155, %swap3A_156], %add3A_153 {strides = array<i32>} : memref<2x128xi32, #tpu.memory_space<vmem>>, vector<16xi32>,
      %get3A_158 = arith.constant 0 : i64
      %get3A_159 = arith.index_cast %get3A_158 : i64 to index
      %get3A_160 = arith.constant 48 : index
      %get3A_161 = tpu.vector_load %arg7[%get3A_159, %get3A_160] {strides = array<i32>} : memref<2x128xi32, #tpu.memory_space<vmem>>, vector<16xi32>,
      %mul3A_162 = arith.constant 2 : i32
      %mul3A_163 = vector.broadcast %mul3A_162 : i32 to vector<16xi32>
      %mul3A_164 = arith.muli %get3A_161, %mul3A_163 : vector<16xi32>
      %add3A_165 = vector.broadcast %arg0 : i32 to vector<16xi32>
      %add3A_166 = arith.addi %mul3A_164, %add3A_165 : vector<16xi32>
      %swap3A_167 = arith.constant 0 : i64
      %swap3A_168 = arith.index_cast %swap3A_167 : i64 to index
      %swap3A_169 = arith.constant 48 : index
      %swap3A_170 = tpu.vector_load %arg7[%swap3A_168, %swap3A_169] {strides = array<i32>} : memref<2x128xi32, #tpu.memory_space<vmem>>, vector<16xi32>,
      tpu.vector_store %arg7[%swap3A_168, %swap3A_169], %add3A_166 {strides = array<i32>} : memref<2x128xi32, #tpu.memory_space<vmem>>, vector<16xi32>,
      %get3A_171 = arith.constant 0 : i64
      %get3A_172 = arith.index_cast %get3A_171 : i64 to index
      %get3A_173 = arith.constant 64 : index
      %get3A_174 = tpu.vector_load %arg7[%get3A_172, %get3A_173] {strides = array<i32>} : memref<2x128xi32, #tpu.memory_space<vmem>>, vector<16xi32>,
      %mul3A_175 = arith.constant 2 : i32
      %mul3A_176 = vector.broadcast %mul3A_175 : i32 to vector<16xi32>
      %mul3A_177 = arith.muli %get3A_174, %mul3A_176 : vector<16xi32>
      %add3A_178 = vector.broadcast %arg0 : i32 to vector<16xi32>
      %add3A_179 = arith.addi %mul3A_177, %add3A_178 : vector<16xi32>
      %swap3A_180 = arith.constant 0 : i64
      %swap3A_181 = arith.index_cast %swap3A_180 : i64 to index
      %swap3A_182 = arith.constant 64 : index
      %swap3A_183 = tpu.vector_load %arg7[%swap3A_181, %swap3A_182] {strides = array<i32>} : memref<2x128xi32, #tpu.memory_space<vmem>>, vector<16xi32>,
      tpu.vector_store %arg7[%swap3A_181, %swap3A_182], %add3A_179 {strides = array<i32>} : memref<2x128xi32, #tpu.memory_space<vmem>>, vector<16xi32>,
      %get3A_184 = arith.constant 0 : i64
      %get3A_185 = arith.index_cast %get3A_184 : i64 to index
      %get3A_186 = arith.constant 80 : index
      %get3A_187 = tpu.vector_load %arg7[%get3A_185, %get3A_186] {strides = array<i32>} : memref<2x128xi32, #tpu.memory_space<vmem>>, vector<16xi32>,
      %mul3A_188 = arith.constant 2 : i32
      %mul3A_189 = vector.broadcast %mul3A_188 : i32 to vector<16xi32>
      %mul3A_190 = arith.muli %get3A_187, %mul3A_189 : vector<16xi32>
      %add3A_191 = vector.broadcast %arg0 : i32 to vector<16xi32>
      %add3A_192 = arith.addi %mul3A_190, %add3A_191 : vector<16xi32>
      %swap3A_193 = arith.constant 0 : i64
      %swap3A_194 = arith.index_cast %swap3A_193 : i64 to index
      %swap3A_195 = arith.constant 80 : index
      %swap3A_196 = tpu.vector_load %arg7[%swap3A_194, %swap3A_195] {strides = array<i32>} : memref<2x128xi32, #tpu.memory_space<vmem>>, vector<16xi32>,
      tpu.vector_store %arg7[%swap3A_194, %swap3A_195], %add3A_192 {strides = array<i32>} : memref<2x128xi32, #tpu.memory_space<vmem>>, vector<16xi32>,
      %get3A_197 = arith.constant 0 : i64
      %get3A_198 = arith.index_cast %get3A_197 : i64 to index
      %get3A_199 = arith.constant 96 : index
      %get3A_200 = tpu.vector_load %arg7[%get3A_198, %get3A_199] {strides = array<i32>} : memref<2x128xi32, #tpu.memory_space<vmem>>, vector<16xi32>,
      %mul3A_201 = arith.constant 2 : i32
      %mul3A_202 = vector.broadcast %mul3A_201 : i32 to vector<16xi32>
      %mul3A_203 = arith.muli %get3A_200, %mul3A_202 : vector<16xi32>
      %add3A_204 = vector.broadcast %arg0 : i32 to vector<16xi32>
      %add3A_205 = arith.addi %mul3A_203, %add3A_204 : vector<16xi32>
      %swap3A_206 = arith.constant 0 : i64
      %swap3A_207 = arith.index_cast %swap3A_206 : i64 to index
      %swap3A_208 = arith.constant 96 : index
      %swap3A_209 = tpu.vector_load %arg7[%swap3A_207, %swap3A_208] {strides = array<i32>} : memref<2x128xi32, #tpu.memory_space<vmem>>, vector<16xi32>,
      tpu.vector_store %arg7[%swap3A_207, %swap3A_208], %add3A_205 {strides = array<i32>} : memref<2x128xi32, #tpu.memory_space<vmem>>, vector<16xi32>,
      %get3A_210 = arith.constant 0 : i64
      %get3A_211 = arith.index_cast %get3A_210 : i64 to index
      %get3A_212 = arith.constant 112 : index
      %get3A_213 = tpu.vector_load %arg7[%get3A_211, %get3A_212] {strides = array<i32>} : memref<2x128xi32, #tpu.memory_space<vmem>>, vector<16xi32>,
      %mul3A_214 = arith.constant 2 : i32
      %mul3A_215 = vector.broadcast %mul3A_214 : i32 to vector<16xi32>
      %mul3A_216 = arith.muli %get3A_213, %mul3A_215 : vector<16xi32>
      %add3A_217 = vector.broadcast %arg0 : i32 to vector<16xi32>
      %add3A_218 = arith.addi %mul3A_216, %add3A_217 : vector<16xi32>
      %swap3A_219 = arith.constant 0 : i64
      %swap3A_220 = arith.index_cast %swap3A_219 : i64 to index
      %swap3A_221 = arith.constant 112 : index
      %swap3A_222 = tpu.vector_load %arg7[%swap3A_220, %swap3A_221] {strides = array<i32>} : memref<2x128xi32, #tpu.memory_space<vmem>>, vector<16xi32>,
      tpu.vector_store %arg7[%swap3A_220, %swap3A_221], %add3A_218 {strides = array<i32>} : memref<2x128xi32, #tpu.memory_space<vmem>>, vector<16xi32>,
      %dma_start3A = arith.constant 0 : i32
      %dma_start3A_223 = arith.constant 0 : i32
      %dma_start3A_224 = tpu.memref_slice %arg7[%dma_start3A, %dma_start3A_223] : memref<2x128xi32, #tpu.memory_space<vmem>> -> memref<1x128xi32, #tpu.memory_space<vmem>>
      %dma_start3A_225 = tpu.memref_squeeze %dma_start3A_224 : memref<1x128xi32, #tpu.memory_space<vmem>> -> memref<128xi32, #tpu.memory_space<vmem>>
      %dma_start3A_226 = arith.constant 0 : i32
      %dma_start3A_227 = arith.constant 0 : i32
      %dma_start3A_228 = tpu.memref_slice %arg2[%dma_start3A_226, %dma_start3A_227] : memref<20000x128xf32, #tpu.memory_space<hbm>> -> memref<20000x128xf32, #tpu.memory_space<hbm>>
      tpu.enqueue_indirect_dma source(%dma_start3A_228 : memref<20000x128xf32, #tpu.memory_space<hbm>>) target(%arg11 : memref<128x128xf32, #tpu.memory_space<vmem>>) offsets(%dma_start3A_225 : memref<128xi32, #tpu.memory_space<vmem>>) semaphore(%arg15 : memref<!tpu.dma_semaphore, #tpu.memory_space<semaphore_mem>>)
    } else {
    }
    %add3A_64 = arith.constant 48 : i32
    %add3A_65 = arith.addi %arg1, %add3A_64 : i32
    %lt3A_66 = arith.constant 1250 : i32
    %lt3A_67 = arith.cmpi slt, %add3A_65, %lt3A_66 : i32
    %convert_element_type3A_68 = arith.extui %lt3A_67 : i1 to i32
    %cond3A_69 = arith.constant 0 : i32
    %cond3A_70 = arith.cmpi ne, %convert_element_type3A_68, %cond3A_69 : i32
    scf.if %cond3A_70 {
      %mul3A_116 = arith.constant 128 : i32
      %mul3A_117 = arith.muli %add3A_65, %mul3A_116 : i32
      %multiple_of3A = tpu.assume_multiple %mul3A_117, 128 : i32
      %dma_start3A = arith.constant 0 : i32
      %dma_start3A_118 = tpu.memref_slice %arg3[%dma_start3A, %multiple_of3A] : memref<2x160000xi32, #tpu.memory_space<hbm>> -> memref<2x128xi32, #tpu.memory_space<hbm>>
      %dma_start3A_119 = arith.constant 0 : i32
      %dma_start3A_120 = tpu.memref_slice %arg3[%dma_start3A_119, %multiple_of3A] : memref<2x160000xi32, #tpu.memory_space<hbm>> -> memref<2x128xi32, #tpu.memory_space<hbm>>
      tpu.enqueue_dma source(%dma_start3A_120 : memref<2x128xi32, #tpu.memory_space<hbm>>) target(%arg9 : memref<2x128xi32, #tpu.memory_space<vmem>>) target_semaphore(%arg19 : memref<!tpu.dma_semaphore, #tpu.memory_space<semaphore_mem>>)
    } else {
    }
    %while3A_71 = arith.constant 0 : i32
    %while3A_72 = arith.constant 0 : i32
    %while3A_73 = arith.constant 20 : i32
    %while3A_74 = arith.subi %while3A_73, %while3A_72 : i32
    %while3A_75 = arith.addi %while3A_72, %while3A_74 : i32
    %while3A_76 = arith.constant 1 : i32
    %while3A_77 = arith.divsi %while3A_74, %while3A_76 : i32
    %while3A_78 = arith.muli %while3A_77, %while3A_76 : i32
    %while3A_79 = arith.addi %while3A_72, %while3A_78 : i32
    %while3A_80 = arith.constant 1 : i32
    scf.for %while3A_116 = %while3A_72 to %while3A_79 step %while3A_80  : i32 {
      %mul3A_117 = arith.constant 4 : i32
      %mul3A_118 = arith.muli %mul3A_117, %while3A_116 : i32
      %add3A_119 = arith.constant 0 : i32
      %add3A_120 = arith.addi %mul3A_118, %add3A_119 : i32
      %mul3A_121 = arith.constant 16 : i32
      %mul3A_122 = arith.muli %mul3A_121, %add3A_120 : i32
      %add3A_123 = arith.addi %arg1, %mul3A_122 : i32
      %lt3A_124 = arith.constant 1250 : i32
      %lt3A_125 = arith.cmpi slt, %add3A_123, %lt3A_124 : i32
      %convert_element_type3A_126 = arith.extui %lt3A_125 : i1 to i32
      %cond3A_127 = arith.constant 0 : i32
      %cond3A_128 = arith.cmpi ne, %convert_element_type3A_126, %cond3A_127 : i32
      scf.if %cond3A_128 {
        %dma_wait3A = arith.constant 0 : i32
        %dma_wait3A_247 = arith.constant 0 : i32
        %dma_wait3A_248 = tpu.memref_slice %arg6[%dma_wait3A, %dma_wait3A_247] : memref<2x128xi32, #tpu.memory_space<vmem>> -> memref<1x128xi32, #tpu.memory_space<vmem>>
        %dma_wait3A_249 = tpu.memref_squeeze %dma_wait3A_248 : memref<1x128xi32, #tpu.memory_space<vmem>> -> memref<128xi32, #tpu.memory_space<vmem>>
        %dma_wait3A_250 = arith.constant 0 : i32
        %dma_wait3A_251 = arith.constant 0 : i32
        %dma_wait3A_252 = tpu.memref_slice %arg2[%dma_wait3A_250, %dma_wait3A_251] : memref<20000x128xf32, #tpu.memory_space<hbm>> -> memref<20000x128xf32, #tpu.memory_space<hbm>>
        tpu.wait_indirect_dma semaphore(%arg14 : memref<!tpu.dma_semaphore, #tpu.memory_space<semaphore_mem>>) src(%dma_wait3A_252 : memref<20000x128xf32, #tpu.memory_space<hbm>>) dst(%arg10 : memref<128x128xf32, #tpu.memory_space<vmem>>)
        %run_scoped3A_253 = arith.constant 1 : i32
        "tpu.region"() ({
          %run_scoped3A_279 = tpu.sem_alloc : memref<!tpu.dma_semaphore, #tpu.memory_space<semaphore_mem>>
          %dma_start3A = arith.constant 0 : i32
          %dma_start3A_280 = tpu.memref_slice %arg6[%run_scoped3A_253, %dma_start3A] : memref<2x128xi32, #tpu.memory_space<vmem>> -> memref<1x128xi32, #tpu.memory_space<vmem>>
          %dma_start3A_281 = tpu.memref_squeeze %dma_start3A_280 : memref<1x128xi32, #tpu.memory_space<vmem>> -> memref<128xi32, #tpu.memory_space<vmem>>
          %dma_start3A_282 = arith.constant 0 : i32
          %dma_start3A_283 = arith.constant 0 : i32
          %dma_start3A_284 = tpu.memref_slice %arg13[%dma_start3A_282, %dma_start3A_283] : memref<10000x128xf32, #tpu.memory_space<vmem_shared>> -> memref<10000x128xf32, #tpu.memory_space<vmem_shared>>
          tpu.enqueue_indirect_dma source(%arg10 : memref<128x128xf32, #tpu.memory_space<vmem>>) target(%dma_start3A_284 : memref<10000x128xf32, #tpu.memory_space<vmem_shared>>) offsets(%dma_start3A_281 : memref<128xi32, #tpu.memory_space<vmem>>) semaphore(%run_scoped3A_279 : memref<!tpu.dma_semaphore, #tpu.memory_space<semaphore_mem>>) {add = true}
          %dma_wait3A_285 = arith.constant 0 : i32
          %dma_wait3A_286 = tpu.memref_slice %arg6[%run_scoped3A_253, %dma_wait3A_285] : memref<2x128xi32, #tpu.memory_space<vmem>> -> memref<1x128xi32, #tpu.memory_space<vmem>>
          %dma_wait3A_287 = tpu.memref_squeeze %dma_wait3A_286 : memref<1x128xi32, #tpu.memory_space<vmem>> -> memref<128xi32, #tpu.memory_space<vmem>>
          %dma_wait3A_288 = arith.constant 0 : i32
          %dma_wait3A_289 = arith.constant 0 : i32
          %dma_wait3A_290 = tpu.memref_slice %arg13[%dma_wait3A_288, %dma_wait3A_289] : memref<10000x128xf32, #tpu.memory_space<vmem_shared>> -> memref<10000x128xf32, #tpu.memory_space<vmem_shared>>
          tpu.wait_indirect_dma semaphore(%run_scoped3A_279 : memref<!tpu.dma_semaphore, #tpu.memory_space<semaphore_mem>>) src(%arg10 : memref<128x128xf32, #tpu.memory_space<vmem>>) dst(%dma_wait3A_290 : memref<10000x128xf32, #tpu.memory_space<vmem_shared>>)
          tpu.yield
        }) : () -> ()
        %mul3A_254 = arith.constant 64 : i32
        %mul3A_255 = arith.muli %arg0, %mul3A_254 : i32
        %add3A_256 = arith.constant 0 : i32
        %add3A_257 = arith.addi %mul3A_255, %add3A_256 : i32
        %get3A = arith.constant 1 : i64
        %get3A_258 = arith.index_cast %get3A : i64 to index
        %get3A_259 = arith.index_cast %add3A_257 : i32 to index
        %get3A_260 = tpu.vector_load %arg6[%get3A_258, %get3A_259] {strides = array<i32>} : memref<2x128xi32, #tpu.memory_space<vmem>>, vector<16xi32>,
        tpu.vector_store_idx %arg12[%get3A_260], %broadcast_in_dim3A_29 {add = true} : memref<10000xf32, #tpu.memory_space<vmem>>[vector<16xi32>], vector<16xf32>,
        %add3A_261 = arith.constant 16 : i32
        %add3A_262 = arith.addi %mul3A_255, %add3A_261 : i32
        %get3A_263 = arith.constant 1 : i64
        %get3A_264 = arith.index_cast %get3A_263 : i64 to index
        %get3A_265 = arith.index_cast %add3A_262 : i32 to index
        %get3A_266 = tpu.vector_load %arg6[%get3A_264, %get3A_265] {strides = array<i32>} : memref<2x128xi32, #tpu.memory_space<vmem>>, vector<16xi32>,
        tpu.vector_store_idx %arg12[%get3A_266], %broadcast_in_dim3A_29 {add = true} : memref<10000xf32, #tpu.memory_space<vmem>>[vector<16xi32>], vector<16xf32>,
        %add3A_267 = arith.constant 32 : i32
        %add3A_268 = arith.addi %mul3A_255, %add3A_267 : i32
        %get3A_269 = arith.constant 1 : i64
        %get3A_270 = arith.index_cast %get3A_269 : i64 to index
        %get3A_271 = arith.index_cast %add3A_268 : i32 to index
        %get3A_272 = tpu.vector_load %arg6[%get3A_270, %get3A_271] {strides = array<i32>} : memref<2x128xi32, #tpu.memory_space<vmem>>, vector<16xi32>,
        tpu.vector_store_idx %arg12[%get3A_272], %broadcast_in_dim3A_29 {add = true} : memref<10000xf32, #tpu.memory_space<vmem>>[vector<16xi32>], vector<16xf32>,
        %add3A_273 = arith.constant 48 : i32
        %add3A_274 = arith.addi %mul3A_255, %add3A_273 : i32
        %get3A_275 = arith.constant 1 : i64
        %get3A_276 = arith.index_cast %get3A_275 : i64 to index
        %get3A_277 = arith.index_cast %add3A_274 : i32 to index
        %get3A_278 = tpu.vector_load %arg6[%get3A_276, %get3A_277] {strides = array<i32>} : memref<2x128xi32, #tpu.memory_space<vmem>>, vector<16xi32>,
        tpu.vector_store_idx %arg12[%get3A_278], %broadcast_in_dim3A_29 {add = true} : memref<10000xf32, #tpu.memory_space<vmem>>[vector<16xi32>], vector<16xf32>,
      } else {
      }
      %add3A_129 = arith.constant 0 : i32
      %add3A_130 = arith.addi %mul3A_118, %add3A_129 : i32
      %add3A_131 = arith.constant 2 : i32
      %add3A_132 = arith.addi %add3A_130, %add3A_131 : i32
      %mul3A_133 = arith.constant 16 : i32
      %mul3A_134 = arith.muli %mul3A_133, %add3A_132 : i32
      %add3A_135 = arith.addi %arg1, %mul3A_134 : i32
      %lt3A_136 = arith.constant 1250 : i32
      %lt3A_137 = arith.cmpi slt, %add3A_135, %lt3A_136 : i32
      %convert_element_type3A_138 = arith.extui %lt3A_137 : i1 to i32
      %cond3A_139 = arith.constant 0 : i32
      %cond3A_140 = arith.cmpi ne, %convert_element_type3A_138, %cond3A_139 : i32
      scf.if %cond3A_140 {
        %mul3A_247 = arith.constant 128 : i32
        %mul3A_248 = arith.muli %add3A_135, %mul3A_247 : i32
        %multiple_of3A = tpu.assume_multiple %mul3A_248, 128 : i32
        %dma_wait3A = arith.constant 0 : i32
        %dma_wait3A_249 = tpu.memref_slice %arg3[%dma_wait3A, %multiple_of3A] : memref<2x160000xi32, #tpu.memory_space<hbm>> -> memref<2x128xi32, #tpu.memory_space<hbm>>
        %dma_wait3A_250 = arith.constant 0 : i32
        %dma_wait3A_251 = tpu.memref_slice %arg3[%dma_wait3A_250, %multiple_of3A] : memref<2x160000xi32, #tpu.memory_space<hbm>> -> memref<2x128xi32, #tpu.memory_space<hbm>>
        tpu.wait_dma2 semaphore(%arg18 : memref<!tpu.dma_semaphore, #tpu.memory_space<semaphore_mem>>) src(%dma_wait3A_251 : memref<2x128xi32, #tpu.memory_space<hbm>>) dst(%arg8 : memref<2x128xi32, #tpu.memory_space<vmem>>)
        %get3A = arith.constant 0 : i64
        %get3A_252 = arith.index_cast %get3A : i64 to index
        %get3A_253 = arith.constant 0 : index
        %get3A_254 = tpu.vector_load %arg8[%get3A_252, %get3A_253] {strides = array<i32>} : memref<2x128xi32, #tpu.memory_space<vmem>>, vector<16xi32>,
        %mul3A_255 = arith.constant 2 : i32
        %mul3A_256 = vector.broadcast %mul3A_255 : i32 to vector<16xi32>
        %mul3A_257 = arith.muli %get3A_254, %mul3A_256 : vector<16xi32>
        %add3A_258 = vector.broadcast %arg0 : i32 to vector<16xi32>
        %add3A_259 = arith.addi %mul3A_257, %add3A_258 : vector<16xi32>
        %swap3A = arith.constant 0 : i64
        %swap3A_260 = arith.index_cast %swap3A : i64 to index
        %swap3A_261 = arith.constant 0 : index
        %swap3A_262 = tpu.vector_load %arg8[%swap3A_260, %swap3A_261] {strides = array<i32>} : memref<2x128xi32, #tpu.memory_space<vmem>>, vector<16xi32>,
        tpu.vector_store %arg8[%swap3A_260, %swap3A_261], %add3A_259 {strides = array<i32>} : memref<2x128xi32, #tpu.memory_space<vmem>>, vector<16xi32>,
        %get3A_263 = arith.constant 0 : i64
        %get3A_264 = arith.index_cast %get3A_263 : i64 to index
        %get3A_265 = arith.constant 16 : index
        %get3A_266 = tpu.vector_load %arg8[%get3A_264, %get3A_265] {strides = array<i32>} : memref<2x128xi32, #tpu.memory_space<vmem>>, vector<16xi32>,
        %mul3A_267 = arith.constant 2 : i32
        %mul3A_268 = vector.broadcast %mul3A_267 : i32 to vector<16xi32>
        %mul3A_269 = arith.muli %get3A_266, %mul3A_268 : vector<16xi32>
        %add3A_270 = vector.broadcast %arg0 : i32 to vector<16xi32>
        %add3A_271 = arith.addi %mul3A_269, %add3A_270 : vector<16xi32>
        %swap3A_272 = arith.constant 0 : i64
        %swap3A_273 = arith.index_cast %swap3A_272 : i64 to index
        %swap3A_274 = arith.constant 16 : index
        %swap3A_275 = tpu.vector_load %arg8[%swap3A_273, %swap3A_274] {strides = array<i32>} : memref<2x128xi32, #tpu.memory_space<vmem>>, vector<16xi32>,
        tpu.vector_store %arg8[%swap3A_273, %swap3A_274], %add3A_271 {strides = array<i32>} : memref<2x128xi32, #tpu.memory_space<vmem>>, vector<16xi32>,
        %get3A_276 = arith.constant 0 : i64
        %get3A_277 = arith.index_cast %get3A_276 : i64 to index
        %get3A_278 = arith.constant 32 : index
        %get3A_279 = tpu.vector_load %arg8[%get3A_277, %get3A_278] {strides = array<i32>} : memref<2x128xi32, #tpu.memory_space<vmem>>, vector<16xi32>,
        %mul3A_280 = arith.constant 2 : i32
        %mul3A_281 = vector.broadcast %mul3A_280 : i32 to vector<16xi32>
        %mul3A_282 = arith.muli %get3A_279, %mul3A_281 : vector<16xi32>
        %add3A_283 = vector.broadcast %arg0 : i32 to vector<16xi32>
        %add3A_284 = arith.addi %mul3A_282, %add3A_283 : vector<16xi32>
        %swap3A_285 = arith.constant 0 : i64
        %swap3A_286 = arith.index_cast %swap3A_285 : i64 to index
        %swap3A_287 = arith.constant 32 : index
        %swap3A_288 = tpu.vector_load %arg8[%swap3A_286, %swap3A_287] {strides = array<i32>} : memref<2x128xi32, #tpu.memory_space<vmem>>, vector<16xi32>,
        tpu.vector_store %arg8[%swap3A_286, %swap3A_287], %add3A_284 {strides = array<i32>} : memref<2x128xi32, #tpu.memory_space<vmem>>, vector<16xi32>,
        %get3A_289 = arith.constant 0 : i64
        %get3A_290 = arith.index_cast %get3A_289 : i64 to index
        %get3A_291 = arith.constant 48 : index
        %get3A_292 = tpu.vector_load %arg8[%get3A_290, %get3A_291] {strides = array<i32>} : memref<2x128xi32, #tpu.memory_space<vmem>>, vector<16xi32>,
        %mul3A_293 = arith.constant 2 : i32
        %mul3A_294 = vector.broadcast %mul3A_293 : i32 to vector<16xi32>
        %mul3A_295 = arith.muli %get3A_292, %mul3A_294 : vector<16xi32>
        %add3A_296 = vector.broadcast %arg0 : i32 to vector<16xi32>
        %add3A_297 = arith.addi %mul3A_295, %add3A_296 : vector<16xi32>
        %swap3A_298 = arith.constant 0 : i64
        %swap3A_299 = arith.index_cast %swap3A_298 : i64 to index
        %swap3A_300 = arith.constant 48 : index
        %swap3A_301 = tpu.vector_load %arg8[%swap3A_299, %swap3A_300] {strides = array<i32>} : memref<2x128xi32, #tpu.memory_space<vmem>>, vector<16xi32>,
        tpu.vector_store %arg8[%swap3A_299, %swap3A_300], %add3A_297 {strides = array<i32>} : memref<2x128xi32, #tpu.memory_space<vmem>>, vector<16xi32>,
        %get3A_302 = arith.constant 0 : i64
        %get3A_303 = arith.index_cast %get3A_302 : i64 to index
        %get3A_304 = arith.constant 64 : index
        %get3A_305 = tpu.vector_load %arg8[%get3A_303, %get3A_304] {strides = array<i32>} : memref<2x128xi32, #tpu.memory_space<vmem>>, vector<16xi32>,
        %mul3A_306 = arith.constant 2 : i32
        %mul3A_307 = vector.broadcast %mul3A_306 : i32 to vector<16xi32>
        %mul3A_308 = arith.muli %get3A_305, %mul3A_307 : vector<16xi32>
        %add3A_309 = vector.broadcast %arg0 : i32 to vector<16xi32>
        %add3A_310 = arith.addi %mul3A_308, %add3A_309 : vector<16xi32>
        %swap3A_311 = arith.constant 0 : i64
        %swap3A_312 = arith.index_cast %swap3A_311 : i64 to index
        %swap3A_313 = arith.constant 64 : index
        %swap3A_314 = tpu.vector_load %arg8[%swap3A_312, %swap3A_313] {strides = array<i32>} : memref<2x128xi32, #tpu.memory_space<vmem>>, vector<16xi32>,
        tpu.vector_store %arg8[%swap3A_312, %swap3A_313], %add3A_310 {strides = array<i32>} : memref<2x128xi32, #tpu.memory_space<vmem>>, vector<16xi32>,
        %get3A_315 = arith.constant 0 : i64
        %get3A_316 = arith.index_cast %get3A_315 : i64 to index
        %get3A_317 = arith.constant 80 : index
        %get3A_318 = tpu.vector_load %arg8[%get3A_316, %get3A_317] {strides = array<i32>} : memref<2x128xi32, #tpu.memory_space<vmem>>, vector<16xi32>,
        %mul3A_319 = arith.constant 2 : i32
        %mul3A_320 = vector.broadcast %mul3A_319 : i32 to vector<16xi32>
        %mul3A_321 = arith.muli %get3A_318, %mul3A_320 : vector<16xi32>
        %add3A_322 = vector.broadcast %arg0 : i32 to vector<16xi32>
        %add3A_323 = arith.addi %mul3A_321, %add3A_322 : vector<16xi32>
        %swap3A_324 = arith.constant 0 : i64
        %swap3A_325 = arith.index_cast %swap3A_324 : i64 to index
        %swap3A_326 = arith.constant 80 : index
        %swap3A_327 = tpu.vector_load %arg8[%swap3A_325, %swap3A_326] {strides = array<i32>} : memref<2x128xi32, #tpu.memory_space<vmem>>, vector<16xi32>,
        tpu.vector_store %arg8[%swap3A_325, %swap3A_326], %add3A_323 {strides = array<i32>} : memref<2x128xi32, #tpu.memory_space<vmem>>, vector<16xi32>,
        %get3A_328 = arith.constant 0 : i64
        %get3A_329 = arith.index_cast %get3A_328 : i64 to index
        %get3A_330 = arith.constant 96 : index
        %get3A_331 = tpu.vector_load %arg8[%get3A_329, %get3A_330] {strides = array<i32>} : memref<2x128xi32, #tpu.memory_space<vmem>>, vector<16xi32>,
        %mul3A_332 = arith.constant 2 : i32
        %mul3A_333 = vector.broadcast %mul3A_332 : i32 to vector<16xi32>
        %mul3A_334 = arith.muli %get3A_331, %mul3A_333 : vector<16xi32>
        %add3A_335 = vector.broadcast %arg0 : i32 to vector<16xi32>
        %add3A_336 = arith.addi %mul3A_334, %add3A_335 : vector<16xi32>
        %swap3A_337 = arith.constant 0 : i64
        %swap3A_338 = arith.index_cast %swap3A_337 : i64 to index
        %swap3A_339 = arith.constant 96 : index
        %swap3A_340 = tpu.vector_load %arg8[%swap3A_338, %swap3A_339] {strides = array<i32>} : memref<2x128xi32, #tpu.memory_space<vmem>>, vector<16xi32>,
        tpu.vector_store %arg8[%swap3A_338, %swap3A_339], %add3A_336 {strides = array<i32>} : memref<2x128xi32, #tpu.memory_space<vmem>>, vector<16xi32>,
        %get3A_341 = arith.constant 0 : i64
        %get3A_342 = arith.index_cast %get3A_341 : i64 to index
        %get3A_343 = arith.constant 112 : index
        %get3A_344 = tpu.vector_load %arg8[%get3A_342, %get3A_343] {strides = array<i32>} : memref<2x128xi32, #tpu.memory_space<vmem>>, vector<16xi32>,
        %mul3A_345 = arith.constant 2 : i32
        %mul3A_346 = vector.broadcast %mul3A_345 : i32 to vector<16xi32>
        %mul3A_347 = arith.muli %get3A_344, %mul3A_346 : vector<16xi32>
        %add3A_348 = vector.broadcast %arg0 : i32 to vector<16xi32>
        %add3A_349 = arith.addi %mul3A_347, %add3A_348 : vector<16xi32>
        %swap3A_350 = arith.constant 0 : i64
        %swap3A_351 = arith.index_cast %swap3A_350 : i64 to index
        %swap3A_352 = arith.constant 112 : index
        %swap3A_353 = tpu.vector_load %arg8[%swap3A_351, %swap3A_352] {strides = array<i32>} : memref<2x128xi32, #tpu.memory_space<vmem>>, vector<16xi32>,
        tpu.vector_store %arg8[%swap3A_351, %swap3A_352], %add3A_349 {strides = array<i32>} : memref<2x128xi32, #tpu.memory_space<vmem>>, vector<16xi32>,
        %dma_start3A = arith.constant 0 : i32
        %dma_start3A_354 = arith.constant 0 : i32
        %dma_start3A_355 = tpu.memref_slice %arg8[%dma_start3A, %dma_start3A_354] : memref<2x128xi32, #tpu.memory_space<vmem>> -> memref<1x128xi32, #tpu.memory_space<vmem>>
        %dma_start3A_356 = tpu.memref_squeeze %dma_start3A_355 : memref<1x128xi32, #tpu.memory_space<vmem>> -> memref<128xi32, #tpu.memory_space<vmem>>
        %dma_start3A_357 = arith.constant 0 : i32
        %dma_start3A_358 = arith.constant 0 : i32
        %dma_start3A_359 = tpu.memref_slice %arg2[%dma_start3A_357, %dma_start3A_358] : memref<20000x128xf32, #tpu.memory_space<hbm>> -> memref<20000x128xf32, #tpu.memory_space<hbm>>
        tpu.enqueue_indirect_dma source(%dma_start3A_359 : memref<20000x128xf32, #tpu.memory_space<hbm>>) target(%arg10 : memref<128x128xf32, #tpu.memory_space<vmem>>) offsets(%dma_start3A_356 : memref<128xi32, #tpu.memory_space<vmem>>) semaphore(%arg14 : memref<!tpu.dma_semaphore, #tpu.memory_space<semaphore_mem>>)
      } else {
      }
      %add3A_141 = arith.constant 2 : i32
      %add3A_142 = arith.addi %add3A_132, %add3A_141 : i32
      %mul3A_143 = arith.constant 16 : i32
      %mul3A_144 = arith.muli %mul3A_143, %add3A_142 : i32
      %add3A_145 = arith.addi %arg1, %mul3A_144 : i32
      %lt3A_146 = arith.constant 1250 : i32
      %lt3A_147 = arith.cmpi slt, %add3A_145, %lt3A_146 : i32
      %convert_element_type3A_148 = arith.extui %lt3A_147 : i1 to i32
      %cond3A_149 = arith.constant 0 : i32
      %cond3A_150 = arith.cmpi ne, %convert_element_type3A_148, %cond3A_149 : i32
      scf.if %cond3A_150 {
        %mul3A_247 = arith.constant 128 : i32
        %mul3A_248 = arith.muli %add3A_145, %mul3A_247 : i32
        %multiple_of3A = tpu.assume_multiple %mul3A_248, 128 : i32
        %dma_start3A = arith.constant 0 : i32
        %dma_start3A_249 = tpu.memref_slice %arg3[%dma_start3A, %multiple_of3A] : memref<2x160000xi32, #tpu.memory_space<hbm>> -> memref<2x128xi32, #tpu.memory_space<hbm>>
        %dma_start3A_250 = arith.constant 0 : i32
        %dma_start3A_251 = tpu.memref_slice %arg3[%dma_start3A_250, %multiple_of3A] : memref<2x160000xi32, #tpu.memory_space<hbm>> -> memref<2x128xi32, #tpu.memory_space<hbm>>
        tpu.enqueue_dma source(%dma_start3A_251 : memref<2x128xi32, #tpu.memory_space<hbm>>) target(%arg6 : memref<2x128xi32, #tpu.memory_space<vmem>>) target_semaphore(%arg16 : memref<!tpu.dma_semaphore, #tpu.memory_space<semaphore_mem>>)
      } else {
      }
      %add3A_151 = arith.constant 1 : i32
      %add3A_152 = arith.addi %mul3A_118, %add3A_151 : i32
      %mul3A_153 = arith.constant 16 : i32
      %mul3A_154 = arith.muli %mul3A_153, %add3A_152 : i32
      %add3A_155 = arith.addi %arg1, %mul3A_154 : i32
      %lt3A_156 = arith.constant 1250 : i32
      %lt3A_157 = arith.cmpi slt, %add3A_155, %lt3A_156 : i32
      %convert_element_type3A_158 = arith.extui %lt3A_157 : i1 to i32
      %cond3A_159 = arith.constant 0 : i32
      %cond3A_160 = arith.cmpi ne, %convert_element_type3A_158, %cond3A_159 : i32
      scf.if %cond3A_160 {
        %dma_wait3A = arith.constant 0 : i32
        %dma_wait3A_247 = arith.constant 0 : i32
        %dma_wait3A_248 = tpu.memref_slice %arg7[%dma_wait3A, %dma_wait3A_247] : memref<2x128xi32, #tpu.memory_space<vmem>> -> memref<1x128xi32, #tpu.memory_space<vmem>>
        %dma_wait3A_249 = tpu.memref_squeeze %dma_wait3A_248 : memref<1x128xi32, #tpu.memory_space<vmem>> -> memref<128xi32, #tpu.memory_space<vmem>>
        %dma_wait3A_250 = arith.constant 0 : i32
        %dma_wait3A_251 = arith.constant 0 : i32
        %dma_wait3A_252 = tpu.memref_slice %arg2[%dma_wait3A_250, %dma_wait3A_251] : memref<20000x128xf32, #tpu.memory_space<hbm>> -> memref<20000x128xf32, #tpu.memory_space<hbm>>
        tpu.wait_indirect_dma semaphore(%arg15 : memref<!tpu.dma_semaphore, #tpu.memory_space<semaphore_mem>>) src(%dma_wait3A_252 : memref<20000x128xf32, #tpu.memory_space<hbm>>) dst(%arg11 : memref<128x128xf32, #tpu.memory_space<vmem>>)
        %run_scoped3A_253 = arith.constant 1 : i32
        "tpu.region"() ({
          %run_scoped3A_279 = tpu.sem_alloc : memref<!tpu.dma_semaphore, #tpu.memory_space<semaphore_mem>>
          %dma_start3A = arith.constant 0 : i32
          %dma_start3A_280 = tpu.memref_slice %arg7[%run_scoped3A_253, %dma_start3A] : memref<2x128xi32, #tpu.memory_space<vmem>> -> memref<1x128xi32, #tpu.memory_space<vmem>>
          %dma_start3A_281 = tpu.memref_squeeze %dma_start3A_280 : memref<1x128xi32, #tpu.memory_space<vmem>> -> memref<128xi32, #tpu.memory_space<vmem>>
          %dma_start3A_282 = arith.constant 0 : i32
          %dma_start3A_283 = arith.constant 0 : i32
          %dma_start3A_284 = tpu.memref_slice %arg13[%dma_start3A_282, %dma_start3A_283] : memref<10000x128xf32, #tpu.memory_space<vmem_shared>> -> memref<10000x128xf32, #tpu.memory_space<vmem_shared>>
          tpu.enqueue_indirect_dma source(%arg11 : memref<128x128xf32, #tpu.memory_space<vmem>>) target(%dma_start3A_284 : memref<10000x128xf32, #tpu.memory_space<vmem_shared>>) offsets(%dma_start3A_281 : memref<128xi32, #tpu.memory_space<vmem>>) semaphore(%run_scoped3A_279 : memref<!tpu.dma_semaphore, #tpu.memory_space<semaphore_mem>>) {add = true}
          %dma_wait3A_285 = arith.constant 0 : i32
          %dma_wait3A_286 = tpu.memref_slice %arg7[%run_scoped3A_253, %dma_wait3A_285] : memref<2x128xi32, #tpu.memory_space<vmem>> -> memref<1x128xi32, #tpu.memory_space<vmem>>
          %dma_wait3A_287 = tpu.memref_squeeze %dma_wait3A_286 : memref<1x128xi32, #tpu.memory_space<vmem>> -> memref<128xi32, #tpu.memory_space<vmem>>
          %dma_wait3A_288 = arith.constant 0 : i32
          %dma_wait3A_289 = arith.constant 0 : i32
          %dma_wait3A_290 = tpu.memref_slice %arg13[%dma_wait3A_288, %dma_wait3A_289] : memref<10000x128xf32, #tpu.memory_space<vmem_shared>> -> memref<10000x128xf32, #tpu.memory_space<vmem_shared>>
          tpu.wait_indirect_dma semaphore(%run_scoped3A_279 : memref<!tpu.dma_semaphore, #tpu.memory_space<semaphore_mem>>) src(%arg11 : memref<128x128xf32, #tpu.memory_space<vmem>>) dst(%dma_wait3A_290 : memref<10000x128xf32, #tpu.memory_space<vmem_shared>>)
          tpu.yield
        }) : () -> ()
        %mul3A_254 = arith.constant 64 : i32
        %mul3A_255 = arith.muli %arg0, %mul3A_254 : i32
        %add3A_256 = arith.constant 0 : i32
        %add3A_257 = arith.addi %mul3A_255, %add3A_256 : i32
        %get3A = arith.constant 1 : i64
        %get3A_258 = arith.index_cast %get3A : i64 to index
        %get3A_259 = arith.index_cast %add3A_257 : i32 to index
        %get3A_260 = tpu.vector_load %arg7[%get3A_258, %get3A_259] {strides = array<i32>} : memref<2x128xi32, #tpu.memory_space<vmem>>, vector<16xi32>,
        tpu.vector_store_idx %arg12[%get3A_260], %broadcast_in_dim3A_29 {add = true} : memref<10000xf32, #tpu.memory_space<vmem>>[vector<16xi32>], vector<16xf32>,
        %add3A_261 = arith.constant 16 : i32
        %add3A_262 = arith.addi %mul3A_255, %add3A_261 : i32
        %get3A_263 = arith.constant 1 : i64
        %get3A_264 = arith.index_cast %get3A_263 : i64 to index
        %get3A_265 = arith.index_cast %add3A_262 : i32 to index
        %get3A_266 = tpu.vector_load %arg7[%get3A_264, %get3A_265] {strides = array<i32>} : memref<2x128xi32, #tpu.memory_space<vmem>>, vector<16xi32>,
        tpu.vector_store_idx %arg12[%get3A_266], %broadcast_in_dim3A_29 {add = true} : memref<10000xf32, #tpu.memory_space<vmem>>[vector<16xi32>], vector<16xf32>,
        %add3A_267 = arith.constant 32 : i32
        %add3A_268 = arith.addi %mul3A_255, %add3A_267 : i32
        %get3A_269 = arith.constant 1 : i64
        %get3A_270 = arith.index_cast %get3A_269 : i64 to index
        %get3A_271 = arith.index_cast %add3A_268 : i32 to index
        %get3A_272 = tpu.vector_load %arg7[%get3A_270, %get3A_271] {strides = array<i32>} : memref<2x128xi32, #tpu.memory_space<vmem>>, vector<16xi32>,
        tpu.vector_store_idx %arg12[%get3A_272], %broadcast_in_dim3A_29 {add = true} : memref<10000xf32, #tpu.memory_space<vmem>>[vector<16xi32>], vector<16xf32>,
        %add3A_273 = arith.constant 48 : i32
        %add3A_274 = arith.addi %mul3A_255, %add3A_273 : i32
        %get3A_275 = arith.constant 1 : i64
        %get3A_276 = arith.index_cast %get3A_275 : i64 to index
        %get3A_277 = arith.index_cast %add3A_274 : i32 to index
        %get3A_278 = tpu.vector_load %arg7[%get3A_276, %get3A_277] {strides = array<i32>} : memref<2x128xi32, #tpu.memory_space<vmem>>, vector<16xi32>,
        tpu.vector_store_idx %arg12[%get3A_278], %broadcast_in_dim3A_29 {add = true} : memref<10000xf32, #tpu.memory_space<vmem>>[vector<16xi32>], vector<16xf32>,
      } else {
      }
      %add3A_161 = arith.constant 1 : i32
      %add3A_162 = arith.addi %mul3A_118, %add3A_161 : i32
      %add3A_163 = arith.constant 2 : i32
      %add3A_164 = arith.addi %add3A_162, %add3A_163 : i32
      %mul3A_165 = arith.constant 16 : i32
      %mul3A_166 = arith.muli %mul3A_165, %add3A_164 : i32
      %add3A_167 = arith.addi %arg1, %mul3A_166 : i32
      %lt3A_168 = arith.constant 1250 : i32
      %lt3A_169 = arith.cmpi slt, %add3A_167, %lt3A_168 : i32
      %convert_element_type3A_170 = arith.extui %lt3A_169 : i1 to i32
      %cond3A_171 = arith.constant 0 : i32
      %cond3A_172 = arith.cmpi ne, %convert_element_type3A_170, %cond3A_171 : i32
      scf.if %cond3A_172 {
        %mul3A_247 = arith.constant 128 : i32
        %mul3A_248 = arith.muli %add3A_167, %mul3A_247 : i32
        %multiple_of3A = tpu.assume_multiple %mul3A_248, 128 : i32
        %dma_wait3A = arith.constant 0 : i32
        %dma_wait3A_249 = tpu.memref_slice %arg3[%dma_wait3A, %multiple_of3A] : memref<2x160000xi32, #tpu.memory_space<hbm>> -> memref<2x128xi32, #tpu.memory_space<hbm>>
        %dma_wait3A_250 = arith.constant 0 : i32
        %dma_wait3A_251 = tpu.memref_slice %arg3[%dma_wait3A_250, %multiple_of3A] : memref<2x160000xi32, #tpu.memory_space<hbm>> -> memref<2x128xi32, #tpu.memory_space<hbm>>
        tpu.wait_dma2 semaphore(%arg19 : memref<!tpu.dma_semaphore, #tpu.memory_space<semaphore_mem>>) src(%dma_wait3A_251 : memref<2x128xi32, #tpu.memory_space<hbm>>) dst(%arg9 : memref<2x128xi32, #tpu.memory_space<vmem>>)
        %get3A = arith.constant 0 : i64
        %get3A_252 = arith.index_cast %get3A : i64 to index
        %get3A_253 = arith.constant 0 : index
        %get3A_254 = tpu.vector_load %arg9[%get3A_252, %get3A_253] {strides = array<i32>} : memref<2x128xi32, #tpu.memory_space<vmem>>, vector<16xi32>,
        %mul3A_255 = arith.constant 2 : i32
        %mul3A_256 = vector.broadcast %mul3A_255 : i32 to vector<16xi32>
        %mul3A_257 = arith.muli %get3A_254, %mul3A_256 : vector<16xi32>
        %add3A_258 = vector.broadcast %arg0 : i32 to vector<16xi32>
        %add3A_259 = arith.addi %mul3A_257, %add3A_258 : vector<16xi32>
        %swap3A = arith.constant 0 : i64
        %swap3A_260 = arith.index_cast %swap3A : i64 to index
        %swap3A_261 = arith.constant 0 : index
        %swap3A_262 = tpu.vector_load %arg9[%swap3A_260, %swap3A_261] {strides = array<i32>} : memref<2x128xi32, #tpu.memory_space<vmem>>, vector<16xi32>,
        tpu.vector_store %arg9[%swap3A_260, %swap3A_261], %add3A_259 {strides = array<i32>} : memref<2x128xi32, #tpu.memory_space<vmem>>, vector<16xi32>,
        %get3A_263 = arith.constant 0 : i64
        %get3A_264 = arith.index_cast %get3A_263 : i64 to index
        %get3A_265 = arith.constant 16 : index
        %get3A_266 = tpu.vector_load %arg9[%get3A_264, %get3A_265] {strides = array<i32>} : memref<2x128xi32, #tpu.memory_space<vmem>>, vector<16xi32>,
        %mul3A_267 = arith.constant 2 : i32
        %mul3A_268 = vector.broadcast %mul3A_267 : i32 to vector<16xi32>
        %mul3A_269 = arith.muli %get3A_266, %mul3A_268 : vector<16xi32>
        %add3A_270 = vector.broadcast %arg0 : i32 to vector<16xi32>
        %add3A_271 = arith.addi %mul3A_269, %add3A_270 : vector<16xi32>
        %swap3A_272 = arith.constant 0 : i64
        %swap3A_273 = arith.index_cast %swap3A_272 : i64 to index
        %swap3A_274 = arith.constant 16 : index
        %swap3A_275 = tpu.vector_load %arg9[%swap3A_273, %swap3A_274] {strides = array<i32>} : memref<2x128xi32, #tpu.memory_space<vmem>>, vector<16xi32>,
        tpu.vector_store %arg9[%swap3A_273, %swap3A_274], %add3A_271 {strides = array<i32>} : memref<2x128xi32, #tpu.memory_space<vmem>>, vector<16xi32>,
        %get3A_276 = arith.constant 0 : i64
        %get3A_277 = arith.index_cast %get3A_276 : i64 to index
        %get3A_278 = arith.constant 32 : index
        %get3A_279 = tpu.vector_load %arg9[%get3A_277, %get3A_278] {strides = array<i32>} : memref<2x128xi32, #tpu.memory_space<vmem>>, vector<16xi32>,
        %mul3A_280 = arith.constant 2 : i32
        %mul3A_281 = vector.broadcast %mul3A_280 : i32 to vector<16xi32>
        %mul3A_282 = arith.muli %get3A_279, %mul3A_281 : vector<16xi32>
        %add3A_283 = vector.broadcast %arg0 : i32 to vector<16xi32>
        %add3A_284 = arith.addi %mul3A_282, %add3A_283 : vector<16xi32>
        %swap3A_285 = arith.constant 0 : i64
        %swap3A_286 = arith.index_cast %swap3A_285 : i64 to index
        %swap3A_287 = arith.constant 32 : index
        %swap3A_288 = tpu.vector_load %arg9[%swap3A_286, %swap3A_287] {strides = array<i32>} : memref<2x128xi32, #tpu.memory_space<vmem>>, vector<16xi32>,
        tpu.vector_store %arg9[%swap3A_286, %swap3A_287], %add3A_284 {strides = array<i32>} : memref<2x128xi32, #tpu.memory_space<vmem>>, vector<16xi32>,
        %get3A_289 = arith.constant 0 : i64
        %get3A_290 = arith.index_cast %get3A_289 : i64 to index
        %get3A_291 = arith.constant 48 : index
        %get3A_292 = tpu.vector_load %arg9[%get3A_290, %get3A_291] {strides = array<i32>} : memref<2x128xi32, #tpu.memory_space<vmem>>, vector<16xi32>,
        %mul3A_293 = arith.constant 2 : i32
        %mul3A_294 = vector.broadcast %mul3A_293 : i32 to vector<16xi32>
        %mul3A_295 = arith.muli %get3A_292, %mul3A_294 : vector<16xi32>
        %add3A_296 = vector.broadcast %arg0 : i32 to vector<16xi32>
        %add3A_297 = arith.addi %mul3A_295, %add3A_296 : vector<16xi32>
        %swap3A_298 = arith.constant 0 : i64
        %swap3A_299 = arith.index_cast %swap3A_298 : i64 to index
        %swap3A_300 = arith.constant 48 : index
        %swap3A_301 = tpu.vector_load %arg9[%swap3A_299, %swap3A_300] {strides = array<i32>} : memref<2x128xi32, #tpu.memory_space<vmem>>, vector<16xi32>,
        tpu.vector_store %arg9[%swap3A_299, %swap3A_300], %add3A_297 {strides = array<i32>} : memref<2x128xi32, #tpu.memory_space<vmem>>, vector<16xi32>,
        %get3A_302 = arith.constant 0 : i64
        %get3A_303 = arith.index_cast %get3A_302 : i64 to index
        %get3A_304 = arith.constant 64 : index
        %get3A_305 = tpu.vector_load %arg9[%get3A_303, %get3A_304] {strides = array<i32>} : memref<2x128xi32, #tpu.memory_space<vmem>>, vector<16xi32>,
        %mul3A_306 = arith.constant 2 : i32
        %mul3A_307 = vector.broadcast %mul3A_306 : i32 to vector<16xi32>
        %mul3A_308 = arith.muli %get3A_305, %mul3A_307 : vector<16xi32>
        %add3A_309 = vector.broadcast %arg0 : i32 to vector<16xi32>
        %add3A_310 = arith.addi %mul3A_308, %add3A_309 : vector<16xi32>
        %swap3A_311 = arith.constant 0 : i64
        %swap3A_312 = arith.index_cast %swap3A_311 : i64 to index
        %swap3A_313 = arith.constant 64 : index
        %swap3A_314 = tpu.vector_load %arg9[%swap3A_312, %swap3A_313] {strides = array<i32>} : memref<2x128xi32, #tpu.memory_space<vmem>>, vector<16xi32>,
        tpu.vector_store %arg9[%swap3A_312, %swap3A_313], %add3A_310 {strides = array<i32>} : memref<2x128xi32, #tpu.memory_space<vmem>>, vector<16xi32>,
        %get3A_315 = arith.constant 0 : i64
        %get3A_316 = arith.index_cast %get3A_315 : i64 to index
        %get3A_317 = arith.constant 80 : index
        %get3A_318 = tpu.vector_load %arg9[%get3A_316, %get3A_317] {strides = array<i32>} : memref<2x128xi32, #tpu.memory_space<vmem>>, vector<16xi32>,
        %mul3A_319 = arith.constant 2 : i32
        %mul3A_320 = vector.broadcast %mul3A_319 : i32 to vector<16xi32>
        %mul3A_321 = arith.muli %get3A_318, %mul3A_320 : vector<16xi32>
        %add3A_322 = vector.broadcast %arg0 : i32 to vector<16xi32>
        %add3A_323 = arith.addi %mul3A_321, %add3A_322 : vector<16xi32>
        %swap3A_324 = arith.constant 0 : i64
        %swap3A_325 = arith.index_cast %swap3A_324 : i64 to index
        %swap3A_326 = arith.constant 80 : index
        %swap3A_327 = tpu.vector_load %arg9[%swap3A_325, %swap3A_326] {strides = array<i32>} : memref<2x128xi32, #tpu.memory_space<vmem>>, vector<16xi32>,
        tpu.vector_store %arg9[%swap3A_325, %swap3A_326], %add3A_323 {strides = array<i32>} : memref<2x128xi32, #tpu.memory_space<vmem>>, vector<16xi32>,
        %get3A_328 = arith.constant 0 : i64
        %get3A_329 = arith.index_cast %get3A_328 : i64 to index
        %get3A_330 = arith.constant 96 : index
        %get3A_331 = tpu.vector_load %arg9[%get3A_329, %get3A_330] {strides = array<i32>} : memref<2x128xi32, #tpu.memory_space<vmem>>, vector<16xi32>,
        %mul3A_332 = arith.constant 2 : i32
        %mul3A_333 = vector.broadcast %mul3A_332 : i32 to vector<16xi32>
        %mul3A_334 = arith.muli %get3A_331, %mul3A_333 : vector<16xi32>
        %add3A_335 = vector.broadcast %arg0 : i32 to vector<16xi32>
        %add3A_336 = arith.addi %mul3A_334, %add3A_335 : vector<16xi32>
        %swap3A_337 = arith.constant 0 : i64
        %swap3A_338 = arith.index_cast %swap3A_337 : i64 to index
        %swap3A_339 = arith.constant 96 : index
        %swap3A_340 = tpu.vector_load %arg9[%swap3A_338, %swap3A_339] {strides = array<i32>} : memref<2x128xi32, #tpu.memory_space<vmem>>, vector<16xi32>,
        tpu.vector_store %arg9[%swap3A_338, %swap3A_339], %add3A_336 {strides = array<i32>} : memref<2x128xi32, #tpu.memory_space<vmem>>, vector<16xi32>,
        %get3A_341 = arith.constant 0 : i64
        %get3A_342 = arith.index_cast %get3A_341 : i64 to index
        %get3A_343 = arith.constant 112 : index
        %get3A_344 = tpu.vector_load %arg9[%get3A_342, %get3A_343] {strides = array<i32>} : memref<2x128xi32, #tpu.memory_space<vmem>>, vector<16xi32>,
        %mul3A_345 = arith.constant 2 : i32
        %mul3A_346 = vector.broadcast %mul3A_345 : i32 to vector<16xi32>
        %mul3A_347 = arith.muli %get3A_344, %mul3A_346 : vector<16xi32>
        %add3A_348 = vector.broadcast %arg0 : i32 to vector<16xi32>
        %add3A_349 = arith.addi %mul3A_347, %add3A_348 : vector<16xi32>
        %swap3A_350 = arith.constant 0 : i64
        %swap3A_351 = arith.index_cast %swap3A_350 : i64 to index
        %swap3A_352 = arith.constant 112 : index
        %swap3A_353 = tpu.vector_load %arg9[%swap3A_351, %swap3A_352] {strides = array<i32>} : memref<2x128xi32, #tpu.memory_space<vmem>>, vector<16xi32>,
        tpu.vector_store %arg9[%swap3A_351, %swap3A_352], %add3A_349 {strides = array<i32>} : memref<2x128xi32, #tpu.memory_space<vmem>>, vector<16xi32>,
        %dma_start3A = arith.constant 0 : i32
        %dma_start3A_354 = arith.constant 0 : i32
        %dma_start3A_355 = tpu.memref_slice %arg9[%dma_start3A, %dma_start3A_354] : memref<2x128xi32, #tpu.memory_space<vmem>> -> memref<1x128xi32, #tpu.memory_space<vmem>>
        %dma_start3A_356 = tpu.memref_squeeze %dma_start3A_355 : memref<1x128xi32, #tpu.memory_space<vmem>> -> memref<128xi32, #tpu.memory_space<vmem>>
        %dma_start3A_357 = arith.constant 0 : i32
        %dma_start3A_358 = arith.constant 0 : i32
        %dma_start3A_359 = tpu.memref_slice %arg2[%dma_start3A_357, %dma_start3A_358] : memref<20000x128xf32, #tpu.memory_space<hbm>> -> memref<20000x128xf32, #tpu.memory_space<hbm>>
        tpu.enqueue_indirect_dma source(%dma_start3A_359 : memref<20000x128xf32, #tpu.memory_space<hbm>>) target(%arg11 : memref<128x128xf32, #tpu.memory_space<vmem>>) offsets(%dma_start3A_356 : memref<128xi32, #tpu.memory_space<vmem>>) semaphore(%arg15 : memref<!tpu.dma_semaphore, #tpu.memory_space<semaphore_mem>>)
      } else {
      }
      %add3A_173 = arith.constant 2 : i32
      %add3A_174 = arith.addi %add3A_164, %add3A_173 : i32
      %mul3A_175 = arith.constant 16 : i32
      %mul3A_176 = arith.muli %mul3A_175, %add3A_174 : i32
      %add3A_177 = arith.addi %arg1, %mul3A_176 : i32
      %lt3A_178 = arith.constant 1250 : i32
      %lt3A_179 = arith.cmpi slt, %add3A_177, %lt3A_178 : i32
      %convert_element_type3A_180 = arith.extui %lt3A_179 : i1 to i32
      %cond3A_181 = arith.constant 0 : i32
      %cond3A_182 = arith.cmpi ne, %convert_element_type3A_180, %cond3A_181 : i32
      scf.if %cond3A_182 {
        %mul3A_247 = arith.constant 128 : i32
        %mul3A_248 = arith.muli %add3A_177, %mul3A_247 : i32
        %multiple_of3A = tpu.assume_multiple %mul3A_248, 128 : i32
        %dma_start3A = arith.constant 0 : i32
        %dma_start3A_249 = tpu.memref_slice %arg3[%dma_start3A, %multiple_of3A] : memref<2x160000xi32, #tpu.memory_space<hbm>> -> memref<2x128xi32, #tpu.memory_space<hbm>>
        %dma_start3A_250 = arith.constant 0 : i32
        %dma_start3A_251 = tpu.memref_slice %arg3[%dma_start3A_250, %multiple_of3A] : memref<2x160000xi32, #tpu.memory_space<hbm>> -> memref<2x128xi32, #tpu.memory_space<hbm>>
        tpu.enqueue_dma source(%dma_start3A_251 : memref<2x128xi32, #tpu.memory_space<hbm>>) target(%arg7 : memref<2x128xi32, #tpu.memory_space<vmem>>) target_semaphore(%arg17 : memref<!tpu.dma_semaphore, #tpu.memory_space<semaphore_mem>>)
      } else {
      }
      %add3A_183 = arith.constant 2 : i32
      %add3A_184 = arith.addi %mul3A_118, %add3A_183 : i32
      %mul3A_185 = arith.constant 16 : i32
      %mul3A_186 = arith.muli %mul3A_185, %add3A_184 : i32
      %add3A_187 = arith.addi %arg1, %mul3A_186 : i32
      %lt3A_188 = arith.constant 1250 : i32
      %lt3A_189 = arith.cmpi slt, %add3A_187, %lt3A_188 : i32
      %convert_element_type3A_190 = arith.extui %lt3A_189 : i1 to i32
      %cond3A_191 = arith.constant 0 : i32
      %cond3A_192 = arith.cmpi ne, %convert_element_type3A_190, %cond3A_191 : i32
      scf.if %cond3A_192 {
        %dma_wait3A = arith.constant 0 : i32
        %dma_wait3A_247 = arith.constant 0 : i32
        %dma_wait3A_248 = tpu.memref_slice %arg8[%dma_wait3A, %dma_wait3A_247] : memref<2x128xi32, #tpu.memory_space<vmem>> -> memref<1x128xi32, #tpu.memory_space<vmem>>
        %dma_wait3A_249 = tpu.memref_squeeze %dma_wait3A_248 : memref<1x128xi32, #tpu.memory_space<vmem>> -> memref<128xi32, #tpu.memory_space<vmem>>
        %dma_wait3A_250 = arith.constant 0 : i32
        %dma_wait3A_251 = arith.constant 0 : i32
        %dma_wait3A_252 = tpu.memref_slice %arg2[%dma_wait3A_250, %dma_wait3A_251] : memref<20000x128xf32, #tpu.memory_space<hbm>> -> memref<20000x128xf32, #tpu.memory_space<hbm>>
        tpu.wait_indirect_dma semaphore(%arg14 : memref<!tpu.dma_semaphore, #tpu.memory_space<semaphore_mem>>) src(%dma_wait3A_252 : memref<20000x128xf32, #tpu.memory_space<hbm>>) dst(%arg10 : memref<128x128xf32, #tpu.memory_space<vmem>>)
        %run_scoped3A_253 = arith.constant 1 : i32
        "tpu.region"() ({
          %run_scoped3A_279 = tpu.sem_alloc : memref<!tpu.dma_semaphore, #tpu.memory_space<semaphore_mem>>
          %dma_start3A = arith.constant 0 : i32
          %dma_start3A_280 = tpu.memref_slice %arg8[%run_scoped3A_253, %dma_start3A] : memref<2x128xi32, #tpu.memory_space<vmem>> -> memref<1x128xi32, #tpu.memory_space<vmem>>
          %dma_start3A_281 = tpu.memref_squeeze %dma_start3A_280 : memref<1x128xi32, #tpu.memory_space<vmem>> -> memref<128xi32, #tpu.memory_space<vmem>>
          %dma_start3A_282 = arith.constant 0 : i32
          %dma_start3A_283 = arith.constant 0 : i32
          %dma_start3A_284 = tpu.memref_slice %arg13[%dma_start3A_282, %dma_start3A_283] : memref<10000x128xf32, #tpu.memory_space<vmem_shared>> -> memref<10000x128xf32, #tpu.memory_space<vmem_shared>>
          tpu.enqueue_indirect_dma source(%arg10 : memref<128x128xf32, #tpu.memory_space<vmem>>) target(%dma_start3A_284 : memref<10000x128xf32, #tpu.memory_space<vmem_shared>>) offsets(%dma_start3A_281 : memref<128xi32, #tpu.memory_space<vmem>>) semaphore(%run_scoped3A_279 : memref<!tpu.dma_semaphore, #tpu.memory_space<semaphore_mem>>) {add = true}
          %dma_wait3A_285 = arith.constant 0 : i32
          %dma_wait3A_286 = tpu.memref_slice %arg8[%run_scoped3A_253, %dma_wait3A_285] : memref<2x128xi32, #tpu.memory_space<vmem>> -> memref<1x128xi32, #tpu.memory_space<vmem>>
          %dma_wait3A_287 = tpu.memref_squeeze %dma_wait3A_286 : memref<1x128xi32, #tpu.memory_space<vmem>> -> memref<128xi32, #tpu.memory_space<vmem>>
          %dma_wait3A_288 = arith.constant 0 : i32
          %dma_wait3A_289 = arith.constant 0 : i32
          %dma_wait3A_290 = tpu.memref_slice %arg13[%dma_wait3A_288, %dma_wait3A_289] : memref<10000x128xf32, #tpu.memory_space<vmem_shared>> -> memref<10000x128xf32, #tpu.memory_space<vmem_shared>>
          tpu.wait_indirect_dma semaphore(%run_scoped3A_279 : memref<!tpu.dma_semaphore, #tpu.memory_space<semaphore_mem>>) src(%arg10 : memref<128x128xf32, #tpu.memory_space<vmem>>) dst(%dma_wait3A_290 : memref<10000x128xf32, #tpu.memory_space<vmem_shared>>)
          tpu.yield
        }) : () -> ()
        %mul3A_254 = arith.constant 64 : i32
        %mul3A_255 = arith.muli %arg0, %mul3A_254 : i32
        %add3A_256 = arith.constant 0 : i32
        %add3A_257 = arith.addi %mul3A_255, %add3A_256 : i32
        %get3A = arith.constant 1 : i64
        %get3A_258 = arith.index_cast %get3A : i64 to index
        %get3A_259 = arith.index_cast %add3A_257 : i32 to index
        %get3A_260 = tpu.vector_load %arg8[%get3A_258, %get3A_259] {strides = array<i32>} : memref<2x128xi32, #tpu.memory_space<vmem>>, vector<16xi32>,
        tpu.vector_store_idx %arg12[%get3A_260], %broadcast_in_dim3A_29 {add = true} : memref<10000xf32, #tpu.memory_space<vmem>>[vector<16xi32>], vector<16xf32>,
        %add3A_261 = arith.constant 16 : i32
        %add3A_262 = arith.addi %mul3A_255, %add3A_261 : i32
        %get3A_263 = arith.constant 1 : i64
        %get3A_264 = arith.index_cast %get3A_263 : i64 to index
        %get3A_265 = arith.index_cast %add3A_262 : i32 to index
        %get3A_266 = tpu.vector_load %arg8[%get3A_264, %get3A_265] {strides = array<i32>} : memref<2x128xi32, #tpu.memory_space<vmem>>, vector<16xi32>,
        tpu.vector_store_idx %arg12[%get3A_266], %broadcast_in_dim3A_29 {add = true} : memref<10000xf32, #tpu.memory_space<vmem>>[vector<16xi32>], vector<16xf32>,
        %add3A_267 = arith.constant 32 : i32
        %add3A_268 = arith.addi %mul3A_255, %add3A_267 : i32
        %get3A_269 = arith.constant 1 : i64
        %get3A_270 = arith.index_cast %get3A_269 : i64 to index
        %get3A_271 = arith.index_cast %add3A_268 : i32 to index
        %get3A_272 = tpu.vector_load %arg8[%get3A_270, %get3A_271] {strides = array<i32>} : memref<2x128xi32, #tpu.memory_space<vmem>>, vector<16xi32>,
        tpu.vector_store_idx %arg12[%get3A_272], %broadcast_in_dim3A_29 {add = true} : memref<10000xf32, #tpu.memory_space<vmem>>[vector<16xi32>], vector<16xf32>,
        %add3A_273 = arith.constant 48 : i32
        %add3A_274 = arith.addi %mul3A_255, %add3A_273 : i32
        %get3A_275 = arith.constant 1 : i64
        %get3A_276 = arith.index_cast %get3A_275 : i64 to index
        %get3A_277 = arith.index_cast %add3A_274 : i32 to index
        %get3A_278 = tpu.vector_load %arg8[%get3A_276, %get3A_277] {strides = array<i32>} : memref<2x128xi32, #tpu.memory_space<vmem>>, vector<16xi32>,
        tpu.vector_store_idx %arg12[%get3A_278], %broadcast_in_dim3A_29 {add = true} : memref<10000xf32, #tpu.memory_space<vmem>>[vector<16xi32>], vector<16xf32>,
      } else {
      }
      %add3A_193 = arith.constant 2 : i32
      %add3A_194 = arith.addi %mul3A_118, %add3A_193 : i32
      %add3A_195 = arith.constant 2 : i32
      %add3A_196 = arith.addi %add3A_194, %add3A_195 : i32
      %mul3A_197 = arith.constant 16 : i32
      %mul3A_198 = arith.muli %mul3A_197, %add3A_196 : i32
      %add3A_199 = arith.addi %arg1, %mul3A_198 : i32
      %lt3A_200 = arith.constant 1250 : i32
      %lt3A_201 = arith.cmpi slt, %add3A_199, %lt3A_200 : i32
      %convert_element_type3A_202 = arith.extui %lt3A_201 : i1 to i32
      %cond3A_203 = arith.constant 0 : i32
      %cond3A_204 = arith.cmpi ne, %convert_element_type3A_202, %cond3A_203 : i32
      scf.if %cond3A_204 {
        %mul3A_247 = arith.constant 128 : i32
        %mul3A_248 = arith.muli %add3A_199, %mul3A_247 : i32
        %multiple_of3A = tpu.assume_multiple %mul3A_248, 128 : i32
        %dma_wait3A = arith.constant 0 : i32
        %dma_wait3A_249 = tpu.memref_slice %arg3[%dma_wait3A, %multiple_of3A] : memref<2x160000xi32, #tpu.memory_space<hbm>> -> memref<2x128xi32, #tpu.memory_space<hbm>>
        %dma_wait3A_250 = arith.constant 0 : i32
        %dma_wait3A_251 = tpu.memref_slice %arg3[%dma_wait3A_250, %multiple_of3A] : memref<2x160000xi32, #tpu.memory_space<hbm>> -> memref<2x128xi32, #tpu.memory_space<hbm>>
        tpu.wait_dma2 semaphore(%arg16 : memref<!tpu.dma_semaphore, #tpu.memory_space<semaphore_mem>>) src(%dma_wait3A_251 : memref<2x128xi32, #tpu.memory_space<hbm>>) dst(%arg6 : memref<2x128xi32, #tpu.memory_space<vmem>>)
        %get3A = arith.constant 0 : i64
        %get3A_252 = arith.index_cast %get3A : i64 to index
        %get3A_253 = arith.constant 0 : index
        %get3A_254 = tpu.vector_load %arg6[%get3A_252, %get3A_253] {strides = array<i32>} : memref<2x128xi32, #tpu.memory_space<vmem>>, vector<16xi32>,
        %mul3A_255 = arith.constant 2 : i32
        %mul3A_256 = vector.broadcast %mul3A_255 : i32 to vector<16xi32>
        %mul3A_257 = arith.muli %get3A_254, %mul3A_256 : vector<16xi32>
        %add3A_258 = vector.broadcast %arg0 : i32 to vector<16xi32>
        %add3A_259 = arith.addi %mul3A_257, %add3A_258 : vector<16xi32>
        %swap3A = arith.constant 0 : i64
        %swap3A_260 = arith.index_cast %swap3A : i64 to index
        %swap3A_261 = arith.constant 0 : index
        %swap3A_262 = tpu.vector_load %arg6[%swap3A_260, %swap3A_261] {strides = array<i32>} : memref<2x128xi32, #tpu.memory_space<vmem>>, vector<16xi32>,
        tpu.vector_store %arg6[%swap3A_260, %swap3A_261], %add3A_259 {strides = array<i32>} : memref<2x128xi32, #tpu.memory_space<vmem>>, vector<16xi32>,
        %get3A_263 = arith.constant 0 : i64
        %get3A_264 = arith.index_cast %get3A_263 : i64 to index
        %get3A_265 = arith.constant 16 : index
        %get3A_266 = tpu.vector_load %arg6[%get3A_264, %get3A_265] {strides = array<i32>} : memref<2x128xi32, #tpu.memory_space<vmem>>, vector<16xi32>,
        %mul3A_267 = arith.constant 2 : i32
        %mul3A_268 = vector.broadcast %mul3A_267 : i32 to vector<16xi32>
        %mul3A_269 = arith.muli %get3A_266, %mul3A_268 : vector<16xi32>
        %add3A_270 = vector.broadcast %arg0 : i32 to vector<16xi32>
        %add3A_271 = arith.addi %mul3A_269, %add3A_270 : vector<16xi32>
        %swap3A_272 = arith.constant 0 : i64
        %swap3A_273 = arith.index_cast %swap3A_272 : i64 to index
        %swap3A_274 = arith.constant 16 : index
        %swap3A_275 = tpu.vector_load %arg6[%swap3A_273, %swap3A_274] {strides = array<i32>} : memref<2x128xi32, #tpu.memory_space<vmem>>, vector<16xi32>,
        tpu.vector_store %arg6[%swap3A_273, %swap3A_274], %add3A_271 {strides = array<i32>} : memref<2x128xi32, #tpu.memory_space<vmem>>, vector<16xi32>,
        %get3A_276 = arith.constant 0 : i64
        %get3A_277 = arith.index_cast %get3A_276 : i64 to index
        %get3A_278 = arith.constant 32 : index
        %get3A_279 = tpu.vector_load %arg6[%get3A_277, %get3A_278] {strides = array<i32>} : memref<2x128xi32, #tpu.memory_space<vmem>>, vector<16xi32>,
        %mul3A_280 = arith.constant 2 : i32
        %mul3A_281 = vector.broadcast %mul3A_280 : i32 to vector<16xi32>
        %mul3A_282 = arith.muli %get3A_279, %mul3A_281 : vector<16xi32>
        %add3A_283 = vector.broadcast %arg0 : i32 to vector<16xi32>
        %add3A_284 = arith.addi %mul3A_282, %add3A_283 : vector<16xi32>
        %swap3A_285 = arith.constant 0 : i64
        %swap3A_286 = arith.index_cast %swap3A_285 : i64 to index
        %swap3A_287 = arith.constant 32 : index
        %swap3A_288 = tpu.vector_load %arg6[%swap3A_286, %swap3A_287] {strides = array<i32>} : memref<2x128xi32, #tpu.memory_space<vmem>>, vector<16xi32>,
        tpu.vector_store %arg6[%swap3A_286, %swap3A_287], %add3A_284 {strides = array<i32>} : memref<2x128xi32, #tpu.memory_space<vmem>>, vector<16xi32>,
        %get3A_289 = arith.constant 0 : i64
        %get3A_290 = arith.index_cast %get3A_289 : i64 to index
        %get3A_291 = arith.constant 48 : index
        %get3A_292 = tpu.vector_load %arg6[%get3A_290, %get3A_291] {strides = array<i32>} : memref<2x128xi32, #tpu.memory_space<vmem>>, vector<16xi32>,
        %mul3A_293 = arith.constant 2 : i32
        %mul3A_294 = vector.broadcast %mul3A_293 : i32 to vector<16xi32>
        %mul3A_295 = arith.muli %get3A_292, %mul3A_294 : vector<16xi32>
        %add3A_296 = vector.broadcast %arg0 : i32 to vector<16xi32>
        %add3A_297 = arith.addi %mul3A_295, %add3A_296 : vector<16xi32>
        %swap3A_298 = arith.constant 0 : i64
        %swap3A_299 = arith.index_cast %swap3A_298 : i64 to index
        %swap3A_300 = arith.constant 48 : index
        %swap3A_301 = tpu.vector_load %arg6[%swap3A_299, %swap3A_300] {strides = array<i32>} : memref<2x128xi32, #tpu.memory_space<vmem>>, vector<16xi32>,
        tpu.vector_store %arg6[%swap3A_299, %swap3A_300], %add3A_297 {strides = array<i32>} : memref<2x128xi32, #tpu.memory_space<vmem>>, vector<16xi32>,
        %get3A_302 = arith.constant 0 : i64
        %get3A_303 = arith.index_cast %get3A_302 : i64 to index
        %get3A_304 = arith.constant 64 : index
        %get3A_305 = tpu.vector_load %arg6[%get3A_303, %get3A_304] {strides = array<i32>} : memref<2x128xi32, #tpu.memory_space<vmem>>, vector<16xi32>,
        %mul3A_306 = arith.constant 2 : i32
        %mul3A_307 = vector.broadcast %mul3A_306 : i32 to vector<16xi32>
        %mul3A_308 = arith.muli %get3A_305, %mul3A_307 : vector<16xi32>
        %add3A_309 = vector.broadcast %arg0 : i32 to vector<16xi32>
        %add3A_310 = arith.addi %mul3A_308, %add3A_309 : vector<16xi32>
        %swap3A_311 = arith.constant 0 : i64
        %swap3A_312 = arith.index_cast %swap3A_311 : i64 to index
        %swap3A_313 = arith.constant 64 : index
        %swap3A_314 = tpu.vector_load %arg6[%swap3A_312, %swap3A_313] {strides = array<i32>} : memref<2x128xi32, #tpu.memory_space<vmem>>, vector<16xi32>,
        tpu.vector_store %arg6[%swap3A_312, %swap3A_313], %add3A_310 {strides = array<i32>} : memref<2x128xi32, #tpu.memory_space<vmem>>, vector<16xi32>,
        %get3A_315 = arith.constant 0 : i64
        %get3A_316 = arith.index_cast %get3A_315 : i64 to index
        %get3A_317 = arith.constant 80 : index
        %get3A_318 = tpu.vector_load %arg6[%get3A_316, %get3A_317] {strides = array<i32>} : memref<2x128xi32, #tpu.memory_space<vmem>>, vector<16xi32>,
        %mul3A_319 = arith.constant 2 : i32
        %mul3A_320 = vector.broadcast %mul3A_319 : i32 to vector<16xi32>
        %mul3A_321 = arith.muli %get3A_318, %mul3A_320 : vector<16xi32>
        %add3A_322 = vector.broadcast %arg0 : i32 to vector<16xi32>
        %add3A_323 = arith.addi %mul3A_321, %add3A_322 : vector<16xi32>
        %swap3A_324 = arith.constant 0 : i64
        %swap3A_325 = arith.index_cast %swap3A_324 : i64 to index
        %swap3A_326 = arith.constant 80 : index
        %swap3A_327 = tpu.vector_load %arg6[%swap3A_325, %swap3A_326] {strides = array<i32>} : memref<2x128xi32, #tpu.memory_space<vmem>>, vector<16xi32>,
        tpu.vector_store %arg6[%swap3A_325, %swap3A_326], %add3A_323 {strides = array<i32>} : memref<2x128xi32, #tpu.memory_space<vmem>>, vector<16xi32>,
        %get3A_328 = arith.constant 0 : i64
        %get3A_329 = arith.index_cast %get3A_328 : i64 to index
        %get3A_330 = arith.constant 96 : index
        %get3A_331 = tpu.vector_load %arg6[%get3A_329, %get3A_330] {strides = array<i32>} : memref<2x128xi32, #tpu.memory_space<vmem>>, vector<16xi32>,
        %mul3A_332 = arith.constant 2 : i32
        %mul3A_333 = vector.broadcast %mul3A_332 : i32 to vector<16xi32>
        %mul3A_334 = arith.muli %get3A_331, %mul3A_333 : vector<16xi32>
        %add3A_335 = vector.broadcast %arg0 : i32 to vector<16xi32>
        %add3A_336 = arith.addi %mul3A_334, %add3A_335 : vector<16xi32>
        %swap3A_337 = arith.constant 0 : i64
        %swap3A_338 = arith.index_cast %swap3A_337 : i64 to index
        %swap3A_339 = arith.constant 96 : index
        %swap3A_340 = tpu.vector_load %arg6[%swap3A_338, %swap3A_339] {strides = array<i32>} : memref<2x128xi32, #tpu.memory_space<vmem>>, vector<16xi32>,
        tpu.vector_store %arg6[%swap3A_338, %swap3A_339], %add3A_336 {strides = array<i32>} : memref<2x128xi32, #tpu.memory_space<vmem>>, vector<16xi32>,
        %get3A_341 = arith.constant 0 : i64
        %get3A_342 = arith.index_cast %get3A_341 : i64 to index
        %get3A_343 = arith.constant 112 : index
        %get3A_344 = tpu.vector_load %arg6[%get3A_342, %get3A_343] {strides = array<i32>} : memref<2x128xi32, #tpu.memory_space<vmem>>, vector<16xi32>,
        %mul3A_345 = arith.constant 2 : i32
        %mul3A_346 = vector.broadcast %mul3A_345 : i32 to vector<16xi32>
        %mul3A_347 = arith.muli %get3A_344, %mul3A_346 : vector<16xi32>
        %add3A_348 = vector.broadcast %arg0 : i32 to vector<16xi32>
        %add3A_349 = arith.addi %mul3A_347, %add3A_348 : vector<16xi32>
        %swap3A_350 = arith.constant 0 : i64
        %swap3A_351 = arith.index_cast %swap3A_350 : i64 to index
        %swap3A_352 = arith.constant 112 : index
        %swap3A_353 = tpu.vector_load %arg6[%swap3A_351, %swap3A_352] {strides = array<i32>} : memref<2x128xi32, #tpu.memory_space<vmem>>, vector<16xi32>,
        tpu.vector_store %arg6[%swap3A_351, %swap3A_352], %add3A_349 {strides = array<i32>} : memref<2x128xi32, #tpu.memory_space<vmem>>, vector<16xi32>,
        %dma_start3A = arith.constant 0 : i32
        %dma_start3A_354 = arith.constant 0 : i32
        %dma_start3A_355 = tpu.memref_slice %arg6[%dma_start3A, %dma_start3A_354] : memref<2x128xi32, #tpu.memory_space<vmem>> -> memref<1x128xi32, #tpu.memory_space<vmem>>
        %dma_start3A_356 = tpu.memref_squeeze %dma_start3A_355 : memref<1x128xi32, #tpu.memory_space<vmem>> -> memref<128xi32, #tpu.memory_space<vmem>>
        %dma_start3A_357 = arith.constant 0 : i32
        %dma_start3A_358 = arith.constant 0 : i32
        %dma_start3A_359 = tpu.memref_slice %arg2[%dma_start3A_357, %dma_start3A_358] : memref<20000x128xf32, #tpu.memory_space<hbm>> -> memref<20000x128xf32, #tpu.memory_space<hbm>>
        tpu.enqueue_indirect_dma source(%dma_start3A_359 : memref<20000x128xf32, #tpu.memory_space<hbm>>) target(%arg10 : memref<128x128xf32, #tpu.memory_space<vmem>>) offsets(%dma_start3A_356 : memref<128xi32, #tpu.memory_space<vmem>>) semaphore(%arg14 : memref<!tpu.dma_semaphore, #tpu.memory_space<semaphore_mem>>)
      } else {
      }
      %add3A_205 = arith.constant 2 : i32
      %add3A_206 = arith.addi %add3A_196, %add3A_205 : i32
      %mul3A_207 = arith.constant 16 : i32
      %mul3A_208 = arith.muli %mul3A_207, %add3A_206 : i32
      %add3A_209 = arith.addi %arg1, %mul3A_208 : i32
      %lt3A_210 = arith.constant 1250 : i32
      %lt3A_211 = arith.cmpi slt, %add3A_209, %lt3A_210 : i32
      %convert_element_type3A_212 = arith.extui %lt3A_211 : i1 to i32
      %cond3A_213 = arith.constant 0 : i32
      %cond3A_214 = arith.cmpi ne, %convert_element_type3A_212, %cond3A_213 : i32
      scf.if %cond3A_214 {
        %mul3A_247 = arith.constant 128 : i32
        %mul3A_248 = arith.muli %add3A_209, %mul3A_247 : i32
        %multiple_of3A = tpu.assume_multiple %mul3A_248, 128 : i32
        %dma_start3A = arith.constant 0 : i32
        %dma_start3A_249 = tpu.memref_slice %arg3[%dma_start3A, %multiple_of3A] : memref<2x160000xi32, #tpu.memory_space<hbm>> -> memref<2x128xi32, #tpu.memory_space<hbm>>
        %dma_start3A_250 = arith.constant 0 : i32
        %dma_start3A_251 = tpu.memref_slice %arg3[%dma_start3A_250, %multiple_of3A] : memref<2x160000xi32, #tpu.memory_space<hbm>> -> memref<2x128xi32, #tpu.memory_space<hbm>>
        tpu.enqueue_dma source(%dma_start3A_251 : memref<2x128xi32, #tpu.memory_space<hbm>>) target(%arg8 : memref<2x128xi32, #tpu.memory_space<vmem>>) target_semaphore(%arg18 : memref<!tpu.dma_semaphore, #tpu.memory_space<semaphore_mem>>)
      } else {
      }
      %add3A_215 = arith.constant 3 : i32
      %add3A_216 = arith.addi %mul3A_118, %add3A_215 : i32
      %mul3A_217 = arith.constant 16 : i32
      %mul3A_218 = arith.muli %mul3A_217, %add3A_216 : i32
      %add3A_219 = arith.addi %arg1, %mul3A_218 : i32
      %lt3A_220 = arith.constant 1250 : i32
      %lt3A_221 = arith.cmpi slt, %add3A_219, %lt3A_220 : i32
      %convert_element_type3A_222 = arith.extui %lt3A_221 : i1 to i32
      %cond3A_223 = arith.constant 0 : i32
      %cond3A_224 = arith.cmpi ne, %convert_element_type3A_222, %cond3A_223 : i32
      scf.if %cond3A_224 {
        %dma_wait3A = arith.constant 0 : i32
        %dma_wait3A_247 = arith.constant 0 : i32
        %dma_wait3A_248 = tpu.memref_slice %arg9[%dma_wait3A, %dma_wait3A_247] : memref<2x128xi32, #tpu.memory_space<vmem>> -> memref<1x128xi32, #tpu.memory_space<vmem>>
        %dma_wait3A_249 = tpu.memref_squeeze %dma_wait3A_248 : memref<1x128xi32, #tpu.memory_space<vmem>> -> memref<128xi32, #tpu.memory_space<vmem>>
        %dma_wait3A_250 = arith.constant 0 : i32
        %dma_wait3A_251 = arith.constant 0 : i32
        %dma_wait3A_252 = tpu.memref_slice %arg2[%dma_wait3A_250, %dma_wait3A_251] : memref<20000x128xf32, #tpu.memory_space<hbm>> -> memref<20000x128xf32, #tpu.memory_space<hbm>>
        tpu.wait_indirect_dma semaphore(%arg15 : memref<!tpu.dma_semaphore, #tpu.memory_space<semaphore_mem>>) src(%dma_wait3A_252 : memref<20000x128xf32, #tpu.memory_space<hbm>>) dst(%arg11 : memref<128x128xf32, #tpu.memory_space<vmem>>)
        %run_scoped3A_253 = arith.constant 1 : i32
        "tpu.region"() ({
          %run_scoped3A_279 = tpu.sem_alloc : memref<!tpu.dma_semaphore, #tpu.memory_space<semaphore_mem>>
          %dma_start3A = arith.constant 0 : i32
          %dma_start3A_280 = tpu.memref_slice %arg9[%run_scoped3A_253, %dma_start3A] : memref<2x128xi32, #tpu.memory_space<vmem>> -> memref<1x128xi32, #tpu.memory_space<vmem>>
          %dma_start3A_281 = tpu.memref_squeeze %dma_start3A_280 : memref<1x128xi32, #tpu.memory_space<vmem>> -> memref<128xi32, #tpu.memory_space<vmem>>
          %dma_start3A_282 = arith.constant 0 : i32
          %dma_start3A_283 = arith.constant 0 : i32
          %dma_start3A_284 = tpu.memref_slice %arg13[%dma_start3A_282, %dma_start3A_283] : memref<10000x128xf32, #tpu.memory_space<vmem_shared>> -> memref<10000x128xf32, #tpu.memory_space<vmem_shared>>
          tpu.enqueue_indirect_dma source(%arg11 : memref<128x128xf32, #tpu.memory_space<vmem>>) target(%dma_start3A_284 : memref<10000x128xf32, #tpu.memory_space<vmem_shared>>) offsets(%dma_start3A_281 : memref<128xi32, #tpu.memory_space<vmem>>) semaphore(%run_scoped3A_279 : memref<!tpu.dma_semaphore, #tpu.memory_space<semaphore_mem>>) {add = true}
          %dma_wait3A_285 = arith.constant 0 : i32
          %dma_wait3A_286 = tpu.memref_slice %arg9[%run_scoped3A_253, %dma_wait3A_285] : memref<2x128xi32, #tpu.memory_space<vmem>> -> memref<1x128xi32, #tpu.memory_space<vmem>>
          %dma_wait3A_287 = tpu.memref_squeeze %dma_wait3A_286 : memref<1x128xi32, #tpu.memory_space<vmem>> -> memref<128xi32, #tpu.memory_space<vmem>>
          %dma_wait3A_288 = arith.constant 0 : i32
          %dma_wait3A_289 = arith.constant 0 : i32
          %dma_wait3A_290 = tpu.memref_slice %arg13[%dma_wait3A_288, %dma_wait3A_289] : memref<10000x128xf32, #tpu.memory_space<vmem_shared>> -> memref<10000x128xf32, #tpu.memory_space<vmem_shared>>
          tpu.wait_indirect_dma semaphore(%run_scoped3A_279 : memref<!tpu.dma_semaphore, #tpu.memory_space<semaphore_mem>>) src(%arg11 : memref<128x128xf32, #tpu.memory_space<vmem>>) dst(%dma_wait3A_290 : memref<10000x128xf32, #tpu.memory_space<vmem_shared>>)
          tpu.yield
        }) : () -> ()
        %mul3A_254 = arith.constant 64 : i32
        %mul3A_255 = arith.muli %arg0, %mul3A_254 : i32
        %add3A_256 = arith.constant 0 : i32
        %add3A_257 = arith.addi %mul3A_255, %add3A_256 : i32
        %get3A = arith.constant 1 : i64
        %get3A_258 = arith.index_cast %get3A : i64 to index
        %get3A_259 = arith.index_cast %add3A_257 : i32 to index
        %get3A_260 = tpu.vector_load %arg9[%get3A_258, %get3A_259] {strides = array<i32>} : memref<2x128xi32, #tpu.memory_space<vmem>>, vector<16xi32>,
        tpu.vector_store_idx %arg12[%get3A_260], %broadcast_in_dim3A_29 {add = true} : memref<10000xf32, #tpu.memory_space<vmem>>[vector<16xi32>], vector<16xf32>,
        %add3A_261 = arith.constant 16 : i32
        %add3A_262 = arith.addi %mul3A_255, %add3A_261 : i32
        %get3A_263 = arith.constant 1 : i64
        %get3A_264 = arith.index_cast %get3A_263 : i64 to index
        %get3A_265 = arith.index_cast %add3A_262 : i32 to index
        %get3A_266 = tpu.vector_load %arg9[%get3A_264, %get3A_265] {strides = array<i32>} : memref<2x128xi32, #tpu.memory_space<vmem>>, vector<16xi32>,
        tpu.vector_store_idx %arg12[%get3A_266], %broadcast_in_dim3A_29 {add = true} : memref<10000xf32, #tpu.memory_space<vmem>>[vector<16xi32>], vector<16xf32>,
        %add3A_267 = arith.constant 32 : i32
        %add3A_268 = arith.addi %mul3A_255, %add3A_267 : i32
        %get3A_269 = arith.constant 1 : i64
        %get3A_270 = arith.index_cast %get3A_269 : i64 to index
        %get3A_271 = arith.index_cast %add3A_268 : i32 to index
        %get3A_272 = tpu.vector_load %arg9[%get3A_270, %get3A_271] {strides = array<i32>} : memref<2x128xi32, #tpu.memory_space<vmem>>, vector<16xi32>,
        tpu.vector_store_idx %arg12[%get3A_272], %broadcast_in_dim3A_29 {add = true} : memref<10000xf32, #tpu.memory_space<vmem>>[vector<16xi32>], vector<16xf32>,
        %add3A_273 = arith.constant 48 : i32
        %add3A_274 = arith.addi %mul3A_255, %add3A_273 : i32
        %get3A_275 = arith.constant 1 : i64
        %get3A_276 = arith.index_cast %get3A_275 : i64 to index
        %get3A_277 = arith.index_cast %add3A_274 : i32 to index
        %get3A_278 = tpu.vector_load %arg9[%get3A_276, %get3A_277] {strides = array<i32>} : memref<2x128xi32, #tpu.memory_space<vmem>>, vector<16xi32>,
        tpu.vector_store_idx %arg12[%get3A_278], %broadcast_in_dim3A_29 {add = true} : memref<10000xf32, #tpu.memory_space<vmem>>[vector<16xi32>], vector<16xf32>,
      } else {
      }
      %add3A_225 = arith.constant 3 : i32
      %add3A_226 = arith.addi %mul3A_118, %add3A_225 : i32
      %add3A_227 = arith.constant 2 : i32
      %add3A_228 = arith.addi %add3A_226, %add3A_227 : i32
      %mul3A_229 = arith.constant 16 : i32
      %mul3A_230 = arith.muli %mul3A_229, %add3A_228 : i32
      %add3A_231 = arith.addi %arg1, %mul3A_230 : i32
      %lt3A_232 = arith.constant 1250 : i32
      %lt3A_233 = arith.cmpi slt, %add3A_231, %lt3A_232 : i32
      %convert_element_type3A_234 = arith.extui %lt3A_233 : i1 to i32
      %cond3A_235 = arith.constant 0 : i32
      %cond3A_236 = arith.cmpi ne, %convert_element_type3A_234, %cond3A_235 : i32
      scf.if %cond3A_236 {
        %mul3A_247 = arith.constant 128 : i32
        %mul3A_248 = arith.muli %add3A_231, %mul3A_247 : i32
        %multiple_of3A = tpu.assume_multiple %mul3A_248, 128 : i32
        %dma_wait3A = arith.constant 0 : i32
        %dma_wait3A_249 = tpu.memref_slice %arg3[%dma_wait3A, %multiple_of3A] : memref<2x160000xi32, #tpu.memory_space<hbm>> -> memref<2x128xi32, #tpu.memory_space<hbm>>
        %dma_wait3A_250 = arith.constant 0 : i32
        %dma_wait3A_251 = tpu.memref_slice %arg3[%dma_wait3A_250, %multiple_of3A] : memref<2x160000xi32, #tpu.memory_space<hbm>> -> memref<2x128xi32, #tpu.memory_space<hbm>>
        tpu.wait_dma2 semaphore(%arg17 : memref<!tpu.dma_semaphore, #tpu.memory_space<semaphore_mem>>) src(%dma_wait3A_251 : memref<2x128xi32, #tpu.memory_space<hbm>>) dst(%arg7 : memref<2x128xi32, #tpu.memory_space<vmem>>)
        %get3A = arith.constant 0 : i64
        %get3A_252 = arith.index_cast %get3A : i64 to index
        %get3A_253 = arith.constant 0 : index
        %get3A_254 = tpu.vector_load %arg7[%get3A_252, %get3A_253] {strides = array<i32>} : memref<2x128xi32, #tpu.memory_space<vmem>>, vector<16xi32>,
        %mul3A_255 = arith.constant 2 : i32
        %mul3A_256 = vector.broadcast %mul3A_255 : i32 to vector<16xi32>
        %mul3A_257 = arith.muli %get3A_254, %mul3A_256 : vector<16xi32>
        %add3A_258 = vector.broadcast %arg0 : i32 to vector<16xi32>
        %add3A_259 = arith.addi %mul3A_257, %add3A_258 : vector<16xi32>
        %swap3A = arith.constant 0 : i64
        %swap3A_260 = arith.index_cast %swap3A : i64 to index
        %swap3A_261 = arith.constant 0 : index
        %swap3A_262 = tpu.vector_load %arg7[%swap3A_260, %swap3A_261] {strides = array<i32>} : memref<2x128xi32, #tpu.memory_space<vmem>>, vector<16xi32>,
        tpu.vector_store %arg7[%swap3A_260, %swap3A_261], %add3A_259 {strides = array<i32>} : memref<2x128xi32, #tpu.memory_space<vmem>>, vector<16xi32>,
        %get3A_263 = arith.constant 0 : i64
        %get3A_264 = arith.index_cast %get3A_263 : i64 to index
        %get3A_265 = arith.constant 16 : index
        %get3A_266 = tpu.vector_load %arg7[%get3A_264, %get3A_265] {strides = array<i32>} : memref<2x128xi32, #tpu.memory_space<vmem>>, vector<16xi32>,
        %mul3A_267 = arith.constant 2 : i32
        %mul3A_268 = vector.broadcast %mul3A_267 : i32 to vector<16xi32>
        %mul3A_269 = arith.muli %get3A_266, %mul3A_268 : vector<16xi32>
        %add3A_270 = vector.broadcast %arg0 : i32 to vector<16xi32>
        %add3A_271 = arith.addi %mul3A_269, %add3A_270 : vector<16xi32>
        %swap3A_272 = arith.constant 0 : i64
        %swap3A_273 = arith.index_cast %swap3A_272 : i64 to index
        %swap3A_274 = arith.constant 16 : index
        %swap3A_275 = tpu.vector_load %arg7[%swap3A_273, %swap3A_274] {strides = array<i32>} : memref<2x128xi32, #tpu.memory_space<vmem>>, vector<16xi32>,
        tpu.vector_store %arg7[%swap3A_273, %swap3A_274], %add3A_271 {strides = array<i32>} : memref<2x128xi32, #tpu.memory_space<vmem>>, vector<16xi32>,
        %get3A_276 = arith.constant 0 : i64
        %get3A_277 = arith.index_cast %get3A_276 : i64 to index
        %get3A_278 = arith.constant 32 : index
        %get3A_279 = tpu.vector_load %arg7[%get3A_277, %get3A_278] {strides = array<i32>} : memref<2x128xi32, #tpu.memory_space<vmem>>, vector<16xi32>,
        %mul3A_280 = arith.constant 2 : i32
        %mul3A_281 = vector.broadcast %mul3A_280 : i32 to vector<16xi32>
        %mul3A_282 = arith.muli %get3A_279, %mul3A_281 : vector<16xi32>
        %add3A_283 = vector.broadcast %arg0 : i32 to vector<16xi32>
        %add3A_284 = arith.addi %mul3A_282, %add3A_283 : vector<16xi32>
        %swap3A_285 = arith.constant 0 : i64
        %swap3A_286 = arith.index_cast %swap3A_285 : i64 to index
        %swap3A_287 = arith.constant 32 : index
        %swap3A_288 = tpu.vector_load %arg7[%swap3A_286, %swap3A_287] {strides = array<i32>} : memref<2x128xi32, #tpu.memory_space<vmem>>, vector<16xi32>,
        tpu.vector_store %arg7[%swap3A_286, %swap3A_287], %add3A_284 {strides = array<i32>} : memref<2x128xi32, #tpu.memory_space<vmem>>, vector<16xi32>,
        %get3A_289 = arith.constant 0 : i64
        %get3A_290 = arith.index_cast %get3A_289 : i64 to index
        %get3A_291 = arith.constant 48 : index
        %get3A_292 = tpu.vector_load %arg7[%get3A_290, %get3A_291] {strides = array<i32>} : memref<2x128xi32, #tpu.memory_space<vmem>>, vector<16xi32>,
        %mul3A_293 = arith.constant 2 : i32
        %mul3A_294 = vector.broadcast %mul3A_293 : i32 to vector<16xi32>
        %mul3A_295 = arith.muli %get3A_292, %mul3A_294 : vector<16xi32>
        %add3A_296 = vector.broadcast %arg0 : i32 to vector<16xi32>
        %add3A_297 = arith.addi %mul3A_295, %add3A_296 : vector<16xi32>
        %swap3A_298 = arith.constant 0 : i64
        %swap3A_299 = arith.index_cast %swap3A_298 : i64 to index
        %swap3A_300 = arith.constant 48 : index
        %swap3A_301 = tpu.vector_load %arg7[%swap3A_299, %swap3A_300] {strides = array<i32>} : memref<2x128xi32, #tpu.memory_space<vmem>>, vector<16xi32>,
        tpu.vector_store %arg7[%swap3A_299, %swap3A_300], %add3A_297 {strides = array<i32>} : memref<2x128xi32, #tpu.memory_space<vmem>>, vector<16xi32>,
        %get3A_302 = arith.constant 0 : i64
        %get3A_303 = arith.index_cast %get3A_302 : i64 to index
        %get3A_304 = arith.constant 64 : index
        %get3A_305 = tpu.vector_load %arg7[%get3A_303, %get3A_304] {strides = array<i32>} : memref<2x128xi32, #tpu.memory_space<vmem>>, vector<16xi32>,
        %mul3A_306 = arith.constant 2 : i32
        %mul3A_307 = vector.broadcast %mul3A_306 : i32 to vector<16xi32>
        %mul3A_308 = arith.muli %get3A_305, %mul3A_307 : vector<16xi32>
        %add3A_309 = vector.broadcast %arg0 : i32 to vector<16xi32>
        %add3A_310 = arith.addi %mul3A_308, %add3A_309 : vector<16xi32>
        %swap3A_311 = arith.constant 0 : i64
        %swap3A_312 = arith.index_cast %swap3A_311 : i64 to index
        %swap3A_313 = arith.constant 64 : index
        %swap3A_314 = tpu.vector_load %arg7[%swap3A_312, %swap3A_313] {strides = array<i32>} : memref<2x128xi32, #tpu.memory_space<vmem>>, vector<16xi32>,
        tpu.vector_store %arg7[%swap3A_312, %swap3A_313], %add3A_310 {strides = array<i32>} : memref<2x128xi32, #tpu.memory_space<vmem>>, vector<16xi32>,
        %get3A_315 = arith.constant 0 : i64
        %get3A_316 = arith.index_cast %get3A_315 : i64 to index
        %get3A_317 = arith.constant 80 : index
        %get3A_318 = tpu.vector_load %arg7[%get3A_316, %get3A_317] {strides = array<i32>} : memref<2x128xi32, #tpu.memory_space<vmem>>, vector<16xi32>,
        %mul3A_319 = arith.constant 2 : i32
        %mul3A_320 = vector.broadcast %mul3A_319 : i32 to vector<16xi32>
        %mul3A_321 = arith.muli %get3A_318, %mul3A_320 : vector<16xi32>
        %add3A_322 = vector.broadcast %arg0 : i32 to vector<16xi32>
        %add3A_323 = arith.addi %mul3A_321, %add3A_322 : vector<16xi32>
        %swap3A_324 = arith.constant 0 : i64
        %swap3A_325 = arith.index_cast %swap3A_324 : i64 to index
        %swap3A_326 = arith.constant 80 : index
        %swap3A_327 = tpu.vector_load %arg7[%swap3A_325, %swap3A_326] {strides = array<i32>} : memref<2x128xi32, #tpu.memory_space<vmem>>, vector<16xi32>,
        tpu.vector_store %arg7[%swap3A_325, %swap3A_326], %add3A_323 {strides = array<i32>} : memref<2x128xi32, #tpu.memory_space<vmem>>, vector<16xi32>,
        %get3A_328 = arith.constant 0 : i64
        %get3A_329 = arith.index_cast %get3A_328 : i64 to index
        %get3A_330 = arith.constant 96 : index
        %get3A_331 = tpu.vector_load %arg7[%get3A_329, %get3A_330] {strides = array<i32>} : memref<2x128xi32, #tpu.memory_space<vmem>>, vector<16xi32>,
        %mul3A_332 = arith.constant 2 : i32
        %mul3A_333 = vector.broadcast %mul3A_332 : i32 to vector<16xi32>
        %mul3A_334 = arith.muli %get3A_331, %mul3A_333 : vector<16xi32>
        %add3A_335 = vector.broadcast %arg0 : i32 to vector<16xi32>
        %add3A_336 = arith.addi %mul3A_334, %add3A_335 : vector<16xi32>
        %swap3A_337 = arith.constant 0 : i64
        %swap3A_338 = arith.index_cast %swap3A_337 : i64 to index
        %swap3A_339 = arith.constant 96 : index
        %swap3A_340 = tpu.vector_load %arg7[%swap3A_338, %swap3A_339] {strides = array<i32>} : memref<2x128xi32, #tpu.memory_space<vmem>>, vector<16xi32>,
        tpu.vector_store %arg7[%swap3A_338, %swap3A_339], %add3A_336 {strides = array<i32>} : memref<2x128xi32, #tpu.memory_space<vmem>>, vector<16xi32>,
        %get3A_341 = arith.constant 0 : i64
        %get3A_342 = arith.index_cast %get3A_341 : i64 to index
        %get3A_343 = arith.constant 112 : index
        %get3A_344 = tpu.vector_load %arg7[%get3A_342, %get3A_343] {strides = array<i32>} : memref<2x128xi32, #tpu.memory_space<vmem>>, vector<16xi32>,
        %mul3A_345 = arith.constant 2 : i32
        %mul3A_346 = vector.broadcast %mul3A_345 : i32 to vector<16xi32>
        %mul3A_347 = arith.muli %get3A_344, %mul3A_346 : vector<16xi32>
        %add3A_348 = vector.broadcast %arg0 : i32 to vector<16xi32>
        %add3A_349 = arith.addi %mul3A_347, %add3A_348 : vector<16xi32>
        %swap3A_350 = arith.constant 0 : i64
        %swap3A_351 = arith.index_cast %swap3A_350 : i64 to index
        %swap3A_352 = arith.constant 112 : index
        %swap3A_353 = tpu.vector_load %arg7[%swap3A_351, %swap3A_352] {strides = array<i32>} : memref<2x128xi32, #tpu.memory_space<vmem>>, vector<16xi32>,
        tpu.vector_store %arg7[%swap3A_351, %swap3A_352], %add3A_349 {strides = array<i32>} : memref<2x128xi32, #tpu.memory_space<vmem>>, vector<16xi32>,
        %dma_start3A = arith.constant 0 : i32
        %dma_start3A_354 = arith.constant 0 : i32
        %dma_start3A_355 = tpu.memref_slice %arg7[%dma_start3A, %dma_start3A_354] : memref<2x128xi32, #tpu.memory_space<vmem>> -> memref<1x128xi32, #tpu.memory_space<vmem>>
        %dma_start3A_356 = tpu.memref_squeeze %dma_start3A_355 : memref<1x128xi32, #tpu.memory_space<vmem>> -> memref<128xi32, #tpu.memory_space<vmem>>
        %dma_start3A_357 = arith.constant 0 : i32
        %dma_start3A_358 = arith.constant 0 : i32
        %dma_start3A_359 = tpu.memref_slice %arg2[%dma_start3A_357, %dma_start3A_358] : memref<20000x128xf32, #tpu.memory_space<hbm>> -> memref<20000x128xf32, #tpu.memory_space<hbm>>
        tpu.enqueue_indirect_dma source(%dma_start3A_359 : memref<20000x128xf32, #tpu.memory_space<hbm>>) target(%arg11 : memref<128x128xf32, #tpu.memory_space<vmem>>) offsets(%dma_start3A_356 : memref<128xi32, #tpu.memory_space<vmem>>) semaphore(%arg15 : memref<!tpu.dma_semaphore, #tpu.memory_space<semaphore_mem>>)
      } else {
      }
      %add3A_237 = arith.constant 2 : i32
      %add3A_238 = arith.addi %add3A_228, %add3A_237 : i32
      %mul3A_239 = arith.constant 16 : i32
      %mul3A_240 = arith.muli %mul3A_239, %add3A_238 : i32
      %add3A_241 = arith.addi %arg1, %mul3A_240 : i32
      %lt3A_242 = arith.constant 1250 : i32
      %lt3A_243 = arith.cmpi slt, %add3A_241, %lt3A_242 : i32
      %convert_element_type3A_244 = arith.extui %lt3A_243 : i1 to i32
      %cond3A_245 = arith.constant 0 : i32
      %cond3A_246 = arith.cmpi ne, %convert_element_type3A_244, %cond3A_245 : i32
      scf.if %cond3A_246 {
        %mul3A_247 = arith.constant 128 : i32
        %mul3A_248 = arith.muli %add3A_241, %mul3A_247 : i32
        %multiple_of3A = tpu.assume_multiple %mul3A_248, 128 : i32
        %dma_start3A = arith.constant 0 : i32
        %dma_start3A_249 = tpu.memref_slice %arg3[%dma_start3A, %multiple_of3A] : memref<2x160000xi32, #tpu.memory_space<hbm>> -> memref<2x128xi32, #tpu.memory_space<hbm>>
        %dma_start3A_250 = arith.constant 0 : i32
        %dma_start3A_251 = tpu.memref_slice %arg3[%dma_start3A_250, %multiple_of3A] : memref<2x160000xi32, #tpu.memory_space<hbm>> -> memref<2x128xi32, #tpu.memory_space<hbm>>
        tpu.enqueue_dma source(%dma_start3A_251 : memref<2x128xi32, #tpu.memory_space<hbm>>) target(%arg9 : memref<2x128xi32, #tpu.memory_space<vmem>>) target_semaphore(%arg19 : memref<!tpu.dma_semaphore, #tpu.memory_space<semaphore_mem>>)
      } else {
      }
    }
    %while3A_81 = arith.constant 1 : i32
    scf.for %while3A_116 = %while3A_79 to %while3A_75 step %while3A_81  : i32 {
      %mul3A_117 = arith.constant 4 : i32
      %mul3A_118 = arith.muli %mul3A_117, %while3A_116 : i32
      %add3A_119 = arith.constant 0 : i32
      %add3A_120 = arith.addi %mul3A_118, %add3A_119 : i32
      %mul3A_121 = arith.constant 16 : i32
      %mul3A_122 = arith.muli %mul3A_121, %add3A_120 : i32
      %add3A_123 = arith.addi %arg1, %mul3A_122 : i32
      %lt3A_124 = arith.constant 1250 : i32
      %lt3A_125 = arith.cmpi slt, %add3A_123, %lt3A_124 : i32
      %convert_element_type3A_126 = arith.extui %lt3A_125 : i1 to i32
      %cond3A_127 = arith.constant 0 : i32
      %cond3A_128 = arith.cmpi ne, %convert_element_type3A_126, %cond3A_127 : i32
      scf.if %cond3A_128 {
        %dma_wait3A = arith.constant 0 : i32
        %dma_wait3A_247 = arith.constant 0 : i32
        %dma_wait3A_248 = tpu.memref_slice %arg6[%dma_wait3A, %dma_wait3A_247] : memref<2x128xi32, #tpu.memory_space<vmem>> -> memref<1x128xi32, #tpu.memory_space<vmem>>
        %dma_wait3A_249 = tpu.memref_squeeze %dma_wait3A_248 : memref<1x128xi32, #tpu.memory_space<vmem>> -> memref<128xi32, #tpu.memory_space<vmem>>
        %dma_wait3A_250 = arith.constant 0 : i32
        %dma_wait3A_251 = arith.constant 0 : i32
        %dma_wait3A_252 = tpu.memref_slice %arg2[%dma_wait3A_250, %dma_wait3A_251] : memref<20000x128xf32, #tpu.memory_space<hbm>> -> memref<20000x128xf32, #tpu.memory_space<hbm>>
        tpu.wait_indirect_dma semaphore(%arg14 : memref<!tpu.dma_semaphore, #tpu.memory_space<semaphore_mem>>) src(%dma_wait3A_252 : memref<20000x128xf32, #tpu.memory_space<hbm>>) dst(%arg10 : memref<128x128xf32, #tpu.memory_space<vmem>>)
        %run_scoped3A_253 = arith.constant 1 : i32
        "tpu.region"() ({
          %run_scoped3A_279 = tpu.sem_alloc : memref<!tpu.dma_semaphore, #tpu.memory_space<semaphore_mem>>
          %dma_start3A = arith.constant 0 : i32
          %dma_start3A_280 = tpu.memref_slice %arg6[%run_scoped3A_253, %dma_start3A] : memref<2x128xi32, #tpu.memory_space<vmem>> -> memref<1x128xi32, #tpu.memory_space<vmem>>
          %dma_start3A_281 = tpu.memref_squeeze %dma_start3A_280 : memref<1x128xi32, #tpu.memory_space<vmem>> -> memref<128xi32, #tpu.memory_space<vmem>>
          %dma_start3A_282 = arith.constant 0 : i32
          %dma_start3A_283 = arith.constant 0 : i32
          %dma_start3A_284 = tpu.memref_slice %arg13[%dma_start3A_282, %dma_start3A_283] : memref<10000x128xf32, #tpu.memory_space<vmem_shared>> -> memref<10000x128xf32, #tpu.memory_space<vmem_shared>>
          tpu.enqueue_indirect_dma source(%arg10 : memref<128x128xf32, #tpu.memory_space<vmem>>) target(%dma_start3A_284 : memref<10000x128xf32, #tpu.memory_space<vmem_shared>>) offsets(%dma_start3A_281 : memref<128xi32, #tpu.memory_space<vmem>>) semaphore(%run_scoped3A_279 : memref<!tpu.dma_semaphore, #tpu.memory_space<semaphore_mem>>) {add = true}
          %dma_wait3A_285 = arith.constant 0 : i32
          %dma_wait3A_286 = tpu.memref_slice %arg6[%run_scoped3A_253, %dma_wait3A_285] : memref<2x128xi32, #tpu.memory_space<vmem>> -> memref<1x128xi32, #tpu.memory_space<vmem>>
          %dma_wait3A_287 = tpu.memref_squeeze %dma_wait3A_286 : memref<1x128xi32, #tpu.memory_space<vmem>> -> memref<128xi32, #tpu.memory_space<vmem>>
          %dma_wait3A_288 = arith.constant 0 : i32
          %dma_wait3A_289 = arith.constant 0 : i32
          %dma_wait3A_290 = tpu.memref_slice %arg13[%dma_wait3A_288, %dma_wait3A_289] : memref<10000x128xf32, #tpu.memory_space<vmem_shared>> -> memref<10000x128xf32, #tpu.memory_space<vmem_shared>>
          tpu.wait_indirect_dma semaphore(%run_scoped3A_279 : memref<!tpu.dma_semaphore, #tpu.memory_space<semaphore_mem>>) src(%arg10 : memref<128x128xf32, #tpu.memory_space<vmem>>) dst(%dma_wait3A_290 : memref<10000x128xf32, #tpu.memory_space<vmem_shared>>)
          tpu.yield
        }) : () -> ()
        %mul3A_254 = arith.constant 64 : i32
        %mul3A_255 = arith.muli %arg0, %mul3A_254 : i32
        %add3A_256 = arith.constant 0 : i32
        %add3A_257 = arith.addi %mul3A_255, %add3A_256 : i32
        %get3A = arith.constant 1 : i64
        %get3A_258 = arith.index_cast %get3A : i64 to index
        %get3A_259 = arith.index_cast %add3A_257 : i32 to index
        %get3A_260 = tpu.vector_load %arg6[%get3A_258, %get3A_259] {strides = array<i32>} : memref<2x128xi32, #tpu.memory_space<vmem>>, vector<16xi32>,
        tpu.vector_store_idx %arg12[%get3A_260], %broadcast_in_dim3A_29 {add = true} : memref<10000xf32, #tpu.memory_space<vmem>>[vector<16xi32>], vector<16xf32>,
        %add3A_261 = arith.constant 16 : i32
        %add3A_262 = arith.addi %mul3A_255, %add3A_261 : i32
        %get3A_263 = arith.constant 1 : i64
        %get3A_264 = arith.index_cast %get3A_263 : i64 to index
        %get3A_265 = arith.index_cast %add3A_262 : i32 to index
        %get3A_266 = tpu.vector_load %arg6[%get3A_264, %get3A_265] {strides = array<i32>} : memref<2x128xi32, #tpu.memory_space<vmem>>, vector<16xi32>,
        tpu.vector_store_idx %arg12[%get3A_266], %broadcast_in_dim3A_29 {add = true} : memref<10000xf32, #tpu.memory_space<vmem>>[vector<16xi32>], vector<16xf32>,
        %add3A_267 = arith.constant 32 : i32
        %add3A_268 = arith.addi %mul3A_255, %add3A_267 : i32
        %get3A_269 = arith.constant 1 : i64
        %get3A_270 = arith.index_cast %get3A_269 : i64 to index
        %get3A_271 = arith.index_cast %add3A_268 : i32 to index
        %get3A_272 = tpu.vector_load %arg6[%get3A_270, %get3A_271] {strides = array<i32>} : memref<2x128xi32, #tpu.memory_space<vmem>>, vector<16xi32>,
        tpu.vector_store_idx %arg12[%get3A_272], %broadcast_in_dim3A_29 {add = true} : memref<10000xf32, #tpu.memory_space<vmem>>[vector<16xi32>], vector<16xf32>,
        %add3A_273 = arith.constant 48 : i32
        %add3A_274 = arith.addi %mul3A_255, %add3A_273 : i32
        %get3A_275 = arith.constant 1 : i64
        %get3A_276 = arith.index_cast %get3A_275 : i64 to index
        %get3A_277 = arith.index_cast %add3A_274 : i32 to index
        %get3A_278 = tpu.vector_load %arg6[%get3A_276, %get3A_277] {strides = array<i32>} : memref<2x128xi32, #tpu.memory_space<vmem>>, vector<16xi32>,
        tpu.vector_store_idx %arg12[%get3A_278], %broadcast_in_dim3A_29 {add = true} : memref<10000xf32, #tpu.memory_space<vmem>>[vector<16xi32>], vector<16xf32>,
      } else {
      }
      %add3A_129 = arith.constant 0 : i32
      %add3A_130 = arith.addi %mul3A_118, %add3A_129 : i32
      %add3A_131 = arith.constant 2 : i32
      %add3A_132 = arith.addi %add3A_130, %add3A_131 : i32
      %mul3A_133 = arith.constant 16 : i32
      %mul3A_134 = arith.muli %mul3A_133, %add3A_132 : i32
      %add3A_135 = arith.addi %arg1, %mul3A_134 : i32
      %lt3A_136 = arith.constant 1250 : i32
      %lt3A_137 = arith.cmpi slt, %add3A_135, %lt3A_136 : i32
      %convert_element_type3A_138 = arith.extui %lt3A_137 : i1 to i32
      %cond3A_139 = arith.constant 0 : i32
      %cond3A_140 = arith.cmpi ne, %convert_element_type3A_138, %cond3A_139 : i32
      scf.if %cond3A_140 {
        %mul3A_247 = arith.constant 128 : i32
        %mul3A_248 = arith.muli %add3A_135, %mul3A_247 : i32
        %multiple_of3A = tpu.assume_multiple %mul3A_248, 128 : i32
        %dma_wait3A = arith.constant 0 : i32
        %dma_wait3A_249 = tpu.memref_slice %arg3[%dma_wait3A, %multiple_of3A] : memref<2x160000xi32, #tpu.memory_space<hbm>> -> memref<2x128xi32, #tpu.memory_space<hbm>>
        %dma_wait3A_250 = arith.constant 0 : i32
        %dma_wait3A_251 = tpu.memref_slice %arg3[%dma_wait3A_250, %multiple_of3A] : memref<2x160000xi32, #tpu.memory_space<hbm>> -> memref<2x128xi32, #tpu.memory_space<hbm>>
        tpu.wait_dma2 semaphore(%arg18 : memref<!tpu.dma_semaphore, #tpu.memory_space<semaphore_mem>>) src(%dma_wait3A_251 : memref<2x128xi32, #tpu.memory_space<hbm>>) dst(%arg8 : memref<2x128xi32, #tpu.memory_space<vmem>>)
        %get3A = arith.constant 0 : i64
        %get3A_252 = arith.index_cast %get3A : i64 to index
        %get3A_253 = arith.constant 0 : index
        %get3A_254 = tpu.vector_load %arg8[%get3A_252, %get3A_253] {strides = array<i32>} : memref<2x128xi32, #tpu.memory_space<vmem>>, vector<16xi32>,
        %mul3A_255 = arith.constant 2 : i32
        %mul3A_256 = vector.broadcast %mul3A_255 : i32 to vector<16xi32>
        %mul3A_257 = arith.muli %get3A_254, %mul3A_256 : vector<16xi32>
        %add3A_258 = vector.broadcast %arg0 : i32 to vector<16xi32>
        %add3A_259 = arith.addi %mul3A_257, %add3A_258 : vector<16xi32>
        %swap3A = arith.constant 0 : i64
        %swap3A_260 = arith.index_cast %swap3A : i64 to index
        %swap3A_261 = arith.constant 0 : index
        %swap3A_262 = tpu.vector_load %arg8[%swap3A_260, %swap3A_261] {strides = array<i32>} : memref<2x128xi32, #tpu.memory_space<vmem>>, vector<16xi32>,
        tpu.vector_store %arg8[%swap3A_260, %swap3A_261], %add3A_259 {strides = array<i32>} : memref<2x128xi32, #tpu.memory_space<vmem>>, vector<16xi32>,
        %get3A_263 = arith.constant 0 : i64
        %get3A_264 = arith.index_cast %get3A_263 : i64 to index
        %get3A_265 = arith.constant 16 : index
        %get3A_266 = tpu.vector_load %arg8[%get3A_264, %get3A_265] {strides = array<i32>} : memref<2x128xi32, #tpu.memory_space<vmem>>, vector<16xi32>,
        %mul3A_267 = arith.constant 2 : i32
        %mul3A_268 = vector.broadcast %mul3A_267 : i32 to vector<16xi32>
        %mul3A_269 = arith.muli %get3A_266, %mul3A_268 : vector<16xi32>
        %add3A_270 = vector.broadcast %arg0 : i32 to vector<16xi32>
        %add3A_271 = arith.addi %mul3A_269, %add3A_270 : vector<16xi32>
        %swap3A_272 = arith.constant 0 : i64
        %swap3A_273 = arith.index_cast %swap3A_272 : i64 to index
        %swap3A_274 = arith.constant 16 : index
        %swap3A_275 = tpu.vector_load %arg8[%swap3A_273, %swap3A_274] {strides = array<i32>} : memref<2x128xi32, #tpu.memory_space<vmem>>, vector<16xi32>,
        tpu.vector_store %arg8[%swap3A_273, %swap3A_274], %add3A_271 {strides = array<i32>} : memref<2x128xi32, #tpu.memory_space<vmem>>, vector<16xi32>,
        %get3A_276 = arith.constant 0 : i64
        %get3A_277 = arith.index_cast %get3A_276 : i64 to index
        %get3A_278 = arith.constant 32 : index
        %get3A_279 = tpu.vector_load %arg8[%get3A_277, %get3A_278] {strides = array<i32>} : memref<2x128xi32, #tpu.memory_space<vmem>>, vector<16xi32>,
        %mul3A_280 = arith.constant 2 : i32
        %mul3A_281 = vector.broadcast %mul3A_280 : i32 to vector<16xi32>
        %mul3A_282 = arith.muli %get3A_279, %mul3A_281 : vector<16xi32>
        %add3A_283 = vector.broadcast %arg0 : i32 to vector<16xi32>
        %add3A_284 = arith.addi %mul3A_282, %add3A_283 : vector<16xi32>
        %swap3A_285 = arith.constant 0 : i64
        %swap3A_286 = arith.index_cast %swap3A_285 : i64 to index
        %swap3A_287 = arith.constant 32 : index
        %swap3A_288 = tpu.vector_load %arg8[%swap3A_286, %swap3A_287] {strides = array<i32>} : memref<2x128xi32, #tpu.memory_space<vmem>>, vector<16xi32>,
        tpu.vector_store %arg8[%swap3A_286, %swap3A_287], %add3A_284 {strides = array<i32>} : memref<2x128xi32, #tpu.memory_space<vmem>>, vector<16xi32>,
        %get3A_289 = arith.constant 0 : i64
        %get3A_290 = arith.index_cast %get3A_289 : i64 to index
        %get3A_291 = arith.constant 48 : index
        %get3A_292 = tpu.vector_load %arg8[%get3A_290, %get3A_291] {strides = array<i32>} : memref<2x128xi32, #tpu.memory_space<vmem>>, vector<16xi32>,
        %mul3A_293 = arith.constant 2 : i32
        %mul3A_294 = vector.broadcast %mul3A_293 : i32 to vector<16xi32>
        %mul3A_295 = arith.muli %get3A_292, %mul3A_294 : vector<16xi32>
        %add3A_296 = vector.broadcast %arg0 : i32 to vector<16xi32>
        %add3A_297 = arith.addi %mul3A_295, %add3A_296 : vector<16xi32>
        %swap3A_298 = arith.constant 0 : i64
        %swap3A_299 = arith.index_cast %swap3A_298 : i64 to index
        %swap3A_300 = arith.constant 48 : index
        %swap3A_301 = tpu.vector_load %arg8[%swap3A_299, %swap3A_300] {strides = array<i32>} : memref<2x128xi32, #tpu.memory_space<vmem>>, vector<16xi32>,
        tpu.vector_store %arg8[%swap3A_299, %swap3A_300], %add3A_297 {strides = array<i32>} : memref<2x128xi32, #tpu.memory_space<vmem>>, vector<16xi32>,
        %get3A_302 = arith.constant 0 : i64
        %get3A_303 = arith.index_cast %get3A_302 : i64 to index
        %get3A_304 = arith.constant 64 : index
        %get3A_305 = tpu.vector_load %arg8[%get3A_303, %get3A_304] {strides = array<i32>} : memref<2x128xi32, #tpu.memory_space<vmem>>, vector<16xi32>,
        %mul3A_306 = arith.constant 2 : i32
        %mul3A_307 = vector.broadcast %mul3A_306 : i32 to vector<16xi32>
        %mul3A_308 = arith.muli %get3A_305, %mul3A_307 : vector<16xi32>
        %add3A_309 = vector.broadcast %arg0 : i32 to vector<16xi32>
        %add3A_310 = arith.addi %mul3A_308, %add3A_309 : vector<16xi32>
        %swap3A_311 = arith.constant 0 : i64
        %swap3A_312 = arith.index_cast %swap3A_311 : i64 to index
        %swap3A_313 = arith.constant 64 : index
        %swap3A_314 = tpu.vector_load %arg8[%swap3A_312, %swap3A_313] {strides = array<i32>} : memref<2x128xi32, #tpu.memory_space<vmem>>, vector<16xi32>,
        tpu.vector_store %arg8[%swap3A_312, %swap3A_313], %add3A_310 {strides = array<i32>} : memref<2x128xi32, #tpu.memory_space<vmem>>, vector<16xi32>,
        %get3A_315 = arith.constant 0 : i64
        %get3A_316 = arith.index_cast %get3A_315 : i64 to index
        %get3A_317 = arith.constant 80 : index
        %get3A_318 = tpu.vector_load %arg8[%get3A_316, %get3A_317] {strides = array<i32>} : memref<2x128xi32, #tpu.memory_space<vmem>>, vector<16xi32>,
        %mul3A_319 = arith.constant 2 : i32
        %mul3A_320 = vector.broadcast %mul3A_319 : i32 to vector<16xi32>
        %mul3A_321 = arith.muli %get3A_318, %mul3A_320 : vector<16xi32>
        %add3A_322 = vector.broadcast %arg0 : i32 to vector<16xi32>
        %add3A_323 = arith.addi %mul3A_321, %add3A_322 : vector<16xi32>
        %swap3A_324 = arith.constant 0 : i64
        %swap3A_325 = arith.index_cast %swap3A_324 : i64 to index
        %swap3A_326 = arith.constant 80 : index
        %swap3A_327 = tpu.vector_load %arg8[%swap3A_325, %swap3A_326] {strides = array<i32>} : memref<2x128xi32, #tpu.memory_space<vmem>>, vector<16xi32>,
        tpu.vector_store %arg8[%swap3A_325, %swap3A_326], %add3A_323 {strides = array<i32>} : memref<2x128xi32, #tpu.memory_space<vmem>>, vector<16xi32>,
        %get3A_328 = arith.constant 0 : i64
        %get3A_329 = arith.index_cast %get3A_328 : i64 to index
        %get3A_330 = arith.constant 96 : index
        %get3A_331 = tpu.vector_load %arg8[%get3A_329, %get3A_330] {strides = array<i32>} : memref<2x128xi32, #tpu.memory_space<vmem>>, vector<16xi32>,
        %mul3A_332 = arith.constant 2 : i32
        %mul3A_333 = vector.broadcast %mul3A_332 : i32 to vector<16xi32>
        %mul3A_334 = arith.muli %get3A_331, %mul3A_333 : vector<16xi32>
        %add3A_335 = vector.broadcast %arg0 : i32 to vector<16xi32>
        %add3A_336 = arith.addi %mul3A_334, %add3A_335 : vector<16xi32>
        %swap3A_337 = arith.constant 0 : i64
        %swap3A_338 = arith.index_cast %swap3A_337 : i64 to index
        %swap3A_339 = arith.constant 96 : index
        %swap3A_340 = tpu.vector_load %arg8[%swap3A_338, %swap3A_339] {strides = array<i32>} : memref<2x128xi32, #tpu.memory_space<vmem>>, vector<16xi32>,
        tpu.vector_store %arg8[%swap3A_338, %swap3A_339], %add3A_336 {strides = array<i32>} : memref<2x128xi32, #tpu.memory_space<vmem>>, vector<16xi32>,
        %get3A_341 = arith.constant 0 : i64
        %get3A_342 = arith.index_cast %get3A_341 : i64 to index
        %get3A_343 = arith.constant 112 : index
        %get3A_344 = tpu.vector_load %arg8[%get3A_342, %get3A_343] {strides = array<i32>} : memref<2x128xi32, #tpu.memory_space<vmem>>, vector<16xi32>,
        %mul3A_345 = arith.constant 2 : i32
        %mul3A_346 = vector.broadcast %mul3A_345 : i32 to vector<16xi32>
        %mul3A_347 = arith.muli %get3A_344, %mul3A_346 : vector<16xi32>
        %add3A_348 = vector.broadcast %arg0 : i32 to vector<16xi32>
        %add3A_349 = arith.addi %mul3A_347, %add3A_348 : vector<16xi32>
        %swap3A_350 = arith.constant 0 : i64
        %swap3A_351 = arith.index_cast %swap3A_350 : i64 to index
        %swap3A_352 = arith.constant 112 : index
        %swap3A_353 = tpu.vector_load %arg8[%swap3A_351, %swap3A_352] {strides = array<i32>} : memref<2x128xi32, #tpu.memory_space<vmem>>, vector<16xi32>,
        tpu.vector_store %arg8[%swap3A_351, %swap3A_352], %add3A_349 {strides = array<i32>} : memref<2x128xi32, #tpu.memory_space<vmem>>, vector<16xi32>,
        %dma_start3A = arith.constant 0 : i32
        %dma_start3A_354 = arith.constant 0 : i32
        %dma_start3A_355 = tpu.memref_slice %arg8[%dma_start3A, %dma_start3A_354] : memref<2x128xi32, #tpu.memory_space<vmem>> -> memref<1x128xi32, #tpu.memory_space<vmem>>
        %dma_start3A_356 = tpu.memref_squeeze %dma_start3A_355 : memref<1x128xi32, #tpu.memory_space<vmem>> -> memref<128xi32, #tpu.memory_space<vmem>>
        %dma_start3A_357 = arith.constant 0 : i32
        %dma_start3A_358 = arith.constant 0 : i32
        %dma_start3A_359 = tpu.memref_slice %arg2[%dma_start3A_357, %dma_start3A_358] : memref<20000x128xf32, #tpu.memory_space<hbm>> -> memref<20000x128xf32, #tpu.memory_space<hbm>>
        tpu.enqueue_indirect_dma source(%dma_start3A_359 : memref<20000x128xf32, #tpu.memory_space<hbm>>) target(%arg10 : memref<128x128xf32, #tpu.memory_space<vmem>>) offsets(%dma_start3A_356 : memref<128xi32, #tpu.memory_space<vmem>>) semaphore(%arg14 : memref<!tpu.dma_semaphore, #tpu.memory_space<semaphore_mem>>)
      } else {
      }
      %add3A_141 = arith.constant 2 : i32
      %add3A_142 = arith.addi %add3A_132, %add3A_141 : i32
      %mul3A_143 = arith.constant 16 : i32
      %mul3A_144 = arith.muli %mul3A_143, %add3A_142 : i32
      %add3A_145 = arith.addi %arg1, %mul3A_144 : i32
      %lt3A_146 = arith.constant 1250 : i32
      %lt3A_147 = arith.cmpi slt, %add3A_145, %lt3A_146 : i32
      %convert_element_type3A_148 = arith.extui %lt3A_147 : i1 to i32
      %cond3A_149 = arith.constant 0 : i32
      %cond3A_150 = arith.cmpi ne, %convert_element_type3A_148, %cond3A_149 : i32
      scf.if %cond3A_150 {
        %mul3A_247 = arith.constant 128 : i32
        %mul3A_248 = arith.muli %add3A_145, %mul3A_247 : i32
        %multiple_of3A = tpu.assume_multiple %mul3A_248, 128 : i32
        %dma_start3A = arith.constant 0 : i32
        %dma_start3A_249 = tpu.memref_slice %arg3[%dma_start3A, %multiple_of3A] : memref<2x160000xi32, #tpu.memory_space<hbm>> -> memref<2x128xi32, #tpu.memory_space<hbm>>
        %dma_start3A_250 = arith.constant 0 : i32
        %dma_start3A_251 = tpu.memref_slice %arg3[%dma_start3A_250, %multiple_of3A] : memref<2x160000xi32, #tpu.memory_space<hbm>> -> memref<2x128xi32, #tpu.memory_space<hbm>>
        tpu.enqueue_dma source(%dma_start3A_251 : memref<2x128xi32, #tpu.memory_space<hbm>>) target(%arg6 : memref<2x128xi32, #tpu.memory_space<vmem>>) target_semaphore(%arg16 : memref<!tpu.dma_semaphore, #tpu.memory_space<semaphore_mem>>)
      } else {
      }
      %add3A_151 = arith.constant 1 : i32
      %add3A_152 = arith.addi %mul3A_118, %add3A_151 : i32
      %mul3A_153 = arith.constant 16 : i32
      %mul3A_154 = arith.muli %mul3A_153, %add3A_152 : i32
      %add3A_155 = arith.addi %arg1, %mul3A_154 : i32
      %lt3A_156 = arith.constant 1250 : i32
      %lt3A_157 = arith.cmpi slt, %add3A_155, %lt3A_156 : i32
      %convert_element_type3A_158 = arith.extui %lt3A_157 : i1 to i32
      %cond3A_159 = arith.constant 0 : i32
      %cond3A_160 = arith.cmpi ne, %convert_element_type3A_158, %cond3A_159 : i32
      scf.if %cond3A_160 {
        %dma_wait3A = arith.constant 0 : i32
        %dma_wait3A_247 = arith.constant 0 : i32
        %dma_wait3A_248 = tpu.memref_slice %arg7[%dma_wait3A, %dma_wait3A_247] : memref<2x128xi32, #tpu.memory_space<vmem>> -> memref<1x128xi32, #tpu.memory_space<vmem>>
        %dma_wait3A_249 = tpu.memref_squeeze %dma_wait3A_248 : memref<1x128xi32, #tpu.memory_space<vmem>> -> memref<128xi32, #tpu.memory_space<vmem>>
        %dma_wait3A_250 = arith.constant 0 : i32
        %dma_wait3A_251 = arith.constant 0 : i32
        %dma_wait3A_252 = tpu.memref_slice %arg2[%dma_wait3A_250, %dma_wait3A_251] : memref<20000x128xf32, #tpu.memory_space<hbm>> -> memref<20000x128xf32, #tpu.memory_space<hbm>>
        tpu.wait_indirect_dma semaphore(%arg15 : memref<!tpu.dma_semaphore, #tpu.memory_space<semaphore_mem>>) src(%dma_wait3A_252 : memref<20000x128xf32, #tpu.memory_space<hbm>>) dst(%arg11 : memref<128x128xf32, #tpu.memory_space<vmem>>)
        %run_scoped3A_253 = arith.constant 1 : i32
        "tpu.region"() ({
          %run_scoped3A_279 = tpu.sem_alloc : memref<!tpu.dma_semaphore, #tpu.memory_space<semaphore_mem>>
          %dma_start3A = arith.constant 0 : i32
          %dma_start3A_280 = tpu.memref_slice %arg7[%run_scoped3A_253, %dma_start3A] : memref<2x128xi32, #tpu.memory_space<vmem>> -> memref<1x128xi32, #tpu.memory_space<vmem>>
          %dma_start3A_281 = tpu.memref_squeeze %dma_start3A_280 : memref<1x128xi32, #tpu.memory_space<vmem>> -> memref<128xi32, #tpu.memory_space<vmem>>
          %dma_start3A_282 = arith.constant 0 : i32
          %dma_start3A_283 = arith.constant 0 : i32
          %dma_start3A_284 = tpu.memref_slice %arg13[%dma_start3A_282, %dma_start3A_283] : memref<10000x128xf32, #tpu.memory_space<vmem_shared>> -> memref<10000x128xf32, #tpu.memory_space<vmem_shared>>
          tpu.enqueue_indirect_dma source(%arg11 : memref<128x128xf32, #tpu.memory_space<vmem>>) target(%dma_start3A_284 : memref<10000x128xf32, #tpu.memory_space<vmem_shared>>) offsets(%dma_start3A_281 : memref<128xi32, #tpu.memory_space<vmem>>) semaphore(%run_scoped3A_279 : memref<!tpu.dma_semaphore, #tpu.memory_space<semaphore_mem>>) {add = true}
          %dma_wait3A_285 = arith.constant 0 : i32
          %dma_wait3A_286 = tpu.memref_slice %arg7[%run_scoped3A_253, %dma_wait3A_285] : memref<2x128xi32, #tpu.memory_space<vmem>> -> memref<1x128xi32, #tpu.memory_space<vmem>>
          %dma_wait3A_287 = tpu.memref_squeeze %dma_wait3A_286 : memref<1x128xi32, #tpu.memory_space<vmem>> -> memref<128xi32, #tpu.memory_space<vmem>>
          %dma_wait3A_288 = arith.constant 0 : i32
          %dma_wait3A_289 = arith.constant 0 : i32
          %dma_wait3A_290 = tpu.memref_slice %arg13[%dma_wait3A_288, %dma_wait3A_289] : memref<10000x128xf32, #tpu.memory_space<vmem_shared>> -> memref<10000x128xf32, #tpu.memory_space<vmem_shared>>
          tpu.wait_indirect_dma semaphore(%run_scoped3A_279 : memref<!tpu.dma_semaphore, #tpu.memory_space<semaphore_mem>>) src(%arg11 : memref<128x128xf32, #tpu.memory_space<vmem>>) dst(%dma_wait3A_290 : memref<10000x128xf32, #tpu.memory_space<vmem_shared>>)
          tpu.yield
        }) : () -> ()
        %mul3A_254 = arith.constant 64 : i32
        %mul3A_255 = arith.muli %arg0, %mul3A_254 : i32
        %add3A_256 = arith.constant 0 : i32
        %add3A_257 = arith.addi %mul3A_255, %add3A_256 : i32
        %get3A = arith.constant 1 : i64
        %get3A_258 = arith.index_cast %get3A : i64 to index
        %get3A_259 = arith.index_cast %add3A_257 : i32 to index
        %get3A_260 = tpu.vector_load %arg7[%get3A_258, %get3A_259] {strides = array<i32>} : memref<2x128xi32, #tpu.memory_space<vmem>>, vector<16xi32>,
        tpu.vector_store_idx %arg12[%get3A_260], %broadcast_in_dim3A_29 {add = true} : memref<10000xf32, #tpu.memory_space<vmem>>[vector<16xi32>], vector<16xf32>,
        %add3A_261 = arith.constant 16 : i32
        %add3A_262 = arith.addi %mul3A_255, %add3A_261 : i32
        %get3A_263 = arith.constant 1 : i64
        %get3A_264 = arith.index_cast %get3A_263 : i64 to index
        %get3A_265 = arith.index_cast %add3A_262 : i32 to index
        %get3A_266 = tpu.vector_load %arg7[%get3A_264, %get3A_265] {strides = array<i32>} : memref<2x128xi32, #tpu.memory_space<vmem>>, vector<16xi32>,
        tpu.vector_store_idx %arg12[%get3A_266], %broadcast_in_dim3A_29 {add = true} : memref<10000xf32, #tpu.memory_space<vmem>>[vector<16xi32>], vector<16xf32>,
        %add3A_267 = arith.constant 32 : i32
        %add3A_268 = arith.addi %mul3A_255, %add3A_267 : i32
        %get3A_269 = arith.constant 1 : i64
        %get3A_270 = arith.index_cast %get3A_269 : i64 to index
        %get3A_271 = arith.index_cast %add3A_268 : i32 to index
        %get3A_272 = tpu.vector_load %arg7[%get3A_270, %get3A_271] {strides = array<i32>} : memref<2x128xi32, #tpu.memory_space<vmem>>, vector<16xi32>,
        tpu.vector_store_idx %arg12[%get3A_272], %broadcast_in_dim3A_29 {add = true} : memref<10000xf32, #tpu.memory_space<vmem>>[vector<16xi32>], vector<16xf32>,
        %add3A_273 = arith.constant 48 : i32
        %add3A_274 = arith.addi %mul3A_255, %add3A_273 : i32
        %get3A_275 = arith.constant 1 : i64
        %get3A_276 = arith.index_cast %get3A_275 : i64 to index
        %get3A_277 = arith.index_cast %add3A_274 : i32 to index
        %get3A_278 = tpu.vector_load %arg7[%get3A_276, %get3A_277] {strides = array<i32>} : memref<2x128xi32, #tpu.memory_space<vmem>>, vector<16xi32>,
        tpu.vector_store_idx %arg12[%get3A_278], %broadcast_in_dim3A_29 {add = true} : memref<10000xf32, #tpu.memory_space<vmem>>[vector<16xi32>], vector<16xf32>,
      } else {
      }
      %add3A_161 = arith.constant 1 : i32
      %add3A_162 = arith.addi %mul3A_118, %add3A_161 : i32
      %add3A_163 = arith.constant 2 : i32
      %add3A_164 = arith.addi %add3A_162, %add3A_163 : i32
      %mul3A_165 = arith.constant 16 : i32
      %mul3A_166 = arith.muli %mul3A_165, %add3A_164 : i32
      %add3A_167 = arith.addi %arg1, %mul3A_166 : i32
      %lt3A_168 = arith.constant 1250 : i32
      %lt3A_169 = arith.cmpi slt, %add3A_167, %lt3A_168 : i32
      %convert_element_type3A_170 = arith.extui %lt3A_169 : i1 to i32
      %cond3A_171 = arith.constant 0 : i32
      %cond3A_172 = arith.cmpi ne, %convert_element_type3A_170, %cond3A_171 : i32
      scf.if %cond3A_172 {
        %mul3A_247 = arith.constant 128 : i32
        %mul3A_248 = arith.muli %add3A_167, %mul3A_247 : i32
        %multiple_of3A = tpu.assume_multiple %mul3A_248, 128 : i32
        %dma_wait3A = arith.constant 0 : i32
        %dma_wait3A_249 = tpu.memref_slice %arg3[%dma_wait3A, %multiple_of3A] : memref<2x160000xi32, #tpu.memory_space<hbm>> -> memref<2x128xi32, #tpu.memory_space<hbm>>
        %dma_wait3A_250 = arith.constant 0 : i32
        %dma_wait3A_251 = tpu.memref_slice %arg3[%dma_wait3A_250, %multiple_of3A] : memref<2x160000xi32, #tpu.memory_space<hbm>> -> memref<2x128xi32, #tpu.memory_space<hbm>>
        tpu.wait_dma2 semaphore(%arg19 : memref<!tpu.dma_semaphore, #tpu.memory_space<semaphore_mem>>) src(%dma_wait3A_251 : memref<2x128xi32, #tpu.memory_space<hbm>>) dst(%arg9 : memref<2x128xi32, #tpu.memory_space<vmem>>)
        %get3A = arith.constant 0 : i64
        %get3A_252 = arith.index_cast %get3A : i64 to index
        %get3A_253 = arith.constant 0 : index
        %get3A_254 = tpu.vector_load %arg9[%get3A_252, %get3A_253] {strides = array<i32>} : memref<2x128xi32, #tpu.memory_space<vmem>>, vector<16xi32>,
        %mul3A_255 = arith.constant 2 : i32
        %mul3A_256 = vector.broadcast %mul3A_255 : i32 to vector<16xi32>
        %mul3A_257 = arith.muli %get3A_254, %mul3A_256 : vector<16xi32>
        %add3A_258 = vector.broadcast %arg0 : i32 to vector<16xi32>
        %add3A_259 = arith.addi %mul3A_257, %add3A_258 : vector<16xi32>
        %swap3A = arith.constant 0 : i64
        %swap3A_260 = arith.index_cast %swap3A : i64 to index
        %swap3A_261 = arith.constant 0 : index
        %swap3A_262 = tpu.vector_load %arg9[%swap3A_260, %swap3A_261] {strides = array<i32>} : memref<2x128xi32, #tpu.memory_space<vmem>>, vector<16xi32>,
        tpu.vector_store %arg9[%swap3A_260, %swap3A_261], %add3A_259 {strides = array<i32>} : memref<2x128xi32, #tpu.memory_space<vmem>>, vector<16xi32>,
        %get3A_263 = arith.constant 0 : i64
        %get3A_264 = arith.index_cast %get3A_263 : i64 to index
        %get3A_265 = arith.constant 16 : index
        %get3A_266 = tpu.vector_load %arg9[%get3A_264, %get3A_265] {strides = array<i32>} : memref<2x128xi32, #tpu.memory_space<vmem>>, vector<16xi32>,
        %mul3A_267 = arith.constant 2 : i32
        %mul3A_268 = vector.broadcast %mul3A_267 : i32 to vector<16xi32>
        %mul3A_269 = arith.muli %get3A_266, %mul3A_268 : vector<16xi32>
        %add3A_270 = vector.broadcast %arg0 : i32 to vector<16xi32>
        %add3A_271 = arith.addi %mul3A_269, %add3A_270 : vector<16xi32>
        %swap3A_272 = arith.constant 0 : i64
        %swap3A_273 = arith.index_cast %swap3A_272 : i64 to index
        %swap3A_274 = arith.constant 16 : index
        %swap3A_275 = tpu.vector_load %arg9[%swap3A_273, %swap3A_274] {strides = array<i32>} : memref<2x128xi32, #tpu.memory_space<vmem>>, vector<16xi32>,
        tpu.vector_store %arg9[%swap3A_273, %swap3A_274], %add3A_271 {strides = array<i32>} : memref<2x128xi32, #tpu.memory_space<vmem>>, vector<16xi32>,
        %get3A_276 = arith.constant 0 : i64
        %get3A_277 = arith.index_cast %get3A_276 : i64 to index
        %get3A_278 = arith.constant 32 : index
        %get3A_279 = tpu.vector_load %arg9[%get3A_277, %get3A_278] {strides = array<i32>} : memref<2x128xi32, #tpu.memory_space<vmem>>, vector<16xi32>,
        %mul3A_280 = arith.constant 2 : i32
        %mul3A_281 = vector.broadcast %mul3A_280 : i32 to vector<16xi32>
        %mul3A_282 = arith.muli %get3A_279, %mul3A_281 : vector<16xi32>
        %add3A_283 = vector.broadcast %arg0 : i32 to vector<16xi32>
        %add3A_284 = arith.addi %mul3A_282, %add3A_283 : vector<16xi32>
        %swap3A_285 = arith.constant 0 : i64
        %swap3A_286 = arith.index_cast %swap3A_285 : i64 to index
        %swap3A_287 = arith.constant 32 : index
        %swap3A_288 = tpu.vector_load %arg9[%swap3A_286, %swap3A_287] {strides = array<i32>} : memref<2x128xi32, #tpu.memory_space<vmem>>, vector<16xi32>,
        tpu.vector_store %arg9[%swap3A_286, %swap3A_287], %add3A_284 {strides = array<i32>} : memref<2x128xi32, #tpu.memory_space<vmem>>, vector<16xi32>,
        %get3A_289 = arith.constant 0 : i64
        %get3A_290 = arith.index_cast %get3A_289 : i64 to index
        %get3A_291 = arith.constant 48 : index
        %get3A_292 = tpu.vector_load %arg9[%get3A_290, %get3A_291] {strides = array<i32>} : memref<2x128xi32, #tpu.memory_space<vmem>>, vector<16xi32>,
        %mul3A_293 = arith.constant 2 : i32
        %mul3A_294 = vector.broadcast %mul3A_293 : i32 to vector<16xi32>
        %mul3A_295 = arith.muli %get3A_292, %mul3A_294 : vector<16xi32>
        %add3A_296 = vector.broadcast %arg0 : i32 to vector<16xi32>
        %add3A_297 = arith.addi %mul3A_295, %add3A_296 : vector<16xi32>
        %swap3A_298 = arith.constant 0 : i64
        %swap3A_299 = arith.index_cast %swap3A_298 : i64 to index
        %swap3A_300 = arith.constant 48 : index
        %swap3A_301 = tpu.vector_load %arg9[%swap3A_299, %swap3A_300] {strides = array<i32>} : memref<2x128xi32, #tpu.memory_space<vmem>>, vector<16xi32>,
        tpu.vector_store %arg9[%swap3A_299, %swap3A_300], %add3A_297 {strides = array<i32>} : memref<2x128xi32, #tpu.memory_space<vmem>>, vector<16xi32>,
        %get3A_302 = arith.constant 0 : i64
        %get3A_303 = arith.index_cast %get3A_302 : i64 to index
        %get3A_304 = arith.constant 64 : index
        %get3A_305 = tpu.vector_load %arg9[%get3A_303, %get3A_304] {strides = array<i32>} : memref<2x128xi32, #tpu.memory_space<vmem>>, vector<16xi32>,
        %mul3A_306 = arith.constant 2 : i32
        %mul3A_307 = vector.broadcast %mul3A_306 : i32 to vector<16xi32>
        %mul3A_308 = arith.muli %get3A_305, %mul3A_307 : vector<16xi32>
        %add3A_309 = vector.broadcast %arg0 : i32 to vector<16xi32>
        %add3A_310 = arith.addi %mul3A_308, %add3A_309 : vector<16xi32>
        %swap3A_311 = arith.constant 0 : i64
        %swap3A_312 = arith.index_cast %swap3A_311 : i64 to index
        %swap3A_313 = arith.constant 64 : index
        %swap3A_314 = tpu.vector_load %arg9[%swap3A_312, %swap3A_313] {strides = array<i32>} : memref<2x128xi32, #tpu.memory_space<vmem>>, vector<16xi32>,
        tpu.vector_store %arg9[%swap3A_312, %swap3A_313], %add3A_310 {strides = array<i32>} : memref<2x128xi32, #tpu.memory_space<vmem>>, vector<16xi32>,
        %get3A_315 = arith.constant 0 : i64
        %get3A_316 = arith.index_cast %get3A_315 : i64 to index
        %get3A_317 = arith.constant 80 : index
        %get3A_318 = tpu.vector_load %arg9[%get3A_316, %get3A_317] {strides = array<i32>} : memref<2x128xi32, #tpu.memory_space<vmem>>, vector<16xi32>,
        %mul3A_319 = arith.constant 2 : i32
        %mul3A_320 = vector.broadcast %mul3A_319 : i32 to vector<16xi32>
        %mul3A_321 = arith.muli %get3A_318, %mul3A_320 : vector<16xi32>
        %add3A_322 = vector.broadcast %arg0 : i32 to vector<16xi32>
        %add3A_323 = arith.addi %mul3A_321, %add3A_322 : vector<16xi32>
        %swap3A_324 = arith.constant 0 : i64
        %swap3A_325 = arith.index_cast %swap3A_324 : i64 to index
        %swap3A_326 = arith.constant 80 : index
        %swap3A_327 = tpu.vector_load %arg9[%swap3A_325, %swap3A_326] {strides = array<i32>} : memref<2x128xi32, #tpu.memory_space<vmem>>, vector<16xi32>,
        tpu.vector_store %arg9[%swap3A_325, %swap3A_326], %add3A_323 {strides = array<i32>} : memref<2x128xi32, #tpu.memory_space<vmem>>, vector<16xi32>,
        %get3A_328 = arith.constant 0 : i64
        %get3A_329 = arith.index_cast %get3A_328 : i64 to index
        %get3A_330 = arith.constant 96 : index
        %get3A_331 = tpu.vector_load %arg9[%get3A_329, %get3A_330] {strides = array<i32>} : memref<2x128xi32, #tpu.memory_space<vmem>>, vector<16xi32>,
        %mul3A_332 = arith.constant 2 : i32
        %mul3A_333 = vector.broadcast %mul3A_332 : i32 to vector<16xi32>
        %mul3A_334 = arith.muli %get3A_331, %mul3A_333 : vector<16xi32>
        %add3A_335 = vector.broadcast %arg0 : i32 to vector<16xi32>
        %add3A_336 = arith.addi %mul3A_334, %add3A_335 : vector<16xi32>
        %swap3A_337 = arith.constant 0 : i64
        %swap3A_338 = arith.index_cast %swap3A_337 : i64 to index
        %swap3A_339 = arith.constant 96 : index
        %swap3A_340 = tpu.vector_load %arg9[%swap3A_338, %swap3A_339] {strides = array<i32>} : memref<2x128xi32, #tpu.memory_space<vmem>>, vector<16xi32>,
        tpu.vector_store %arg9[%swap3A_338, %swap3A_339], %add3A_336 {strides = array<i32>} : memref<2x128xi32, #tpu.memory_space<vmem>>, vector<16xi32>,
        %get3A_341 = arith.constant 0 : i64
        %get3A_342 = arith.index_cast %get3A_341 : i64 to index
        %get3A_343 = arith.constant 112 : index
        %get3A_344 = tpu.vector_load %arg9[%get3A_342, %get3A_343] {strides = array<i32>} : memref<2x128xi32, #tpu.memory_space<vmem>>, vector<16xi32>,
        %mul3A_345 = arith.constant 2 : i32
        %mul3A_346 = vector.broadcast %mul3A_345 : i32 to vector<16xi32>
        %mul3A_347 = arith.muli %get3A_344, %mul3A_346 : vector<16xi32>
        %add3A_348 = vector.broadcast %arg0 : i32 to vector<16xi32>
        %add3A_349 = arith.addi %mul3A_347, %add3A_348 : vector<16xi32>
        %swap3A_350 = arith.constant 0 : i64
        %swap3A_351 = arith.index_cast %swap3A_350 : i64 to index
        %swap3A_352 = arith.constant 112 : index
        %swap3A_353 = tpu.vector_load %arg9[%swap3A_351, %swap3A_352] {strides = array<i32>} : memref<2x128xi32, #tpu.memory_space<vmem>>, vector<16xi32>,
        tpu.vector_store %arg9[%swap3A_351, %swap3A_352], %add3A_349 {strides = array<i32>} : memref<2x128xi32, #tpu.memory_space<vmem>>, vector<16xi32>,
        %dma_start3A = arith.constant 0 : i32
        %dma_start3A_354 = arith.constant 0 : i32
        %dma_start3A_355 = tpu.memref_slice %arg9[%dma_start3A, %dma_start3A_354] : memref<2x128xi32, #tpu.memory_space<vmem>> -> memref<1x128xi32, #tpu.memory_space<vmem>>
        %dma_start3A_356 = tpu.memref_squeeze %dma_start3A_355 : memref<1x128xi32, #tpu.memory_space<vmem>> -> memref<128xi32, #tpu.memory_space<vmem>>
        %dma_start3A_357 = arith.constant 0 : i32
        %dma_start3A_358 = arith.constant 0 : i32
        %dma_start3A_359 = tpu.memref_slice %arg2[%dma_start3A_357, %dma_start3A_358] : memref<20000x128xf32, #tpu.memory_space<hbm>> -> memref<20000x128xf32, #tpu.memory_space<hbm>>
        tpu.enqueue_indirect_dma source(%dma_start3A_359 : memref<20000x128xf32, #tpu.memory_space<hbm>>) target(%arg11 : memref<128x128xf32, #tpu.memory_space<vmem>>) offsets(%dma_start3A_356 : memref<128xi32, #tpu.memory_space<vmem>>) semaphore(%arg15 : memref<!tpu.dma_semaphore, #tpu.memory_space<semaphore_mem>>)
      } else {
      }
      %add3A_173 = arith.constant 2 : i32
      %add3A_174 = arith.addi %add3A_164, %add3A_173 : i32
      %mul3A_175 = arith.constant 16 : i32
      %mul3A_176 = arith.muli %mul3A_175, %add3A_174 : i32
      %add3A_177 = arith.addi %arg1, %mul3A_176 : i32
      %lt3A_178 = arith.constant 1250 : i32
      %lt3A_179 = arith.cmpi slt, %add3A_177, %lt3A_178 : i32
      %convert_element_type3A_180 = arith.extui %lt3A_179 : i1 to i32
      %cond3A_181 = arith.constant 0 : i32
      %cond3A_182 = arith.cmpi ne, %convert_element_type3A_180, %cond3A_181 : i32
      scf.if %cond3A_182 {
        %mul3A_247 = arith.constant 128 : i32
        %mul3A_248 = arith.muli %add3A_177, %mul3A_247 : i32
        %multiple_of3A = tpu.assume_multiple %mul3A_248, 128 : i32
        %dma_start3A = arith.constant 0 : i32
        %dma_start3A_249 = tpu.memref_slice %arg3[%dma_start3A, %multiple_of3A] : memref<2x160000xi32, #tpu.memory_space<hbm>> -> memref<2x128xi32, #tpu.memory_space<hbm>>
        %dma_start3A_250 = arith.constant 0 : i32
        %dma_start3A_251 = tpu.memref_slice %arg3[%dma_start3A_250, %multiple_of3A] : memref<2x160000xi32, #tpu.memory_space<hbm>> -> memref<2x128xi32, #tpu.memory_space<hbm>>
        tpu.enqueue_dma source(%dma_start3A_251 : memref<2x128xi32, #tpu.memory_space<hbm>>) target(%arg7 : memref<2x128xi32, #tpu.memory_space<vmem>>) target_semaphore(%arg17 : memref<!tpu.dma_semaphore, #tpu.memory_space<semaphore_mem>>)
      } else {
      }
      %add3A_183 = arith.constant 2 : i32
      %add3A_184 = arith.addi %mul3A_118, %add3A_183 : i32
      %mul3A_185 = arith.constant 16 : i32
      %mul3A_186 = arith.muli %mul3A_185, %add3A_184 : i32
      %add3A_187 = arith.addi %arg1, %mul3A_186 : i32
      %lt3A_188 = arith.constant 1250 : i32
      %lt3A_189 = arith.cmpi slt, %add3A_187, %lt3A_188 : i32
      %convert_element_type3A_190 = arith.extui %lt3A_189 : i1 to i32
      %cond3A_191 = arith.constant 0 : i32
      %cond3A_192 = arith.cmpi ne, %convert_element_type3A_190, %cond3A_191 : i32
      scf.if %cond3A_192 {
        %dma_wait3A = arith.constant 0 : i32
        %dma_wait3A_247 = arith.constant 0 : i32
        %dma_wait3A_248 = tpu.memref_slice %arg8[%dma_wait3A, %dma_wait3A_247] : memref<2x128xi32, #tpu.memory_space<vmem>> -> memref<1x128xi32, #tpu.memory_space<vmem>>
        %dma_wait3A_249 = tpu.memref_squeeze %dma_wait3A_248 : memref<1x128xi32, #tpu.memory_space<vmem>> -> memref<128xi32, #tpu.memory_space<vmem>>
        %dma_wait3A_250 = arith.constant 0 : i32
        %dma_wait3A_251 = arith.constant 0 : i32
        %dma_wait3A_252 = tpu.memref_slice %arg2[%dma_wait3A_250, %dma_wait3A_251] : memref<20000x128xf32, #tpu.memory_space<hbm>> -> memref<20000x128xf32, #tpu.memory_space<hbm>>
        tpu.wait_indirect_dma semaphore(%arg14 : memref<!tpu.dma_semaphore, #tpu.memory_space<semaphore_mem>>) src(%dma_wait3A_252 : memref<20000x128xf32, #tpu.memory_space<hbm>>) dst(%arg10 : memref<128x128xf32, #tpu.memory_space<vmem>>)
        %run_scoped3A_253 = arith.constant 1 : i32
        "tpu.region"() ({
          %run_scoped3A_279 = tpu.sem_alloc : memref<!tpu.dma_semaphore, #tpu.memory_space<semaphore_mem>>
          %dma_start3A = arith.constant 0 : i32
          %dma_start3A_280 = tpu.memref_slice %arg8[%run_scoped3A_253, %dma_start3A] : memref<2x128xi32, #tpu.memory_space<vmem>> -> memref<1x128xi32, #tpu.memory_space<vmem>>
          %dma_start3A_281 = tpu.memref_squeeze %dma_start3A_280 : memref<1x128xi32, #tpu.memory_space<vmem>> -> memref<128xi32, #tpu.memory_space<vmem>>
          %dma_start3A_282 = arith.constant 0 : i32
          %dma_start3A_283 = arith.constant 0 : i32
          %dma_start3A_284 = tpu.memref_slice %arg13[%dma_start3A_282, %dma_start3A_283] : memref<10000x128xf32, #tpu.memory_space<vmem_shared>> -> memref<10000x128xf32, #tpu.memory_space<vmem_shared>>
          tpu.enqueue_indirect_dma source(%arg10 : memref<128x128xf32, #tpu.memory_space<vmem>>) target(%dma_start3A_284 : memref<10000x128xf32, #tpu.memory_space<vmem_shared>>) offsets(%dma_start3A_281 : memref<128xi32, #tpu.memory_space<vmem>>) semaphore(%run_scoped3A_279 : memref<!tpu.dma_semaphore, #tpu.memory_space<semaphore_mem>>) {add = true}
          %dma_wait3A_285 = arith.constant 0 : i32
          %dma_wait3A_286 = tpu.memref_slice %arg8[%run_scoped3A_253, %dma_wait3A_285] : memref<2x128xi32, #tpu.memory_space<vmem>> -> memref<1x128xi32, #tpu.memory_space<vmem>>
          %dma_wait3A_287 = tpu.memref_squeeze %dma_wait3A_286 : memref<1x128xi32, #tpu.memory_space<vmem>> -> memref<128xi32, #tpu.memory_space<vmem>>
          %dma_wait3A_288 = arith.constant 0 : i32
          %dma_wait3A_289 = arith.constant 0 : i32
          %dma_wait3A_290 = tpu.memref_slice %arg13[%dma_wait3A_288, %dma_wait3A_289] : memref<10000x128xf32, #tpu.memory_space<vmem_shared>> -> memref<10000x128xf32, #tpu.memory_space<vmem_shared>>
          tpu.wait_indirect_dma semaphore(%run_scoped3A_279 : memref<!tpu.dma_semaphore, #tpu.memory_space<semaphore_mem>>) src(%arg10 : memref<128x128xf32, #tpu.memory_space<vmem>>) dst(%dma_wait3A_290 : memref<10000x128xf32, #tpu.memory_space<vmem_shared>>)
          tpu.yield
        }) : () -> ()
        %mul3A_254 = arith.constant 64 : i32
        %mul3A_255 = arith.muli %arg0, %mul3A_254 : i32
        %add3A_256 = arith.constant 0 : i32
        %add3A_257 = arith.addi %mul3A_255, %add3A_256 : i32
        %get3A = arith.constant 1 : i64
        %get3A_258 = arith.index_cast %get3A : i64 to index
        %get3A_259 = arith.index_cast %add3A_257 : i32 to index
        %get3A_260 = tpu.vector_load %arg8[%get3A_258, %get3A_259] {strides = array<i32>} : memref<2x128xi32, #tpu.memory_space<vmem>>, vector<16xi32>,
        tpu.vector_store_idx %arg12[%get3A_260], %broadcast_in_dim3A_29 {add = true} : memref<10000xf32, #tpu.memory_space<vmem>>[vector<16xi32>], vector<16xf32>,
        %add3A_261 = arith.constant 16 : i32
        %add3A_262 = arith.addi %mul3A_255, %add3A_261 : i32
        %get3A_263 = arith.constant 1 : i64
        %get3A_264 = arith.index_cast %get3A_263 : i64 to index
        %get3A_265 = arith.index_cast %add3A_262 : i32 to index
        %get3A_266 = tpu.vector_load %arg8[%get3A_264, %get3A_265] {strides = array<i32>} : memref<2x128xi32, #tpu.memory_space<vmem>>, vector<16xi32>,
        tpu.vector_store_idx %arg12[%get3A_266], %broadcast_in_dim3A_29 {add = true} : memref<10000xf32, #tpu.memory_space<vmem>>[vector<16xi32>], vector<16xf32>,
        %add3A_267 = arith.constant 32 : i32
        %add3A_268 = arith.addi %mul3A_255, %add3A_267 : i32
        %get3A_269 = arith.constant 1 : i64
        %get3A_270 = arith.index_cast %get3A_269 : i64 to index
        %get3A_271 = arith.index_cast %add3A_268 : i32 to index
        %get3A_272 = tpu.vector_load %arg8[%get3A_270, %get3A_271] {strides = array<i32>} : memref<2x128xi32, #tpu.memory_space<vmem>>, vector<16xi32>,
        tpu.vector_store_idx %arg12[%get3A_272], %broadcast_in_dim3A_29 {add = true} : memref<10000xf32, #tpu.memory_space<vmem>>[vector<16xi32>], vector<16xf32>,
        %add3A_273 = arith.constant 48 : i32
        %add3A_274 = arith.addi %mul3A_255, %add3A_273 : i32
        %get3A_275 = arith.constant 1 : i64
        %get3A_276 = arith.index_cast %get3A_275 : i64 to index
        %get3A_277 = arith.index_cast %add3A_274 : i32 to index
        %get3A_278 = tpu.vector_load %arg8[%get3A_276, %get3A_277] {strides = array<i32>} : memref<2x128xi32, #tpu.memory_space<vmem>>, vector<16xi32>,
        tpu.vector_store_idx %arg12[%get3A_278], %broadcast_in_dim3A_29 {add = true} : memref<10000xf32, #tpu.memory_space<vmem>>[vector<16xi32>], vector<16xf32>,
      } else {
      }
      %add3A_193 = arith.constant 2 : i32
      %add3A_194 = arith.addi %mul3A_118, %add3A_193 : i32
      %add3A_195 = arith.constant 2 : i32
      %add3A_196 = arith.addi %add3A_194, %add3A_195 : i32
      %mul3A_197 = arith.constant 16 : i32
      %mul3A_198 = arith.muli %mul3A_197, %add3A_196 : i32
      %add3A_199 = arith.addi %arg1, %mul3A_198 : i32
      %lt3A_200 = arith.constant 1250 : i32
      %lt3A_201 = arith.cmpi slt, %add3A_199, %lt3A_200 : i32
      %convert_element_type3A_202 = arith.extui %lt3A_201 : i1 to i32
      %cond3A_203 = arith.constant 0 : i32
      %cond3A_204 = arith.cmpi ne, %convert_element_type3A_202, %cond3A_203 : i32
      scf.if %cond3A_204 {
        %mul3A_247 = arith.constant 128 : i32
        %mul3A_248 = arith.muli %add3A_199, %mul3A_247 : i32
        %multiple_of3A = tpu.assume_multiple %mul3A_248, 128 : i32
        %dma_wait3A = arith.constant 0 : i32
        %dma_wait3A_249 = tpu.memref_slice %arg3[%dma_wait3A, %multiple_of3A] : memref<2x160000xi32, #tpu.memory_space<hbm>> -> memref<2x128xi32, #tpu.memory_space<hbm>>
        %dma_wait3A_250 = arith.constant 0 : i32
        %dma_wait3A_251 = tpu.memref_slice %arg3[%dma_wait3A_250, %multiple_of3A] : memref<2x160000xi32, #tpu.memory_space<hbm>> -> memref<2x128xi32, #tpu.memory_space<hbm>>
        tpu.wait_dma2 semaphore(%arg16 : memref<!tpu.dma_semaphore, #tpu.memory_space<semaphore_mem>>) src(%dma_wait3A_251 : memref<2x128xi32, #tpu.memory_space<hbm>>) dst(%arg6 : memref<2x128xi32, #tpu.memory_space<vmem>>)
        %get3A = arith.constant 0 : i64
        %get3A_252 = arith.index_cast %get3A : i64 to index
        %get3A_253 = arith.constant 0 : index
        %get3A_254 = tpu.vector_load %arg6[%get3A_252, %get3A_253] {strides = array<i32>} : memref<2x128xi32, #tpu.memory_space<vmem>>, vector<16xi32>,
        %mul3A_255 = arith.constant 2 : i32
        %mul3A_256 = vector.broadcast %mul3A_255 : i32 to vector<16xi32>
        %mul3A_257 = arith.muli %get3A_254, %mul3A_256 : vector<16xi32>
        %add3A_258 = vector.broadcast %arg0 : i32 to vector<16xi32>
        %add3A_259 = arith.addi %mul3A_257, %add3A_258 : vector<16xi32>
        %swap3A = arith.constant 0 : i64
        %swap3A_260 = arith.index_cast %swap3A : i64 to index
        %swap3A_261 = arith.constant 0 : index
        %swap3A_262 = tpu.vector_load %arg6[%swap3A_260, %swap3A_261] {strides = array<i32>} : memref<2x128xi32, #tpu.memory_space<vmem>>, vector<16xi32>,
        tpu.vector_store %arg6[%swap3A_260, %swap3A_261], %add3A_259 {strides = array<i32>} : memref<2x128xi32, #tpu.memory_space<vmem>>, vector<16xi32>,
        %get3A_263 = arith.constant 0 : i64
        %get3A_264 = arith.index_cast %get3A_263 : i64 to index
        %get3A_265 = arith.constant 16 : index
        %get3A_266 = tpu.vector_load %arg6[%get3A_264, %get3A_265] {strides = array<i32>} : memref<2x128xi32, #tpu.memory_space<vmem>>, vector<16xi32>,
        %mul3A_267 = arith.constant 2 : i32
        %mul3A_268 = vector.broadcast %mul3A_267 : i32 to vector<16xi32>
        %mul3A_269 = arith.muli %get3A_266, %mul3A_268 : vector<16xi32>
        %add3A_270 = vector.broadcast %arg0 : i32 to vector<16xi32>
        %add3A_271 = arith.addi %mul3A_269, %add3A_270 : vector<16xi32>
        %swap3A_272 = arith.constant 0 : i64
        %swap3A_273 = arith.index_cast %swap3A_272 : i64 to index
        %swap3A_274 = arith.constant 16 : index
        %swap3A_275 = tpu.vector_load %arg6[%swap3A_273, %swap3A_274] {strides = array<i32>} : memref<2x128xi32, #tpu.memory_space<vmem>>, vector<16xi32>,
        tpu.vector_store %arg6[%swap3A_273, %swap3A_274], %add3A_271 {strides = array<i32>} : memref<2x128xi32, #tpu.memory_space<vmem>>, vector<16xi32>,
        %get3A_276 = arith.constant 0 : i64
        %get3A_277 = arith.index_cast %get3A_276 : i64 to index
        %get3A_278 = arith.constant 32 : index
        %get3A_279 = tpu.vector_load %arg6[%get3A_277, %get3A_278] {strides = array<i32>} : memref<2x128xi32, #tpu.memory_space<vmem>>, vector<16xi32>,
        %mul3A_280 = arith.constant 2 : i32
        %mul3A_281 = vector.broadcast %mul3A_280 : i32 to vector<16xi32>
        %mul3A_282 = arith.muli %get3A_279, %mul3A_281 : vector<16xi32>
        %add3A_283 = vector.broadcast %arg0 : i32 to vector<16xi32>
        %add3A_284 = arith.addi %mul3A_282, %add3A_283 : vector<16xi32>
        %swap3A_285 = arith.constant 0 : i64
        %swap3A_286 = arith.index_cast %swap3A_285 : i64 to index
        %swap3A_287 = arith.constant 32 : index
        %swap3A_288 = tpu.vector_load %arg6[%swap3A_286, %swap3A_287] {strides = array<i32>} : memref<2x128xi32, #tpu.memory_space<vmem>>, vector<16xi32>,
        tpu.vector_store %arg6[%swap3A_286, %swap3A_287], %add3A_284 {strides = array<i32>} : memref<2x128xi32, #tpu.memory_space<vmem>>, vector<16xi32>,
        %get3A_289 = arith.constant 0 : i64
        %get3A_290 = arith.index_cast %get3A_289 : i64 to index
        %get3A_291 = arith.constant 48 : index
        %get3A_292 = tpu.vector_load %arg6[%get3A_290, %get3A_291] {strides = array<i32>} : memref<2x128xi32, #tpu.memory_space<vmem>>, vector<16xi32>,
        %mul3A_293 = arith.constant 2 : i32
        %mul3A_294 = vector.broadcast %mul3A_293 : i32 to vector<16xi32>
        %mul3A_295 = arith.muli %get3A_292, %mul3A_294 : vector<16xi32>
        %add3A_296 = vector.broadcast %arg0 : i32 to vector<16xi32>
        %add3A_297 = arith.addi %mul3A_295, %add3A_296 : vector<16xi32>
        %swap3A_298 = arith.constant 0 : i64
        %swap3A_299 = arith.index_cast %swap3A_298 : i64 to index
        %swap3A_300 = arith.constant 48 : index
        %swap3A_301 = tpu.vector_load %arg6[%swap3A_299, %swap3A_300] {strides = array<i32>} : memref<2x128xi32, #tpu.memory_space<vmem>>, vector<16xi32>,
        tpu.vector_store %arg6[%swap3A_299, %swap3A_300], %add3A_297 {strides = array<i32>} : memref<2x128xi32, #tpu.memory_space<vmem>>, vector<16xi32>,
        %get3A_302 = arith.constant 0 : i64
        %get3A_303 = arith.index_cast %get3A_302 : i64 to index
        %get3A_304 = arith.constant 64 : index
        %get3A_305 = tpu.vector_load %arg6[%get3A_303, %get3A_304] {strides = array<i32>} : memref<2x128xi32, #tpu.memory_space<vmem>>, vector<16xi32>,
        %mul3A_306 = arith.constant 2 : i32
        %mul3A_307 = vector.broadcast %mul3A_306 : i32 to vector<16xi32>
        %mul3A_308 = arith.muli %get3A_305, %mul3A_307 : vector<16xi32>
        %add3A_309 = vector.broadcast %arg0 : i32 to vector<16xi32>
        %add3A_310 = arith.addi %mul3A_308, %add3A_309 : vector<16xi32>
        %swap3A_311 = arith.constant 0 : i64
        %swap3A_312 = arith.index_cast %swap3A_311 : i64 to index
        %swap3A_313 = arith.constant 64 : index
        %swap3A_314 = tpu.vector_load %arg6[%swap3A_312, %swap3A_313] {strides = array<i32>} : memref<2x128xi32, #tpu.memory_space<vmem>>, vector<16xi32>,
        tpu.vector_store %arg6[%swap3A_312, %swap3A_313], %add3A_310 {strides = array<i32>} : memref<2x128xi32, #tpu.memory_space<vmem>>, vector<16xi32>,
        %get3A_315 = arith.constant 0 : i64
        %get3A_316 = arith.index_cast %get3A_315 : i64 to index
        %get3A_317 = arith.constant 80 : index
        %get3A_318 = tpu.vector_load %arg6[%get3A_316, %get3A_317] {strides = array<i32>} : memref<2x128xi32, #tpu.memory_space<vmem>>, vector<16xi32>,
        %mul3A_319 = arith.constant 2 : i32
        %mul3A_320 = vector.broadcast %mul3A_319 : i32 to vector<16xi32>
        %mul3A_321 = arith.muli %get3A_318, %mul3A_320 : vector<16xi32>
        %add3A_322 = vector.broadcast %arg0 : i32 to vector<16xi32>
        %add3A_323 = arith.addi %mul3A_321, %add3A_322 : vector<16xi32>
        %swap3A_324 = arith.constant 0 : i64
        %swap3A_325 = arith.index_cast %swap3A_324 : i64 to index
        %swap3A_326 = arith.constant 80 : index
        %swap3A_327 = tpu.vector_load %arg6[%swap3A_325, %swap3A_326] {strides = array<i32>} : memref<2x128xi32, #tpu.memory_space<vmem>>, vector<16xi32>,
        tpu.vector_store %arg6[%swap3A_325, %swap3A_326], %add3A_323 {strides = array<i32>} : memref<2x128xi32, #tpu.memory_space<vmem>>, vector<16xi32>,
        %get3A_328 = arith.constant 0 : i64
        %get3A_329 = arith.index_cast %get3A_328 : i64 to index
        %get3A_330 = arith.constant 96 : index
        %get3A_331 = tpu.vector_load %arg6[%get3A_329, %get3A_330] {strides = array<i32>} : memref<2x128xi32, #tpu.memory_space<vmem>>, vector<16xi32>,
        %mul3A_332 = arith.constant 2 : i32
        %mul3A_333 = vector.broadcast %mul3A_332 : i32 to vector<16xi32>
        %mul3A_334 = arith.muli %get3A_331, %mul3A_333 : vector<16xi32>
        %add3A_335 = vector.broadcast %arg0 : i32 to vector<16xi32>
        %add3A_336 = arith.addi %mul3A_334, %add3A_335 : vector<16xi32>
        %swap3A_337 = arith.constant 0 : i64
        %swap3A_338 = arith.index_cast %swap3A_337 : i64 to index
        %swap3A_339 = arith.constant 96 : index
        %swap3A_340 = tpu.vector_load %arg6[%swap3A_338, %swap3A_339] {strides = array<i32>} : memref<2x128xi32, #tpu.memory_space<vmem>>, vector<16xi32>,
        tpu.vector_store %arg6[%swap3A_338, %swap3A_339], %add3A_336 {strides = array<i32>} : memref<2x128xi32, #tpu.memory_space<vmem>>, vector<16xi32>,
        %get3A_341 = arith.constant 0 : i64
        %get3A_342 = arith.index_cast %get3A_341 : i64 to index
        %get3A_343 = arith.constant 112 : index
        %get3A_344 = tpu.vector_load %arg6[%get3A_342, %get3A_343] {strides = array<i32>} : memref<2x128xi32, #tpu.memory_space<vmem>>, vector<16xi32>,
        %mul3A_345 = arith.constant 2 : i32
        %mul3A_346 = vector.broadcast %mul3A_345 : i32 to vector<16xi32>
        %mul3A_347 = arith.muli %get3A_344, %mul3A_346 : vector<16xi32>
        %add3A_348 = vector.broadcast %arg0 : i32 to vector<16xi32>
        %add3A_349 = arith.addi %mul3A_347, %add3A_348 : vector<16xi32>
        %swap3A_350 = arith.constant 0 : i64
        %swap3A_351 = arith.index_cast %swap3A_350 : i64 to index
        %swap3A_352 = arith.constant 112 : index
        %swap3A_353 = tpu.vector_load %arg6[%swap3A_351, %swap3A_352] {strides = array<i32>} : memref<2x128xi32, #tpu.memory_space<vmem>>, vector<16xi32>,
        tpu.vector_store %arg6[%swap3A_351, %swap3A_352], %add3A_349 {strides = array<i32>} : memref<2x128xi32, #tpu.memory_space<vmem>>, vector<16xi32>,
        %dma_start3A = arith.constant 0 : i32
        %dma_start3A_354 = arith.constant 0 : i32
        %dma_start3A_355 = tpu.memref_slice %arg6[%dma_start3A, %dma_start3A_354] : memref<2x128xi32, #tpu.memory_space<vmem>> -> memref<1x128xi32, #tpu.memory_space<vmem>>
        %dma_start3A_356 = tpu.memref_squeeze %dma_start3A_355 : memref<1x128xi32, #tpu.memory_space<vmem>> -> memref<128xi32, #tpu.memory_space<vmem>>
        %dma_start3A_357 = arith.constant 0 : i32
        %dma_start3A_358 = arith.constant 0 : i32
        %dma_start3A_359 = tpu.memref_slice %arg2[%dma_start3A_357, %dma_start3A_358] : memref<20000x128xf32, #tpu.memory_space<hbm>> -> memref<20000x128xf32, #tpu.memory_space<hbm>>
        tpu.enqueue_indirect_dma source(%dma_start3A_359 : memref<20000x128xf32, #tpu.memory_space<hbm>>) target(%arg10 : memref<128x128xf32, #tpu.memory_space<vmem>>) offsets(%dma_start3A_356 : memref<128xi32, #tpu.memory_space<vmem>>) semaphore(%arg14 : memref<!tpu.dma_semaphore, #tpu.memory_space<semaphore_mem>>)
      } else {
      }
      %add3A_205 = arith.constant 2 : i32
      %add3A_206 = arith.addi %add3A_196, %add3A_205 : i32
      %mul3A_207 = arith.constant 16 : i32
      %mul3A_208 = arith.muli %mul3A_207, %add3A_206 : i32
      %add3A_209 = arith.addi %arg1, %mul3A_208 : i32
      %lt3A_210 = arith.constant 1250 : i32
      %lt3A_211 = arith.cmpi slt, %add3A_209, %lt3A_210 : i32
      %convert_element_type3A_212 = arith.extui %lt3A_211 : i1 to i32
      %cond3A_213 = arith.constant 0 : i32
      %cond3A_214 = arith.cmpi ne, %convert_element_type3A_212, %cond3A_213 : i32
      scf.if %cond3A_214 {
        %mul3A_247 = arith.constant 128 : i32
        %mul3A_248 = arith.muli %add3A_209, %mul3A_247 : i32
        %multiple_of3A = tpu.assume_multiple %mul3A_248, 128 : i32
        %dma_start3A = arith.constant 0 : i32
        %dma_start3A_249 = tpu.memref_slice %arg3[%dma_start3A, %multiple_of3A] : memref<2x160000xi32, #tpu.memory_space<hbm>> -> memref<2x128xi32, #tpu.memory_space<hbm>>
        %dma_start3A_250 = arith.constant 0 : i32
        %dma_start3A_251 = tpu.memref_slice %arg3[%dma_start3A_250, %multiple_of3A] : memref<2x160000xi32, #tpu.memory_space<hbm>> -> memref<2x128xi32, #tpu.memory_space<hbm>>
        tpu.enqueue_dma source(%dma_start3A_251 : memref<2x128xi32, #tpu.memory_space<hbm>>) target(%arg8 : memref<2x128xi32, #tpu.memory_space<vmem>>) target_semaphore(%arg18 : memref<!tpu.dma_semaphore, #tpu.memory_space<semaphore_mem>>)
      } else {
      }
      %add3A_215 = arith.constant 3 : i32
      %add3A_216 = arith.addi %mul3A_118, %add3A_215 : i32
      %mul3A_217 = arith.constant 16 : i32
      %mul3A_218 = arith.muli %mul3A_217, %add3A_216 : i32
      %add3A_219 = arith.addi %arg1, %mul3A_218 : i32
      %lt3A_220 = arith.constant 1250 : i32
      %lt3A_221 = arith.cmpi slt, %add3A_219, %lt3A_220 : i32
      %convert_element_type3A_222 = arith.extui %lt3A_221 : i1 to i32
      %cond3A_223 = arith.constant 0 : i32
      %cond3A_224 = arith.cmpi ne, %convert_element_type3A_222, %cond3A_223 : i32
      scf.if %cond3A_224 {
        %dma_wait3A = arith.constant 0 : i32
        %dma_wait3A_247 = arith.constant 0 : i32
        %dma_wait3A_248 = tpu.memref_slice %arg9[%dma_wait3A, %dma_wait3A_247] : memref<2x128xi32, #tpu.memory_space<vmem>> -> memref<1x128xi32, #tpu.memory_space<vmem>>
        %dma_wait3A_249 = tpu.memref_squeeze %dma_wait3A_248 : memref<1x128xi32, #tpu.memory_space<vmem>> -> memref<128xi32, #tpu.memory_space<vmem>>
        %dma_wait3A_250 = arith.constant 0 : i32
        %dma_wait3A_251 = arith.constant 0 : i32
        %dma_wait3A_252 = tpu.memref_slice %arg2[%dma_wait3A_250, %dma_wait3A_251] : memref<20000x128xf32, #tpu.memory_space<hbm>> -> memref<20000x128xf32, #tpu.memory_space<hbm>>
        tpu.wait_indirect_dma semaphore(%arg15 : memref<!tpu.dma_semaphore, #tpu.memory_space<semaphore_mem>>) src(%dma_wait3A_252 : memref<20000x128xf32, #tpu.memory_space<hbm>>) dst(%arg11 : memref<128x128xf32, #tpu.memory_space<vmem>>)
        %run_scoped3A_253 = arith.constant 1 : i32
        "tpu.region"() ({
          %run_scoped3A_279 = tpu.sem_alloc : memref<!tpu.dma_semaphore, #tpu.memory_space<semaphore_mem>>
          %dma_start3A = arith.constant 0 : i32
          %dma_start3A_280 = tpu.memref_slice %arg9[%run_scoped3A_253, %dma_start3A] : memref<2x128xi32, #tpu.memory_space<vmem>> -> memref<1x128xi32, #tpu.memory_space<vmem>>
          %dma_start3A_281 = tpu.memref_squeeze %dma_start3A_280 : memref<1x128xi32, #tpu.memory_space<vmem>> -> memref<128xi32, #tpu.memory_space<vmem>>
          %dma_start3A_282 = arith.constant 0 : i32
          %dma_start3A_283 = arith.constant 0 : i32
          %dma_start3A_284 = tpu.memref_slice %arg13[%dma_start3A_282, %dma_start3A_283] : memref<10000x128xf32, #tpu.memory_space<vmem_shared>> -> memref<10000x128xf32, #tpu.memory_space<vmem_shared>>
          tpu.enqueue_indirect_dma source(%arg11 : memref<128x128xf32, #tpu.memory_space<vmem>>) target(%dma_start3A_284 : memref<10000x128xf32, #tpu.memory_space<vmem_shared>>) offsets(%dma_start3A_281 : memref<128xi32, #tpu.memory_space<vmem>>) semaphore(%run_scoped3A_279 : memref<!tpu.dma_semaphore, #tpu.memory_space<semaphore_mem>>) {add = true}
          %dma_wait3A_285 = arith.constant 0 : i32
          %dma_wait3A_286 = tpu.memref_slice %arg9[%run_scoped3A_253, %dma_wait3A_285] : memref<2x128xi32, #tpu.memory_space<vmem>> -> memref<1x128xi32, #tpu.memory_space<vmem>>
          %dma_wait3A_287 = tpu.memref_squeeze %dma_wait3A_286 : memref<1x128xi32, #tpu.memory_space<vmem>> -> memref<128xi32, #tpu.memory_space<vmem>>
          %dma_wait3A_288 = arith.constant 0 : i32
          %dma_wait3A_289 = arith.constant 0 : i32
          %dma_wait3A_290 = tpu.memref_slice %arg13[%dma_wait3A_288, %dma_wait3A_289] : memref<10000x128xf32, #tpu.memory_space<vmem_shared>> -> memref<10000x128xf32, #tpu.memory_space<vmem_shared>>
          tpu.wait_indirect_dma semaphore(%run_scoped3A_279 : memref<!tpu.dma_semaphore, #tpu.memory_space<semaphore_mem>>) src(%arg11 : memref<128x128xf32, #tpu.memory_space<vmem>>) dst(%dma_wait3A_290 : memref<10000x128xf32, #tpu.memory_space<vmem_shared>>)
          tpu.yield
        }) : () -> ()
        %mul3A_254 = arith.constant 64 : i32
        %mul3A_255 = arith.muli %arg0, %mul3A_254 : i32
        %add3A_256 = arith.constant 0 : i32
        %add3A_257 = arith.addi %mul3A_255, %add3A_256 : i32
        %get3A = arith.constant 1 : i64
        %get3A_258 = arith.index_cast %get3A : i64 to index
        %get3A_259 = arith.index_cast %add3A_257 : i32 to index
        %get3A_260 = tpu.vector_load %arg9[%get3A_258, %get3A_259] {strides = array<i32>} : memref<2x128xi32, #tpu.memory_space<vmem>>, vector<16xi32>,
        tpu.vector_store_idx %arg12[%get3A_260], %broadcast_in_dim3A_29 {add = true} : memref<10000xf32, #tpu.memory_space<vmem>>[vector<16xi32>], vector<16xf32>,
        %add3A_261 = arith.constant 16 : i32
        %add3A_262 = arith.addi %mul3A_255, %add3A_261 : i32
        %get3A_263 = arith.constant 1 : i64
        %get3A_264 = arith.index_cast %get3A_263 : i64 to index
        %get3A_265 = arith.index_cast %add3A_262 : i32 to index
        %get3A_266 = tpu.vector_load %arg9[%get3A_264, %get3A_265] {strides = array<i32>} : memref<2x128xi32, #tpu.memory_space<vmem>>, vector<16xi32>,
        tpu.vector_store_idx %arg12[%get3A_266], %broadcast_in_dim3A_29 {add = true} : memref<10000xf32, #tpu.memory_space<vmem>>[vector<16xi32>], vector<16xf32>,
        %add3A_267 = arith.constant 32 : i32
        %add3A_268 = arith.addi %mul3A_255, %add3A_267 : i32
        %get3A_269 = arith.constant 1 : i64
        %get3A_270 = arith.index_cast %get3A_269 : i64 to index
        %get3A_271 = arith.index_cast %add3A_268 : i32 to index
        %get3A_272 = tpu.vector_load %arg9[%get3A_270, %get3A_271] {strides = array<i32>} : memref<2x128xi32, #tpu.memory_space<vmem>>, vector<16xi32>,
        tpu.vector_store_idx %arg12[%get3A_272], %broadcast_in_dim3A_29 {add = true} : memref<10000xf32, #tpu.memory_space<vmem>>[vector<16xi32>], vector<16xf32>,
        %add3A_273 = arith.constant 48 : i32
        %add3A_274 = arith.addi %mul3A_255, %add3A_273 : i32
        %get3A_275 = arith.constant 1 : i64
        %get3A_276 = arith.index_cast %get3A_275 : i64 to index
        %get3A_277 = arith.index_cast %add3A_274 : i32 to index
        %get3A_278 = tpu.vector_load %arg9[%get3A_276, %get3A_277] {strides = array<i32>} : memref<2x128xi32, #tpu.memory_space<vmem>>, vector<16xi32>,
        tpu.vector_store_idx %arg12[%get3A_278], %broadcast_in_dim3A_29 {add = true} : memref<10000xf32, #tpu.memory_space<vmem>>[vector<16xi32>], vector<16xf32>,
      } else {
      }
      %add3A_225 = arith.constant 3 : i32
      %add3A_226 = arith.addi %mul3A_118, %add3A_225 : i32
      %add3A_227 = arith.constant 2 : i32
      %add3A_228 = arith.addi %add3A_226, %add3A_227 : i32
      %mul3A_229 = arith.constant 16 : i32
      %mul3A_230 = arith.muli %mul3A_229, %add3A_228 : i32
      %add3A_231 = arith.addi %arg1, %mul3A_230 : i32
      %lt3A_232 = arith.constant 1250 : i32
      %lt3A_233 = arith.cmpi slt, %add3A_231, %lt3A_232 : i32
      %convert_element_type3A_234 = arith.extui %lt3A_233 : i1 to i32
      %cond3A_235 = arith.constant 0 : i32
      %cond3A_236 = arith.cmpi ne, %convert_element_type3A_234, %cond3A_235 : i32
      scf.if %cond3A_236 {
        %mul3A_247 = arith.constant 128 : i32
        %mul3A_248 = arith.muli %add3A_231, %mul3A_247 : i32
        %multiple_of3A = tpu.assume_multiple %mul3A_248, 128 : i32
        %dma_wait3A = arith.constant 0 : i32
        %dma_wait3A_249 = tpu.memref_slice %arg3[%dma_wait3A, %multiple_of3A] : memref<2x160000xi32, #tpu.memory_space<hbm>> -> memref<2x128xi32, #tpu.memory_space<hbm>>
        %dma_wait3A_250 = arith.constant 0 : i32
        %dma_wait3A_251 = tpu.memref_slice %arg3[%dma_wait3A_250, %multiple_of3A] : memref<2x160000xi32, #tpu.memory_space<hbm>> -> memref<2x128xi32, #tpu.memory_space<hbm>>
        tpu.wait_dma2 semaphore(%arg17 : memref<!tpu.dma_semaphore, #tpu.memory_space<semaphore_mem>>) src(%dma_wait3A_251 : memref<2x128xi32, #tpu.memory_space<hbm>>) dst(%arg7 : memref<2x128xi32, #tpu.memory_space<vmem>>)
        %get3A = arith.constant 0 : i64
        %get3A_252 = arith.index_cast %get3A : i64 to index
        %get3A_253 = arith.constant 0 : index
        %get3A_254 = tpu.vector_load %arg7[%get3A_252, %get3A_253] {strides = array<i32>} : memref<2x128xi32, #tpu.memory_space<vmem>>, vector<16xi32>,
        %mul3A_255 = arith.constant 2 : i32
        %mul3A_256 = vector.broadcast %mul3A_255 : i32 to vector<16xi32>
        %mul3A_257 = arith.muli %get3A_254, %mul3A_256 : vector<16xi32>
        %add3A_258 = vector.broadcast %arg0 : i32 to vector<16xi32>
        %add3A_259 = arith.addi %mul3A_257, %add3A_258 : vector<16xi32>
        %swap3A = arith.constant 0 : i64
        %swap3A_260 = arith.index_cast %swap3A : i64 to index
        %swap3A_261 = arith.constant 0 : index
        %swap3A_262 = tpu.vector_load %arg7[%swap3A_260, %swap3A_261] {strides = array<i32>} : memref<2x128xi32, #tpu.memory_space<vmem>>, vector<16xi32>,
        tpu.vector_store %arg7[%swap3A_260, %swap3A_261], %add3A_259 {strides = array<i32>} : memref<2x128xi32, #tpu.memory_space<vmem>>, vector<16xi32>,
        %get3A_263 = arith.constant 0 : i64
        %get3A_264 = arith.index_cast %get3A_263 : i64 to index
        %get3A_265 = arith.constant 16 : index
        %get3A_266 = tpu.vector_load %arg7[%get3A_264, %get3A_265] {strides = array<i32>} : memref<2x128xi32, #tpu.memory_space<vmem>>, vector<16xi32>,
        %mul3A_267 = arith.constant 2 : i32
        %mul3A_268 = vector.broadcast %mul3A_267 : i32 to vector<16xi32>
        %mul3A_269 = arith.muli %get3A_266, %mul3A_268 : vector<16xi32>
        %add3A_270 = vector.broadcast %arg0 : i32 to vector<16xi32>
        %add3A_271 = arith.addi %mul3A_269, %add3A_270 : vector<16xi32>
        %swap3A_272 = arith.constant 0 : i64
        %swap3A_273 = arith.index_cast %swap3A_272 : i64 to index
        %swap3A_274 = arith.constant 16 : index
        %swap3A_275 = tpu.vector_load %arg7[%swap3A_273, %swap3A_274] {strides = array<i32>} : memref<2x128xi32, #tpu.memory_space<vmem>>, vector<16xi32>,
        tpu.vector_store %arg7[%swap3A_273, %swap3A_274], %add3A_271 {strides = array<i32>} : memref<2x128xi32, #tpu.memory_space<vmem>>, vector<16xi32>,
        %get3A_276 = arith.constant 0 : i64
        %get3A_277 = arith.index_cast %get3A_276 : i64 to index
        %get3A_278 = arith.constant 32 : index
        %get3A_279 = tpu.vector_load %arg7[%get3A_277, %get3A_278] {strides = array<i32>} : memref<2x128xi32, #tpu.memory_space<vmem>>, vector<16xi32>,
        %mul3A_280 = arith.constant 2 : i32
        %mul3A_281 = vector.broadcast %mul3A_280 : i32 to vector<16xi32>
        %mul3A_282 = arith.muli %get3A_279, %mul3A_281 : vector<16xi32>
        %add3A_283 = vector.broadcast %arg0 : i32 to vector<16xi32>
        %add3A_284 = arith.addi %mul3A_282, %add3A_283 : vector<16xi32>
        %swap3A_285 = arith.constant 0 : i64
        %swap3A_286 = arith.index_cast %swap3A_285 : i64 to index
        %swap3A_287 = arith.constant 32 : index
        %swap3A_288 = tpu.vector_load %arg7[%swap3A_286, %swap3A_287] {strides = array<i32>} : memref<2x128xi32, #tpu.memory_space<vmem>>, vector<16xi32>,
        tpu.vector_store %arg7[%swap3A_286, %swap3A_287], %add3A_284 {strides = array<i32>} : memref<2x128xi32, #tpu.memory_space<vmem>>, vector<16xi32>,
        %get3A_289 = arith.constant 0 : i64
        %get3A_290 = arith.index_cast %get3A_289 : i64 to index
        %get3A_291 = arith.constant 48 : index
        %get3A_292 = tpu.vector_load %arg7[%get3A_290, %get3A_291] {strides = array<i32>} : memref<2x128xi32, #tpu.memory_space<vmem>>, vector<16xi32>,
        %mul3A_293 = arith.constant 2 : i32
        %mul3A_294 = vector.broadcast %mul3A_293 : i32 to vector<16xi32>
        %mul3A_295 = arith.muli %get3A_292, %mul3A_294 : vector<16xi32>
        %add3A_296 = vector.broadcast %arg0 : i32 to vector<16xi32>
        %add3A_297 = arith.addi %mul3A_295, %add3A_296 : vector<16xi32>
        %swap3A_298 = arith.constant 0 : i64
        %swap3A_299 = arith.index_cast %swap3A_298 : i64 to index
        %swap3A_300 = arith.constant 48 : index
        %swap3A_301 = tpu.vector_load %arg7[%swap3A_299, %swap3A_300] {strides = array<i32>} : memref<2x128xi32, #tpu.memory_space<vmem>>, vector<16xi32>,
        tpu.vector_store %arg7[%swap3A_299, %swap3A_300], %add3A_297 {strides = array<i32>} : memref<2x128xi32, #tpu.memory_space<vmem>>, vector<16xi32>,
        %get3A_302 = arith.constant 0 : i64
        %get3A_303 = arith.index_cast %get3A_302 : i64 to index
        %get3A_304 = arith.constant 64 : index
        %get3A_305 = tpu.vector_load %arg7[%get3A_303, %get3A_304] {strides = array<i32>} : memref<2x128xi32, #tpu.memory_space<vmem>>, vector<16xi32>,
        %mul3A_306 = arith.constant 2 : i32
        %mul3A_307 = vector.broadcast %mul3A_306 : i32 to vector<16xi32>
        %mul3A_308 = arith.muli %get3A_305, %mul3A_307 : vector<16xi32>
        %add3A_309 = vector.broadcast %arg0 : i32 to vector<16xi32>
        %add3A_310 = arith.addi %mul3A_308, %add3A_309 : vector<16xi32>
        %swap3A_311 = arith.constant 0 : i64
        %swap3A_312 = arith.index_cast %swap3A_311 : i64 to index
        %swap3A_313 = arith.constant 64 : index
        %swap3A_314 = tpu.vector_load %arg7[%swap3A_312, %swap3A_313] {strides = array<i32>} : memref<2x128xi32, #tpu.memory_space<vmem>>, vector<16xi32>,
        tpu.vector_store %arg7[%swap3A_312, %swap3A_313], %add3A_310 {strides = array<i32>} : memref<2x128xi32, #tpu.memory_space<vmem>>, vector<16xi32>,
        %get3A_315 = arith.constant 0 : i64
        %get3A_316 = arith.index_cast %get3A_315 : i64 to index
        %get3A_317 = arith.constant 80 : index
        %get3A_318 = tpu.vector_load %arg7[%get3A_316, %get3A_317] {strides = array<i32>} : memref<2x128xi32, #tpu.memory_space<vmem>>, vector<16xi32>,
        %mul3A_319 = arith.constant 2 : i32
        %mul3A_320 = vector.broadcast %mul3A_319 : i32 to vector<16xi32>
        %mul3A_321 = arith.muli %get3A_318, %mul3A_320 : vector<16xi32>
        %add3A_322 = vector.broadcast %arg0 : i32 to vector<16xi32>
        %add3A_323 = arith.addi %mul3A_321, %add3A_322 : vector<16xi32>
        %swap3A_324 = arith.constant 0 : i64
        %swap3A_325 = arith.index_cast %swap3A_324 : i64 to index
        %swap3A_326 = arith.constant 80 : index
        %swap3A_327 = tpu.vector_load %arg7[%swap3A_325, %swap3A_326] {strides = array<i32>} : memref<2x128xi32, #tpu.memory_space<vmem>>, vector<16xi32>,
        tpu.vector_store %arg7[%swap3A_325, %swap3A_326], %add3A_323 {strides = array<i32>} : memref<2x128xi32, #tpu.memory_space<vmem>>, vector<16xi32>,
        %get3A_328 = arith.constant 0 : i64
        %get3A_329 = arith.index_cast %get3A_328 : i64 to index
        %get3A_330 = arith.constant 96 : index
        %get3A_331 = tpu.vector_load %arg7[%get3A_329, %get3A_330] {strides = array<i32>} : memref<2x128xi32, #tpu.memory_space<vmem>>, vector<16xi32>,
        %mul3A_332 = arith.constant 2 : i32
        %mul3A_333 = vector.broadcast %mul3A_332 : i32 to vector<16xi32>
        %mul3A_334 = arith.muli %get3A_331, %mul3A_333 : vector<16xi32>
        %add3A_335 = vector.broadcast %arg0 : i32 to vector<16xi32>
        %add3A_336 = arith.addi %mul3A_334, %add3A_335 : vector<16xi32>
        %swap3A_337 = arith.constant 0 : i64
        %swap3A_338 = arith.index_cast %swap3A_337 : i64 to index
        %swap3A_339 = arith.constant 96 : index
        %swap3A_340 = tpu.vector_load %arg7[%swap3A_338, %swap3A_339] {strides = array<i32>} : memref<2x128xi32, #tpu.memory_space<vmem>>, vector<16xi32>,
        tpu.vector_store %arg7[%swap3A_338, %swap3A_339], %add3A_336 {strides = array<i32>} : memref<2x128xi32, #tpu.memory_space<vmem>>, vector<16xi32>,
        %get3A_341 = arith.constant 0 : i64
        %get3A_342 = arith.index_cast %get3A_341 : i64 to index
        %get3A_343 = arith.constant 112 : index
        %get3A_344 = tpu.vector_load %arg7[%get3A_342, %get3A_343] {strides = array<i32>} : memref<2x128xi32, #tpu.memory_space<vmem>>, vector<16xi32>,
        %mul3A_345 = arith.constant 2 : i32
        %mul3A_346 = vector.broadcast %mul3A_345 : i32 to vector<16xi32>
        %mul3A_347 = arith.muli %get3A_344, %mul3A_346 : vector<16xi32>
        %add3A_348 = vector.broadcast %arg0 : i32 to vector<16xi32>
        %add3A_349 = arith.addi %mul3A_347, %add3A_348 : vector<16xi32>
        %swap3A_350 = arith.constant 0 : i64
        %swap3A_351 = arith.index_cast %swap3A_350 : i64 to index
        %swap3A_352 = arith.constant 112 : index
        %swap3A_353 = tpu.vector_load %arg7[%swap3A_351, %swap3A_352] {strides = array<i32>} : memref<2x128xi32, #tpu.memory_space<vmem>>, vector<16xi32>,
        tpu.vector_store %arg7[%swap3A_351, %swap3A_352], %add3A_349 {strides = array<i32>} : memref<2x128xi32, #tpu.memory_space<vmem>>, vector<16xi32>,
        %dma_start3A = arith.constant 0 : i32
        %dma_start3A_354 = arith.constant 0 : i32
        %dma_start3A_355 = tpu.memref_slice %arg7[%dma_start3A, %dma_start3A_354] : memref<2x128xi32, #tpu.memory_space<vmem>> -> memref<1x128xi32, #tpu.memory_space<vmem>>
        %dma_start3A_356 = tpu.memref_squeeze %dma_start3A_355 : memref<1x128xi32, #tpu.memory_space<vmem>> -> memref<128xi32, #tpu.memory_space<vmem>>
        %dma_start3A_357 = arith.constant 0 : i32
        %dma_start3A_358 = arith.constant 0 : i32
        %dma_start3A_359 = tpu.memref_slice %arg2[%dma_start3A_357, %dma_start3A_358] : memref<20000x128xf32, #tpu.memory_space<hbm>> -> memref<20000x128xf32, #tpu.memory_space<hbm>>
        tpu.enqueue_indirect_dma source(%dma_start3A_359 : memref<20000x128xf32, #tpu.memory_space<hbm>>) target(%arg11 : memref<128x128xf32, #tpu.memory_space<vmem>>) offsets(%dma_start3A_356 : memref<128xi32, #tpu.memory_space<vmem>>) semaphore(%arg15 : memref<!tpu.dma_semaphore, #tpu.memory_space<semaphore_mem>>)
      } else {
      }
      %add3A_237 = arith.constant 2 : i32
      %add3A_238 = arith.addi %add3A_228, %add3A_237 : i32
      %mul3A_239 = arith.constant 16 : i32
      %mul3A_240 = arith.muli %mul3A_239, %add3A_238 : i32
      %add3A_241 = arith.addi %arg1, %mul3A_240 : i32
      %lt3A_242 = arith.constant 1250 : i32
      %lt3A_243 = arith.cmpi slt, %add3A_241, %lt3A_242 : i32
      %convert_element_type3A_244 = arith.extui %lt3A_243 : i1 to i32
      %cond3A_245 = arith.constant 0 : i32
      %cond3A_246 = arith.cmpi ne, %convert_element_type3A_244, %cond3A_245 : i32
      scf.if %cond3A_246 {
        %mul3A_247 = arith.constant 128 : i32
        %mul3A_248 = arith.muli %add3A_241, %mul3A_247 : i32
        %multiple_of3A = tpu.assume_multiple %mul3A_248, 128 : i32
        %dma_start3A = arith.constant 0 : i32
        %dma_start3A_249 = tpu.memref_slice %arg3[%dma_start3A, %multiple_of3A] : memref<2x160000xi32, #tpu.memory_space<hbm>> -> memref<2x128xi32, #tpu.memory_space<hbm>>
        %dma_start3A_250 = arith.constant 0 : i32
        %dma_start3A_251 = tpu.memref_slice %arg3[%dma_start3A_250, %multiple_of3A] : memref<2x160000xi32, #tpu.memory_space<hbm>> -> memref<2x128xi32, #tpu.memory_space<hbm>>
        tpu.enqueue_dma source(%dma_start3A_251 : memref<2x128xi32, #tpu.memory_space<hbm>>) target(%arg9 : memref<2x128xi32, #tpu.memory_space<vmem>>) target_semaphore(%arg19 : memref<!tpu.dma_semaphore, #tpu.memory_space<semaphore_mem>>)
      } else {
      }
    }
    %barrier3A_82 = arith.constant 0 : index
    tpu.barrier barrier_id(%barrier3A_82)
    %lt3A_83 = arith.constant 15 : i32
    %lt3A_84 = arith.cmpi slt, %arg1, %lt3A_83 : i32
    %convert_element_type3A_85 = arith.extui %lt3A_84 : i1 to i32
    %cond3A_86 = arith.constant 0 : i32
    %cond3A_87 = arith.cmpi ne, %convert_element_type3A_85, %cond3A_86 : i32
    scf.if %cond3A_87 {
      %mul3A_116 = arith.constant 640 : i32
      %mul3A_117 = arith.muli %arg1, %mul3A_116 : i32
      %mul3A_118 = arith.constant 640 : i32
      %mul3A_119 = arith.muli %arg1, %mul3A_118 : i32
      "tpu.region"() ({
        %run_scoped3A_120 = tpu.sem_alloc : memref<!tpu.dma_semaphore, #tpu.memory_space<semaphore_mem>>
        %dma_start3A = arith.constant 0 : i32
        %dma_start3A_121 = tpu.memref_slice %arg4[%arg0, %mul3A_119, %dma_start3A] : memref<2x10000x128xf32, #tpu.memory_space<hbm>> -> memref<1x640x128xf32, #tpu.memory_space<hbm>>
        %dma_start3A_122 = tpu.memref_squeeze %dma_start3A_121 : memref<1x640x128xf32, #tpu.memory_space<hbm>> -> memref<640x128xf32, #tpu.memory_space<hbm>>
        %dma_start3A_123 = arith.constant 0 : i32
        %dma_start3A_124 = tpu.memref_slice %arg13[%mul3A_117, %dma_start3A_123] : memref<10000x128xf32, #tpu.memory_space<vmem_shared>> -> memref<640x128xf32, #tpu.memory_space<vmem_shared>>
        tpu.enqueue_dma source(%dma_start3A_124 : memref<640x128xf32, #tpu.memory_space<vmem_shared>>) target(%dma_start3A_122 : memref<640x128xf32, #tpu.memory_space<hbm>>) target_semaphore(%run_scoped3A_120 : memref<!tpu.dma_semaphore, #tpu.memory_space<semaphore_mem>>)
        %dma_wait3A = arith.constant 0 : i32
        %dma_wait3A_125 = tpu.memref_slice %arg4[%arg0, %mul3A_119, %dma_wait3A] : memref<2x10000x128xf32, #tpu.memory_space<hbm>> -> memref<1x640x128xf32, #tpu.memory_space<hbm>>
        %dma_wait3A_126 = tpu.memref_squeeze %dma_wait3A_125 : memref<1x640x128xf32, #tpu.memory_space<hbm>> -> memref<640x128xf32, #tpu.memory_space<hbm>>
        %dma_wait3A_127 = arith.constant 0 : i32
        %dma_wait3A_128 = tpu.memref_slice %arg13[%mul3A_117, %dma_wait3A_127] : memref<10000x128xf32, #tpu.memory_space<vmem_shared>> -> memref<640x128xf32, #tpu.memory_space<vmem_shared>>
        tpu.wait_dma2 semaphore(%run_scoped3A_120 : memref<!tpu.dma_semaphore, #tpu.memory_space<semaphore_mem>>) src(%dma_wait3A_128 : memref<640x128xf32, #tpu.memory_space<vmem_shared>>) dst(%dma_wait3A_126 : memref<640x128xf32, #tpu.memory_space<hbm>>)
        tpu.yield
      }) : () -> ()
    } else {
    }
    %eq3A_88 = arith.constant 15 : i32
    %eq3A_89 = arith.cmpi eq, %arg1, %eq3A_88 : i32
    %convert_element_type3A_90 = arith.extui %eq3A_89 : i1 to i32
    %cond3A_91 = arith.constant 0 : i32
    %cond3A_92 = arith.cmpi ne, %convert_element_type3A_90, %cond3A_91 : i32
    scf.if %cond3A_92 {
      "tpu.region"() ({
        %run_scoped3A_116 = tpu.sem_alloc : memref<!tpu.dma_semaphore, #tpu.memory_space<semaphore_mem>>
        %dma_start3A = arith.constant 9600 : i32
        %dma_start3A_117 = arith.constant 0 : i32
        %dma_start3A_118 = tpu.memref_slice %arg4[%arg0, %dma_start3A, %dma_start3A_117] : memref<2x10000x128xf32, #tpu.memory_space<hbm>> -> memref<1x400x128xf32, #tpu.memory_space<hbm>>
        %dma_start3A_119 = tpu.memref_squeeze %dma_start3A_118 : memref<1x400x128xf32, #tpu.memory_space<hbm>> -> memref<400x128xf32, #tpu.memory_space<hbm>>
        %dma_start3A_120 = arith.constant 9600 : i32
        %dma_start3A_121 = arith.constant 0 : i32
        %dma_start3A_122 = tpu.memref_slice %arg13[%dma_start3A_120, %dma_start3A_121] : memref<10000x128xf32, #tpu.memory_space<vmem_shared>> -> memref<400x128xf32, #tpu.memory_space<vmem_shared>>
        tpu.enqueue_dma source(%dma_start3A_122 : memref<400x128xf32, #tpu.memory_space<vmem_shared>>) target(%dma_start3A_119 : memref<400x128xf32, #tpu.memory_space<hbm>>) target_semaphore(%run_scoped3A_116 : memref<!tpu.dma_semaphore, #tpu.memory_space<semaphore_mem>>)
        %dma_wait3A = arith.constant 9600 : i32
        %dma_wait3A_123 = arith.constant 0 : i32
        %dma_wait3A_124 = tpu.memref_slice %arg4[%arg0, %dma_wait3A, %dma_wait3A_123] : memref<2x10000x128xf32, #tpu.memory_space<hbm>> -> memref<1x400x128xf32, #tpu.memory_space<hbm>>
        %dma_wait3A_125 = tpu.memref_squeeze %dma_wait3A_124 : memref<1x400x128xf32, #tpu.memory_space<hbm>> -> memref<400x128xf32, #tpu.memory_space<hbm>>
        %dma_wait3A_126 = arith.constant 9600 : i32
        %dma_wait3A_127 = arith.constant 0 : i32
        %dma_wait3A_128 = tpu.memref_slice %arg13[%dma_wait3A_126, %dma_wait3A_127] : memref<10000x128xf32, #tpu.memory_space<vmem_shared>> -> memref<400x128xf32, #tpu.memory_space<vmem_shared>>
        tpu.wait_dma2 semaphore(%run_scoped3A_116 : memref<!tpu.dma_semaphore, #tpu.memory_space<semaphore_mem>>) src(%dma_wait3A_128 : memref<400x128xf32, #tpu.memory_space<vmem_shared>>) dst(%dma_wait3A_125 : memref<400x128xf32, #tpu.memory_space<hbm>>)
        tpu.yield
      }) : () -> ()
    } else {
    }
    %mul3A = arith.constant 16 : i32
    %mul3A_93 = arith.muli %arg0, %mul3A : i32
    %add3A_94 = arith.addi %mul3A_93, %arg1 : i32
    %run_scoped3A = arith.constant 0 : i32
    %run_scoped3A_95 = arith.constant 0 : i32
    "tpu.region"() ({
      %run_scoped3A_116 = tpu.sem_alloc : memref<!tpu.dma_semaphore, #tpu.memory_space<semaphore_mem>>
      %dma_start3A = arith.constant 0 : i32
      %dma_start3A_117 = tpu.memref_slice %arg12[%dma_start3A] : memref<10000xf32, #tpu.memory_space<vmem>> -> memref<2000xf32, #tpu.memory_space<vmem>>
      %dma_start3A_118 = arith.constant 0 : i32
      %dma_start3A_119 = tpu.memref_slice %arg5[%run_scoped3A, %add3A_94, %run_scoped3A_95, %dma_start3A_118] : memref<5x32x1x2000xf32, #tpu.memory_space<hbm>> -> memref<1x1x1x2000xf32, #tpu.memory_space<hbm>>
      %dma_start3A_120 = tpu.memref_squeeze %dma_start3A_119 : memref<1x1x1x2000xf32, #tpu.memory_space<hbm>> -> memref<2000xf32, #tpu.memory_space<hbm>>
      %dma_start3A_121 = arith.constant 0 : i32
      %dma_start3A_122 = tpu.memref_slice %arg5[%run_scoped3A, %add3A_94, %run_scoped3A_95, %dma_start3A_121] : memref<5x32x1x2000xf32, #tpu.memory_space<hbm>> -> memref<1x1x1x2000xf32, #tpu.memory_space<hbm>>
      %dma_start3A_123 = tpu.memref_squeeze %dma_start3A_122 : memref<1x1x1x2000xf32, #tpu.memory_space<hbm>> -> memref<2000xf32, #tpu.memory_space<hbm>>
      %dma_start3A_124 = arith.constant 0 : i32
      %dma_start3A_125 = tpu.memref_slice %arg12[%dma_start3A_124] : memref<10000xf32, #tpu.memory_space<vmem>> -> memref<2000xf32, #tpu.memory_space<vmem>>
      tpu.enqueue_dma source(%dma_start3A_125 : memref<2000xf32, #tpu.memory_space<vmem>>) target(%dma_start3A_123 : memref<2000xf32, #tpu.memory_space<hbm>>) target_semaphore(%run_scoped3A_116 : memref<!tpu.dma_semaphore, #tpu.memory_space<semaphore_mem>>)
      %dma_wait3A = arith.constant 0 : i32
      %dma_wait3A_126 = tpu.memref_slice %arg12[%dma_wait3A] : memref<10000xf32, #tpu.memory_space<vmem>> -> memref<2000xf32, #tpu.memory_space<vmem>>
      %dma_wait3A_127 = arith.constant 0 : i32
      %dma_wait3A_128 = tpu.memref_slice %arg5[%run_scoped3A, %add3A_94, %run_scoped3A_95, %dma_wait3A_127] : memref<5x32x1x2000xf32, #tpu.memory_space<hbm>> -> memref<1x1x1x2000xf32, #tpu.memory_space<hbm>>
      %dma_wait3A_129 = tpu.memref_squeeze %dma_wait3A_128 : memref<1x1x1x2000xf32, #tpu.memory_space<hbm>> -> memref<2000xf32, #tpu.memory_space<hbm>>
      %dma_wait3A_130 = arith.constant 0 : i32
      %dma_wait3A_131 = tpu.memref_slice %arg5[%run_scoped3A, %add3A_94, %run_scoped3A_95, %dma_wait3A_130] : memref<5x32x1x2000xf32, #tpu.memory_space<hbm>> -> memref<1x1x1x2000xf32, #tpu.memory_space<hbm>>
      %dma_wait3A_132 = tpu.memref_squeeze %dma_wait3A_131 : memref<1x1x1x2000xf32, #tpu.memory_space<hbm>> -> memref<2000xf32, #tpu.memory_space<hbm>>
      %dma_wait3A_133 = arith.constant 0 : i32
      %dma_wait3A_134 = tpu.memref_slice %arg12[%dma_wait3A_133] : memref<10000xf32, #tpu.memory_space<vmem>> -> memref<2000xf32, #tpu.memory_space<vmem>>
      tpu.wait_dma2 semaphore(%run_scoped3A_116 : memref<!tpu.dma_semaphore, #tpu.memory_space<semaphore_mem>>) src(%dma_wait3A_134 : memref<2000xf32, #tpu.memory_space<vmem>>) dst(%dma_wait3A_132 : memref<2000xf32, #tpu.memory_space<hbm>>)
      tpu.yield
    }) : () -> ()
    %mul3A_96 = arith.constant 16 : i32
    %mul3A_97 = arith.muli %arg0, %mul3A_96 : i32
    %add3A_98 = arith.addi %mul3A_97, %arg1 : i32
    %run_scoped3A_99 = arith.constant 1 : i32
    %run_scoped3A_100 = arith.constant 0 : i32
    "tpu.region"() ({
      %run_scoped3A_116 = tpu.sem_alloc : memref<!tpu.dma_semaphore, #tpu.memory_space<semaphore_mem>>
      %dma_start3A = arith.constant 2000 : i32
      %dma_start3A_117 = tpu.memref_slice %arg12[%dma_start3A] : memref<10000xf32, #tpu.memory_space<vmem>> -> memref<2000xf32, #tpu.memory_space<vmem>>
      %dma_start3A_118 = arith.constant 0 : i32
      %dma_start3A_119 = tpu.memref_slice %arg5[%run_scoped3A_99, %add3A_98, %run_scoped3A_100, %dma_start3A_118] : memref<5x32x1x2000xf32, #tpu.memory_space<hbm>> -> memref<1x1x1x2000xf32, #tpu.memory_space<hbm>>
      %dma_start3A_120 = tpu.memref_squeeze %dma_start3A_119 : memref<1x1x1x2000xf32, #tpu.memory_space<hbm>> -> memref<2000xf32, #tpu.memory_space<hbm>>
      %dma_start3A_121 = arith.constant 0 : i32
      %dma_start3A_122 = tpu.memref_slice %arg5[%run_scoped3A_99, %add3A_98, %run_scoped3A_100, %dma_start3A_121] : memref<5x32x1x2000xf32, #tpu.memory_space<hbm>> -> memref<1x1x1x2000xf32, #tpu.memory_space<hbm>>
      %dma_start3A_123 = tpu.memref_squeeze %dma_start3A_122 : memref<1x1x1x2000xf32, #tpu.memory_space<hbm>> -> memref<2000xf32, #tpu.memory_space<hbm>>
      %dma_start3A_124 = arith.constant 2000 : i32
      %dma_start3A_125 = tpu.memref_slice %arg12[%dma_start3A_124] : memref<10000xf32, #tpu.memory_space<vmem>> -> memref<2000xf32, #tpu.memory_space<vmem>>
      tpu.enqueue_dma source(%dma_start3A_125 : memref<2000xf32, #tpu.memory_space<vmem>>) target(%dma_start3A_123 : memref<2000xf32, #tpu.memory_space<hbm>>) target_semaphore(%run_scoped3A_116 : memref<!tpu.dma_semaphore, #tpu.memory_space<semaphore_mem>>)
      %dma_wait3A = arith.constant 2000 : i32
      %dma_wait3A_126 = tpu.memref_slice %arg12[%dma_wait3A] : memref<10000xf32, #tpu.memory_space<vmem>> -> memref<2000xf32, #tpu.memory_space<vmem>>
      %dma_wait3A_127 = arith.constant 0 : i32
      %dma_wait3A_128 = tpu.memref_slice %arg5[%run_scoped3A_99, %add3A_98, %run_scoped3A_100, %dma_wait3A_127] : memref<5x32x1x2000xf32, #tpu.memory_space<hbm>> -> memref<1x1x1x2000xf32, #tpu.memory_space<hbm>>
      %dma_wait3A_129 = tpu.memref_squeeze %dma_wait3A_128 : memref<1x1x1x2000xf32, #tpu.memory_space<hbm>> -> memref<2000xf32, #tpu.memory_space<hbm>>
      %dma_wait3A_130 = arith.constant 0 : i32
      %dma_wait3A_131 = tpu.memref_slice %arg5[%run_scoped3A_99, %add3A_98, %run_scoped3A_100, %dma_wait3A_130] : memref<5x32x1x2000xf32, #tpu.memory_space<hbm>> -> memref<1x1x1x2000xf32, #tpu.memory_space<hbm>>
      %dma_wait3A_132 = tpu.memref_squeeze %dma_wait3A_131 : memref<1x1x1x2000xf32, #tpu.memory_space<hbm>> -> memref<2000xf32, #tpu.memory_space<hbm>>
      %dma_wait3A_133 = arith.constant 2000 : i32
      %dma_wait3A_134 = tpu.memref_slice %arg12[%dma_wait3A_133] : memref<10000xf32, #tpu.memory_space<vmem>> -> memref<2000xf32, #tpu.memory_space<vmem>>
      tpu.wait_dma2 semaphore(%run_scoped3A_116 : memref<!tpu.dma_semaphore, #tpu.memory_space<semaphore_mem>>) src(%dma_wait3A_134 : memref<2000xf32, #tpu.memory_space<vmem>>) dst(%dma_wait3A_132 : memref<2000xf32, #tpu.memory_space<hbm>>)
      tpu.yield
    }) : () -> ()
    %mul3A_101 = arith.constant 16 : i32
    %mul3A_102 = arith.muli %arg0, %mul3A_101 : i32
    %add3A_103 = arith.addi %mul3A_102, %arg1 : i32
    %run_scoped3A_104 = arith.constant 2 : i32
    %run_scoped3A_105 = arith.constant 0 : i32
    "tpu.region"() ({
      %run_scoped3A_116 = tpu.sem_alloc : memref<!tpu.dma_semaphore, #tpu.memory_space<semaphore_mem>>
      %dma_start3A = arith.constant 4000 : i32
      %dma_start3A_117 = tpu.memref_slice %arg12[%dma_start3A] : memref<10000xf32, #tpu.memory_space<vmem>> -> memref<2000xf32, #tpu.memory_space<vmem>>
      %dma_start3A_118 = arith.constant 0 : i32
      %dma_start3A_119 = tpu.memref_slice %arg5[%run_scoped3A_104, %add3A_103, %run_scoped3A_105, %dma_start3A_118] : memref<5x32x1x2000xf32, #tpu.memory_space<hbm>> -> memref<1x1x1x2000xf32, #tpu.memory_space<hbm>>
      %dma_start3A_120 = tpu.memref_squeeze %dma_start3A_119 : memref<1x1x1x2000xf32, #tpu.memory_space<hbm>> -> memref<2000xf32, #tpu.memory_space<hbm>>
      %dma_start3A_121 = arith.constant 0 : i32
      %dma_start3A_122 = tpu.memref_slice %arg5[%run_scoped3A_104, %add3A_103, %run_scoped3A_105, %dma_start3A_121] : memref<5x32x1x2000xf32, #tpu.memory_space<hbm>> -> memref<1x1x1x2000xf32, #tpu.memory_space<hbm>>
      %dma_start3A_123 = tpu.memref_squeeze %dma_start3A_122 : memref<1x1x1x2000xf32, #tpu.memory_space<hbm>> -> memref<2000xf32, #tpu.memory_space<hbm>>
      %dma_start3A_124 = arith.constant 4000 : i32
      %dma_start3A_125 = tpu.memref_slice %arg12[%dma_start3A_124] : memref<10000xf32, #tpu.memory_space<vmem>> -> memref<2000xf32, #tpu.memory_space<vmem>>
      tpu.enqueue_dma source(%dma_start3A_125 : memref<2000xf32, #tpu.memory_space<vmem>>) target(%dma_start3A_123 : memref<2000xf32, #tpu.memory_space<hbm>>) target_semaphore(%run_scoped3A_116 : memref<!tpu.dma_semaphore, #tpu.memory_space<semaphore_mem>>)
      %dma_wait3A = arith.constant 4000 : i32
      %dma_wait3A_126 = tpu.memref_slice %arg12[%dma_wait3A] : memref<10000xf32, #tpu.memory_space<vmem>> -> memref<2000xf32, #tpu.memory_space<vmem>>
      %dma_wait3A_127 = arith.constant 0 : i32
      %dma_wait3A_128 = tpu.memref_slice %arg5[%run_scoped3A_104, %add3A_103, %run_scoped3A_105, %dma_wait3A_127] : memref<5x32x1x2000xf32, #tpu.memory_space<hbm>> -> memref<1x1x1x2000xf32, #tpu.memory_space<hbm>>
      %dma_wait3A_129 = tpu.memref_squeeze %dma_wait3A_128 : memref<1x1x1x2000xf32, #tpu.memory_space<hbm>> -> memref<2000xf32, #tpu.memory_space<hbm>>
      %dma_wait3A_130 = arith.constant 0 : i32
      %dma_wait3A_131 = tpu.memref_slice %arg5[%run_scoped3A_104, %add3A_103, %run_scoped3A_105, %dma_wait3A_130] : memref<5x32x1x2000xf32, #tpu.memory_space<hbm>> -> memref<1x1x1x2000xf32, #tpu.memory_space<hbm>>
      %dma_wait3A_132 = tpu.memref_squeeze %dma_wait3A_131 : memref<1x1x1x2000xf32, #tpu.memory_space<hbm>> -> memref<2000xf32, #tpu.memory_space<hbm>>
      %dma_wait3A_133 = arith.constant 4000 : i32
      %dma_wait3A_134 = tpu.memref_slice %arg12[%dma_wait3A_133] : memref<10000xf32, #tpu.memory_space<vmem>> -> memref<2000xf32, #tpu.memory_space<vmem>>
      tpu.wait_dma2 semaphore(%run_scoped3A_116 : memref<!tpu.dma_semaphore, #tpu.memory_space<semaphore_mem>>) src(%dma_wait3A_134 : memref<2000xf32, #tpu.memory_space<vmem>>) dst(%dma_wait3A_132 : memref<2000xf32, #tpu.memory_space<hbm>>)
      tpu.yield
    }) : () -> ()
    %mul3A_106 = arith.constant 16 : i32
    %mul3A_107 = arith.muli %arg0, %mul3A_106 : i32
    %add3A_108 = arith.addi %mul3A_107, %arg1 : i32
    %run_scoped3A_109 = arith.constant 3 : i32
    %run_scoped3A_110 = arith.constant 0 : i32
    "tpu.region"() ({
      %run_scoped3A_116 = tpu.sem_alloc : memref<!tpu.dma_semaphore, #tpu.memory_space<semaphore_mem>>
      %dma_start3A = arith.constant 6000 : i32
      %dma_start3A_117 = tpu.memref_slice %arg12[%dma_start3A] : memref<10000xf32, #tpu.memory_space<vmem>> -> memref<2000xf32, #tpu.memory_space<vmem>>
      %dma_start3A_118 = arith.constant 0 : i32
      %dma_start3A_119 = tpu.memref_slice %arg5[%run_scoped3A_109, %add3A_108, %run_scoped3A_110, %dma_start3A_118] : memref<5x32x1x2000xf32, #tpu.memory_space<hbm>> -> memref<1x1x1x2000xf32, #tpu.memory_space<hbm>>
      %dma_start3A_120 = tpu.memref_squeeze %dma_start3A_119 : memref<1x1x1x2000xf32, #tpu.memory_space<hbm>> -> memref<2000xf32, #tpu.memory_space<hbm>>
      %dma_start3A_121 = arith.constant 0 : i32
      %dma_start3A_122 = tpu.memref_slice %arg5[%run_scoped3A_109, %add3A_108, %run_scoped3A_110, %dma_start3A_121] : memref<5x32x1x2000xf32, #tpu.memory_space<hbm>> -> memref<1x1x1x2000xf32, #tpu.memory_space<hbm>>
      %dma_start3A_123 = tpu.memref_squeeze %dma_start3A_122 : memref<1x1x1x2000xf32, #tpu.memory_space<hbm>> -> memref<2000xf32, #tpu.memory_space<hbm>>
      %dma_start3A_124 = arith.constant 6000 : i32
      %dma_start3A_125 = tpu.memref_slice %arg12[%dma_start3A_124] : memref<10000xf32, #tpu.memory_space<vmem>> -> memref<2000xf32, #tpu.memory_space<vmem>>
      tpu.enqueue_dma source(%dma_start3A_125 : memref<2000xf32, #tpu.memory_space<vmem>>) target(%dma_start3A_123 : memref<2000xf32, #tpu.memory_space<hbm>>) target_semaphore(%run_scoped3A_116 : memref<!tpu.dma_semaphore, #tpu.memory_space<semaphore_mem>>)
      %dma_wait3A = arith.constant 6000 : i32
      %dma_wait3A_126 = tpu.memref_slice %arg12[%dma_wait3A] : memref<10000xf32, #tpu.memory_space<vmem>> -> memref<2000xf32, #tpu.memory_space<vmem>>
      %dma_wait3A_127 = arith.constant 0 : i32
      %dma_wait3A_128 = tpu.memref_slice %arg5[%run_scoped3A_109, %add3A_108, %run_scoped3A_110, %dma_wait3A_127] : memref<5x32x1x2000xf32, #tpu.memory_space<hbm>> -> memref<1x1x1x2000xf32, #tpu.memory_space<hbm>>
      %dma_wait3A_129 = tpu.memref_squeeze %dma_wait3A_128 : memref<1x1x1x2000xf32, #tpu.memory_space<hbm>> -> memref<2000xf32, #tpu.memory_space<hbm>>
      %dma_wait3A_130 = arith.constant 0 : i32
      %dma_wait3A_131 = tpu.memref_slice %arg5[%run_scoped3A_109, %add3A_108, %run_scoped3A_110, %dma_wait3A_130] : memref<5x32x1x2000xf32, #tpu.memory_space<hbm>> -> memref<1x1x1x2000xf32, #tpu.memory_space<hbm>>
      %dma_wait3A_132 = tpu.memref_squeeze %dma_wait3A_131 : memref<1x1x1x2000xf32, #tpu.memory_space<hbm>> -> memref<2000xf32, #tpu.memory_space<hbm>>
      %dma_wait3A_133 = arith.constant 6000 : i32
      %dma_wait3A_134 = tpu.memref_slice %arg12[%dma_wait3A_133] : memref<10000xf32, #tpu.memory_space<vmem>> -> memref<2000xf32, #tpu.memory_space<vmem>>
      tpu.wait_dma2 semaphore(%run_scoped3A_116 : memref<!tpu.dma_semaphore, #tpu.memory_space<semaphore_mem>>) src(%dma_wait3A_134 : memref<2000xf32, #tpu.memory_space<vmem>>) dst(%dma_wait3A_132 : memref<2000xf32, #tpu.memory_space<hbm>>)
      tpu.yield
    }) : () -> ()
    %mul3A_111 = arith.constant 16 : i32
    %mul3A_112 = arith.muli %arg0, %mul3A_111 : i32
    %add3A_113 = arith.addi %mul3A_112, %arg1 : i32
    %run_scoped3A_114 = arith.constant 4 : i32
    %run_scoped3A_115 = arith.constant 0 : i32
    "tpu.region"() ({
      %run_scoped3A_116 = tpu.sem_alloc : memref<!tpu.dma_semaphore, #tpu.memory_space<semaphore_mem>>
      %dma_start3A = arith.constant 8000 : i32
      %dma_start3A_117 = tpu.memref_slice %arg12[%dma_start3A] : memref<10000xf32, #tpu.memory_space<vmem>> -> memref<2000xf32, #tpu.memory_space<vmem>>
      %dma_start3A_118 = arith.constant 0 : i32
      %dma_start3A_119 = tpu.memref_slice %arg5[%run_scoped3A_114, %add3A_113, %run_scoped3A_115, %dma_start3A_118] : memref<5x32x1x2000xf32, #tpu.memory_space<hbm>> -> memref<1x1x1x2000xf32, #tpu.memory_space<hbm>>
      %dma_start3A_120 = tpu.memref_squeeze %dma_start3A_119 : memref<1x1x1x2000xf32, #tpu.memory_space<hbm>> -> memref<2000xf32, #tpu.memory_space<hbm>>
      %dma_start3A_121 = arith.constant 0 : i32
      %dma_start3A_122 = tpu.memref_slice %arg5[%run_scoped3A_114, %add3A_113, %run_scoped3A_115, %dma_start3A_121] : memref<5x32x1x2000xf32, #tpu.memory_space<hbm>> -> memref<1x1x1x2000xf32, #tpu.memory_space<hbm>>
      %dma_start3A_123 = tpu.memref_squeeze %dma_start3A_122 : memref<1x1x1x2000xf32, #tpu.memory_space<hbm>> -> memref<2000xf32, #tpu.memory_space<hbm>>
      %dma_start3A_124 = arith.constant 8000 : i32
      %dma_start3A_125 = tpu.memref_slice %arg12[%dma_start3A_124] : memref<10000xf32, #tpu.memory_space<vmem>> -> memref<2000xf32, #tpu.memory_space<vmem>>
      tpu.enqueue_dma source(%dma_start3A_125 : memref<2000xf32, #tpu.memory_space<vmem>>) target(%dma_start3A_123 : memref<2000xf32, #tpu.memory_space<hbm>>) target_semaphore(%run_scoped3A_116 : memref<!tpu.dma_semaphore, #tpu.memory_space<semaphore_mem>>)
      %dma_wait3A = arith.constant 8000 : i32
      %dma_wait3A_126 = tpu.memref_slice %arg12[%dma_wait3A] : memref<10000xf32, #tpu.memory_space<vmem>> -> memref<2000xf32, #tpu.memory_space<vmem>>
      %dma_wait3A_127 = arith.constant 0 : i32
      %dma_wait3A_128 = tpu.memref_slice %arg5[%run_scoped3A_114, %add3A_113, %run_scoped3A_115, %dma_wait3A_127] : memref<5x32x1x2000xf32, #tpu.memory_space<hbm>> -> memref<1x1x1x2000xf32, #tpu.memory_space<hbm>>
      %dma_wait3A_129 = tpu.memref_squeeze %dma_wait3A_128 : memref<1x1x1x2000xf32, #tpu.memory_space<hbm>> -> memref<2000xf32, #tpu.memory_space<hbm>>
      %dma_wait3A_130 = arith.constant 0 : i32
      %dma_wait3A_131 = tpu.memref_slice %arg5[%run_scoped3A_114, %add3A_113, %run_scoped3A_115, %dma_wait3A_130] : memref<5x32x1x2000xf32, #tpu.memory_space<hbm>> -> memref<1x1x1x2000xf32, #tpu.memory_space<hbm>>
      %dma_wait3A_132 = tpu.memref_squeeze %dma_wait3A_131 : memref<1x1x1x2000xf32, #tpu.memory_space<hbm>> -> memref<2000xf32, #tpu.memory_space<hbm>>
      %dma_wait3A_133 = arith.constant 8000 : i32
      %dma_wait3A_134 = tpu.memref_slice %arg12[%dma_wait3A_133] : memref<10000xf32, #tpu.memory_space<vmem>> -> memref<2000xf32, #tpu.memory_space<vmem>>
      tpu.wait_dma2 semaphore(%run_scoped3A_116 : memref<!tpu.dma_semaphore, #tpu.memory_space<semaphore_mem>>) src(%dma_wait3A_134 : memref<2000xf32, #tpu.memory_space<vmem>>) dst(%dma_wait3A_132 : memref<2000xf32, #tpu.memory_space<hbm>>)
      tpu.yield
    }) : () -> ()
    return
  }
}

module attributes {stable_mosaic.version = 14 : i64} {
  func.func @body(%arg0: i32, %arg1: memref<2000x256xf32, #tpu.memory_space<vmem>>, %arg2: memref<2x2000x128xf32, #tpu.memory_space<vmem>>, %arg3: memref<1x32x1x2000xf32, #tpu.memory_space<vmem>>, %arg4: memref<256x256xf32, #tpu.memory_space<vmem>>, %arg5: memref<256xf32, #tpu.memory_space<vmem>>, %arg6: memref<256x256xf32, #tpu.memory_space<vmem>>, %arg7: memref<256xf32, #tpu.memory_space<vmem>>, %arg8: memref<512x256xf32, #tpu.memory_space<vmem>>, %arg9: memref<256x256xf32, #tpu.memory_space<vmem>>, %arg10: memref<256xf32, #tpu.memory_space<vmem>>, %arg11: memref<256x256xf32, #tpu.memory_space<vmem>>, %arg12: memref<256xf32, #tpu.memory_space<vmem>>, %arg13: memref<2000x256xf32, #tpu.memory_space<vmem>>, %arg14: memref<1x1xf32, #tpu.memory_space<vmem>>, %arg15: memref<1x1x2000xi32, #tpu.memory_space<vmem>>) attributes {dimension_semantics = [#tpu.dimension_semantics<arbitrary>], iteration_bounds = array<i64: 5>, scalar_prefetch = 0 : i64, scratch_operands = 0 : i64, tpu.core_type = #tpu.core_type<tc>, window_params = [{transform_indices = @transform_0, window_bounds = array<i64: 2000, 256>}, {transform_indices = @transform_1, window_bounds = array<i64: 2, 2000, 128>}, {transform_indices = @transform_2, window_bounds = array<i64: 1, 32, 1, 2000>}, {pipeline_mode = #tpu.pipeline_mode<synchronous>, transform_indices = @transform_3, window_bounds = array<i64: 256, 256>}, {pipeline_mode = #tpu.pipeline_mode<synchronous>, transform_indices = @transform_4, window_bounds = array<i64: 256>}, {pipeline_mode = #tpu.pipeline_mode<synchronous>, transform_indices = @transform_5, window_bounds = array<i64: 256, 256>}, {pipeline_mode = #tpu.pipeline_mode<synchronous>, transform_indices = @transform_6, window_bounds = array<i64: 256>}, {pipeline_mode = #tpu.pipeline_mode<synchronous>, transform_indices = @transform_7, window_bounds = array<i64: 512, 256>}, {pipeline_mode = #tpu.pipeline_mode<synchronous>, transform_indices = @transform_8, window_bounds = array<i64: 256, 256>}, {pipeline_mode = #tpu.pipeline_mode<synchronous>, transform_indices = @transform_9, window_bounds = array<i64: 256>}, {pipeline_mode = #tpu.pipeline_mode<synchronous>, transform_indices = @transform_10, window_bounds = array<i64: 256, 256>}, {pipeline_mode = #tpu.pipeline_mode<synchronous>, transform_indices = @transform_11, window_bounds = array<i64: 256>}, {transform_indices = @transform_12, window_bounds = array<i64: 2000, 256>}, {pipeline_mode = #tpu.pipeline_mode<synchronous>, transform_indices = @transform_13, window_bounds = array<i64: 1, 1>}, {transform_indices = @transform_14, window_bounds = array<i64: 1, 1, 2000>}]} {
    %get3A = arith.constant 0 : index
    %get3A_0 = arith.constant 0 : index
    %get3A_1 = vector.load %arg1[%get3A, %get3A_0] : memref<2000x256xf32, #tpu.memory_space<vmem>>, vector<2000x256xf32>
    %get3A_2 = arith.constant 0 : index
    %get3A_3 = arith.constant 0 : index
    %get3A_4 = arith.constant 0 : index
    %get3A_5 = arith.constant 0 : index
    %get3A_6 = vector.load %arg3[%get3A_2, %get3A_3, %get3A_4, %get3A_5] : memref<1x32x1x2000xf32, #tpu.memory_space<vmem>>, vector<1x32x1x2000xf32>
    %get3A_7 = vector.shape_cast %get3A_6 : vector<1x32x1x2000xf32> to vector<32x2000xf32>
    %reduce_sum3A = arith.constant dense<0.000000e+00> : vector<2000xf32>
    %reduce_sum3A_8 = vector.multi_reduction <add>, %get3A_7, %reduce_sum3A [0] : vector<32x2000xf32> to vector<2000xf32>
    %add3A = arith.constant 1.000000e+00 : f32
    %add3A_9 = vector.broadcast %add3A : f32 to vector<2000xf32>
    %add3A_10 = arith.addf %reduce_sum3A_8, %add3A_9 : vector<2000xf32>
    %get3A_11 = arith.constant 0 : index
    %get3A_12 = arith.constant 0 : index
    %get3A_13 = arith.constant 0 : index
    %get3A_14 = vector.load %arg2[%get3A_11, %get3A_12, %get3A_13] : memref<2x2000x128xf32, #tpu.memory_space<vmem>>, vector<1x2000x128xf32>
    %get3A_15 = vector.shape_cast %get3A_14 : vector<1x2000x128xf32> to vector<2000x128xf32>
    %slice3A = vector.extract_strided_slice %get3A_1 {offsets = [0, 0], sizes = [2000, 128], strides = [1, 1]} : vector<2000x256xf32> to vector<2000x128xf32>
    %add3A_16 = arith.addf %get3A_15, %slice3A : vector<2000x128xf32>
    %broadcast_in_dim3A = vector.shape_cast %add3A_10 : vector<2000xf32> to vector<2000x1xf32>
    %div3A = vector.broadcast %broadcast_in_dim3A : vector<2000x1xf32> to vector<2000x128xf32>
    %div3A_17 = arith.divf %add3A_16, %div3A : vector<2000x128xf32>
    %get3A_18 = arith.constant 1 : index
    %get3A_19 = arith.constant 0 : index
    %get3A_20 = arith.constant 0 : index
    %get3A_21 = vector.load %arg2[%get3A_18, %get3A_19, %get3A_20] : memref<2x2000x128xf32, #tpu.memory_space<vmem>>, vector<1x2000x128xf32>
    %get3A_22 = vector.shape_cast %get3A_21 : vector<1x2000x128xf32> to vector<2000x128xf32>
    %slice3A_23 = vector.extract_strided_slice %get3A_1 {offsets = [0, 128], sizes = [2000, 128], strides = [1, 1]} : vector<2000x256xf32> to vector<2000x128xf32>
    %add3A_24 = arith.addf %get3A_22, %slice3A_23 : vector<2000x128xf32>
    %broadcast_in_dim3A_25 = vector.shape_cast %add3A_10 : vector<2000xf32> to vector<2000x1xf32>
    %div3A_26 = vector.broadcast %broadcast_in_dim3A_25 : vector<2000x1xf32> to vector<2000x128xf32>
    %div3A_27 = arith.divf %add3A_24, %div3A_26 : vector<2000x128xf32>
    %get3A_28 = arith.constant 0 : index
    %get3A_29 = arith.constant 0 : index
    %get3A_30 = vector.load %arg4[%get3A_28, %get3A_29] : memref<256x256xf32, #tpu.memory_space<vmem>>, vector<128x256xf32>
    %dot_general3A = arith.constant dense<0.000000e+00> : vector<2000x256xf32>
    %dot_general3A_31 = tpu.matmul %div3A_17, %get3A_30, %dot_general3A {dimension_numbers = #tpu.dot_dimension_numbers<[1], [0], [0], [1], [0, 0, 1, 1], [], []>, transpose_lhs_hint = false} : vector<2000x128xf32>, vector<128x256xf32>, vector<2000x256xf32> -> vector<2000x256xf32>
    %get3A_32 = arith.constant 128 : index
    %get3A_33 = arith.constant 0 : index
    %get3A_34 = vector.load %arg4[%get3A_32, %get3A_33] : memref<256x256xf32, #tpu.memory_space<vmem>>, vector<128x256xf32>
    %dot_general3A_35 = arith.constant dense<0.000000e+00> : vector<2000x256xf32>
    %dot_general3A_36 = tpu.matmul %div3A_27, %get3A_34, %dot_general3A_35 {dimension_numbers = #tpu.dot_dimension_numbers<[1], [0], [0], [1], [0, 0, 1, 1], [], []>, transpose_lhs_hint = false} : vector<2000x128xf32>, vector<128x256xf32>, vector<2000x256xf32> -> vector<2000x256xf32>
    %add3A_37 = arith.addf %dot_general3A_31, %dot_general3A_36 : vector<2000x256xf32>
    %get3A_38 = arith.constant 0 : index
    %get3A_39 = vector.load %arg5[%get3A_38] : memref<256xf32, #tpu.memory_space<vmem>>, vector<256xf32>
    %broadcast_in_dim3A_40 = vector.shape_cast %get3A_39 : vector<256xf32> to vector<1x256xf32>
    %add3A_41 = vector.broadcast %broadcast_in_dim3A_40 : vector<1x256xf32> to vector<2000x256xf32>
    %add3A_42 = arith.addf %add3A_37, %add3A_41 : vector<2000x256xf32>
    %max3A = arith.constant 0.000000e+00 : f32
    %max3A_43 = vector.broadcast %max3A : f32 to vector<2000x256xf32>
    %max3A_44 = arith.maximumf %add3A_42, %max3A_43 : vector<2000x256xf32>
    %get3A_45 = arith.constant 0 : index
    %get3A_46 = arith.constant 0 : index
    %get3A_47 = vector.load %arg6[%get3A_45, %get3A_46] : memref<256x256xf32, #tpu.memory_space<vmem>>, vector<256x256xf32>
    %dot_general3A_48 = arith.constant dense<0.000000e+00> : vector<2000x256xf32>
    %dot_general3A_49 = tpu.matmul %max3A_44, %get3A_47, %dot_general3A_48 {dimension_numbers = #tpu.dot_dimension_numbers<[1], [0], [0], [1], [0, 0, 1, 1], [], []>, transpose_lhs_hint = false} : vector<2000x256xf32>, vector<256x256xf32>, vector<2000x256xf32> -> vector<2000x256xf32>
    %get3A_50 = arith.constant 0 : index
    %get3A_51 = vector.load %arg7[%get3A_50] : memref<256xf32, #tpu.memory_space<vmem>>, vector<256xf32>
    %broadcast_in_dim3A_52 = vector.shape_cast %get3A_51 : vector<256xf32> to vector<1x256xf32>
    %add3A_53 = vector.broadcast %broadcast_in_dim3A_52 : vector<1x256xf32> to vector<2000x256xf32>
    %add3A_54 = arith.addf %dot_general3A_49, %add3A_53 : vector<2000x256xf32>
    %get3A_55 = arith.constant 0 : index
    %get3A_56 = arith.constant 0 : index
    %get3A_57 = vector.load %arg8[%get3A_55, %get3A_56] : memref<512x256xf32, #tpu.memory_space<vmem>>, vector<512x256xf32>
    %mul3A = arith.mulf %get3A_57, %get3A_57 : vector<512x256xf32>
    %reduce_sum3A_58 = arith.constant dense<0.000000e+00> : vector<512xf32>
    %reduce_sum3A_59 = vector.multi_reduction <add>, %mul3A, %reduce_sum3A_58 [1] : vector<512x256xf32> to vector<512xf32>
    %mul3A_60 = arith.mulf %add3A_54, %add3A_54 : vector<2000x256xf32>
    %reduce_sum3A_61 = arith.constant dense<0.000000e+00> : vector<2000xf32>
    %reduce_sum3A_62 = vector.multi_reduction <add>, %mul3A_60, %reduce_sum3A_61 [1] : vector<2000x256xf32> to vector<2000xf32>
    %broadcast_in_dim3A_63 = vector.shape_cast %reduce_sum3A_62 : vector<2000xf32> to vector<2000x1xf32>
    %dot_general3A_64 = arith.constant dense<0.000000e+00> : vector<2000x512xf32>
    %dot_general3A_65 = tpu.matmul %add3A_54, %get3A_57, %dot_general3A_64 {dimension_numbers = #tpu.dot_dimension_numbers<[1], [1], [0], [0], [0, 0, 1, 0], [], []>, transpose_lhs_hint = false} : vector<2000x256xf32>, vector<512x256xf32>, vector<2000x512xf32> -> vector<2000x512xf32>
    %mul3A_66 = arith.constant 2.000000e+00 : f32
    %mul3A_67 = vector.broadcast %mul3A_66 : f32 to vector<2000x512xf32>
    %mul3A_68 = arith.mulf %mul3A_67, %dot_general3A_65 : vector<2000x512xf32>
    %sub3A = vector.broadcast %broadcast_in_dim3A_63 : vector<2000x1xf32> to vector<2000x512xf32>
    %sub3A_69 = arith.subf %sub3A, %mul3A_68 : vector<2000x512xf32>
    %broadcast_in_dim3A_70 = vector.shape_cast %reduce_sum3A_59 : vector<512xf32> to vector<1x512xf32>
    %add3A_71 = vector.broadcast %broadcast_in_dim3A_70 : vector<1x512xf32> to vector<2000x512xf32>
    %add3A_72 = arith.addf %sub3A_69, %add3A_71 : vector<2000x512xf32>
    %reduce_min3A = arith.constant dense<0x7F800000> : vector<2000xf32>
    %reduce_min3A_73 = vector.multi_reduction <minimumf>, %add3A_72, %reduce_min3A [1] : vector<2000x512xf32> to vector<2000xf32>
    %broadcast_in_dim3A_74 = vector.shape_cast %reduce_min3A_73 : vector<2000xf32> to vector<2000x1xf32>
    %iota3A = tpu.iota {dimensions = array<i32: 1>} : vector<2000x512xi32>
    %eq3A = vector.broadcast %broadcast_in_dim3A_74 : vector<2000x1xf32> to vector<2000x512xf32>
    %eq3A_75 = arith.cmpf oeq, %add3A_72, %eq3A : vector<2000x512xf32>
    %jit3A = arith.constant 512 : i64
    %convert_element_type3A = arith.trunci %jit3A : i64 to i32
    %broadcast_in_dim3A_76 = vector.broadcast %convert_element_type3A : i32 to vector<2000x512xi32>
    %select_n3A = arith.select %eq3A_75, %iota3A, %broadcast_in_dim3A_76 : vector<2000x512xi1>, vector<2000x512xi32>
    %reduce_min3A_77 = arith.constant dense<2147483647> : vector<2000xi32>
    %reduce_min3A_78 = vector.multi_reduction <minsi>, %select_n3A, %reduce_min3A_77 [1] : vector<2000x512xi32> to vector<2000xi32>
    %broadcast_in_dim3A_79 = vector.shape_cast %reduce_min3A_78 : vector<2000xi32> to vector<2000x1xi32>
    %eq3A_80 = vector.broadcast %broadcast_in_dim3A_79 : vector<2000x1xi32> to vector<2000x512xi32>
    %eq3A_81 = arith.cmpi eq, %iota3A, %eq3A_80 : vector<2000x512xi32>
    %convert_element_type3A_82 = arith.extui %eq3A_81 : vector<2000x512xi1> to vector<2000x512xi32>
    %convert_element_type3A_83 = arith.sitofp %convert_element_type3A_82 : vector<2000x512xi32> to vector<2000x512xf32>
    %dot_general3A_84 = arith.constant dense<0.000000e+00> : vector<2000x256xf32>
    %dot_general3A_85 = tpu.matmul %convert_element_type3A_83, %get3A_57, %dot_general3A_84 {dimension_numbers = #tpu.dot_dimension_numbers<[1], [0], [0], [1], [0, 0, 1, 1], [], []>, transpose_lhs_hint = false} : vector<2000x512xf32>, vector<512x256xf32>, vector<2000x256xf32> -> vector<2000x256xf32>
    %sub3A_86 = arith.subf %dot_general3A_85, %add3A_54 : vector<2000x256xf32>
    %mul3A_87 = arith.mulf %sub3A_86, %sub3A_86 : vector<2000x256xf32>
    %reduce_sum3A_88 = vector.shape_cast %mul3A_87 : vector<2000x256xf32> to vector<1x2000x256xf32>
    %reduce_sum3A_89 = arith.constant dense<0.000000e+00> : vector<1xf32>
    %reduce_sum3A_90 = vector.multi_reduction <add>, %reduce_sum3A_88, %reduce_sum3A_89 [1, 2] : vector<1x2000x256xf32> to vector<1xf32>
    %reduce_sum3A_91 = vector.shape_cast %reduce_sum3A_90 : vector<1xf32> to vector<1x1x1xf32>
    %reduce_sum3A_92 = vector.extract %reduce_sum3A_91[0, 0, 0] : f32 from vector<1x1x1xf32>
    %eq3A_93 = arith.constant 0 : i32
    %eq3A_94 = arith.cmpi eq, %arg0, %eq3A_93 : i32
    %convert_element_type3A_95 = arith.extui %eq3A_94 : i1 to i32
    %cond3A = arith.constant 0 : i32
    %cond3A_96 = arith.cmpi ne, %convert_element_type3A_95, %cond3A : i32
    scf.if %cond3A_96 {
      %broadcast_in_dim3A_136 = arith.constant 0.000000e+00 : f32
      %broadcast_in_dim3A_137 = vector.broadcast %broadcast_in_dim3A_136 : f32 to vector<1x1xf32>
      %swap3A_138 = arith.constant 0 : index
      %swap3A_139 = arith.constant 0 : index
      %swap3A_140 = vector.load %arg14[%swap3A_138, %swap3A_139] : memref<1x1xf32, #tpu.memory_space<vmem>>, vector<1x1xf32>
      tpu.vector_store %arg14[%swap3A_138, %swap3A_139], %broadcast_in_dim3A_137 {strides = array<i32>} : memref<1x1xf32, #tpu.memory_space<vmem>>, vector<1x1xf32>,
    } else {
    }
    %get3A_97 = arith.constant 0 : index
    %get3A_98 = arith.constant 0 : index
    %get3A_99 = vector.load %arg14[%get3A_97, %get3A_98] : memref<1x1xf32, #tpu.memory_space<vmem>>, vector<1x1xf32>
    %mul3A_100 = arith.constant 4.88281273E-7 : f32
    %mul3A_101 = arith.mulf %reduce_sum3A_92, %mul3A_100 : f32
    %add3A_102 = vector.broadcast %mul3A_101 : f32 to vector<1x1xf32>
    %add3A_103 = arith.addf %get3A_99, %add3A_102 : vector<1x1xf32>
    %swap3A = arith.constant 0 : index
    %swap3A_104 = arith.constant 0 : index
    %swap3A_105 = vector.load %arg14[%swap3A, %swap3A_104] : memref<1x1xf32, #tpu.memory_space<vmem>>, vector<1x1xf32>
    tpu.vector_store %arg14[%swap3A, %swap3A_104], %add3A_103 {strides = array<i32>} : memref<1x1xf32, #tpu.memory_space<vmem>>, vector<1x1xf32>,
    %get3A_106 = arith.constant 0 : index
    %get3A_107 = arith.constant 0 : index
    %get3A_108 = vector.load %arg9[%get3A_106, %get3A_107] : memref<256x256xf32, #tpu.memory_space<vmem>>, vector<256x256xf32>
    %dot_general3A_109 = arith.constant dense<0.000000e+00> : vector<2000x256xf32>
    %dot_general3A_110 = tpu.matmul %dot_general3A_85, %get3A_108, %dot_general3A_109 {dimension_numbers = #tpu.dot_dimension_numbers<[1], [0], [0], [1], [0, 0, 1, 1], [], []>, transpose_lhs_hint = false} : vector<2000x256xf32>, vector<256x256xf32>, vector<2000x256xf32> -> vector<2000x256xf32>
    %get3A_111 = arith.constant 0 : index
    %get3A_112 = vector.load %arg10[%get3A_111] : memref<256xf32, #tpu.memory_space<vmem>>, vector<256xf32>
    %broadcast_in_dim3A_113 = vector.shape_cast %get3A_112 : vector<256xf32> to vector<1x256xf32>
    %add3A_114 = vector.broadcast %broadcast_in_dim3A_113 : vector<1x256xf32> to vector<2000x256xf32>
    %add3A_115 = arith.addf %dot_general3A_110, %add3A_114 : vector<2000x256xf32>
    %max3A_116 = arith.constant 0.000000e+00 : f32
    %max3A_117 = vector.broadcast %max3A_116 : f32 to vector<2000x256xf32>
    %max3A_118 = arith.maximumf %add3A_115, %max3A_117 : vector<2000x256xf32>
    %get3A_119 = arith.constant 0 : index
    %get3A_120 = arith.constant 0 : index
    %get3A_121 = vector.load %arg11[%get3A_119, %get3A_120] : memref<256x256xf32, #tpu.memory_space<vmem>>, vector<256x256xf32>
    %dot_general3A_122 = arith.constant dense<0.000000e+00> : vector<2000x256xf32>
    %dot_general3A_123 = tpu.matmul %max3A_118, %get3A_121, %dot_general3A_122 {dimension_numbers = #tpu.dot_dimension_numbers<[1], [0], [0], [1], [0, 0, 1, 1], [], []>, transpose_lhs_hint = false} : vector<2000x256xf32>, vector<256x256xf32>, vector<2000x256xf32> -> vector<2000x256xf32>
    %get3A_124 = arith.constant 0 : index
    %get3A_125 = vector.load %arg12[%get3A_124] : memref<256xf32, #tpu.memory_space<vmem>>, vector<256xf32>
    %broadcast_in_dim3A_126 = vector.shape_cast %get3A_125 : vector<256xf32> to vector<1x256xf32>
    %add3A_127 = vector.broadcast %broadcast_in_dim3A_126 : vector<1x256xf32> to vector<2000x256xf32>
    %add3A_128 = arith.addf %dot_general3A_123, %add3A_127 : vector<2000x256xf32>
    %swap3A_129 = arith.constant 0 : index
    %swap3A_130 = arith.constant 0 : index
    %swap3A_131 = vector.load %arg13[%swap3A_129, %swap3A_130] : memref<2000x256xf32, #tpu.memory_space<vmem>>, vector<2000x256xf32>
    tpu.vector_store %arg13[%swap3A_129, %swap3A_130], %add3A_128 {strides = array<i32>} : memref<2000x256xf32, #tpu.memory_space<vmem>>, vector<2000x256xf32>,
    %reshape3A = vector.shape_cast %reduce_min3A_78 : vector<2000xi32> to vector<1x1x2000xi32>
    %swap3A_132 = arith.constant 0 : index
    %swap3A_133 = arith.constant 0 : index
    %swap3A_134 = arith.constant 0 : index
    %swap3A_135 = vector.load %arg15[%swap3A_132, %swap3A_133, %swap3A_134] : memref<1x1x2000xi32, #tpu.memory_space<vmem>>, vector<1x1x2000xi32>
    tpu.vector_store %arg15[%swap3A_132, %swap3A_133, %swap3A_134], %reshape3A {strides = array<i32>} : memref<1x1x2000xi32, #tpu.memory_space<vmem>>, vector<1x1x2000xi32>,
    return
  }
  func.func @transform_0(%arg0: i32) -> (i32, i32) {
    %c0_i32 = arith.constant 0 : i32
    %c0_i32_0 = arith.constant 0 : i32
    return %arg0, %c0_i32 : i32, i32
  }
  func.func @transform_1(%arg0: i32) -> (i32, i32, i32) {
    %c0_i32 = arith.constant 0 : i32
    %c0_i32_0 = arith.constant 0 : i32
    %c0_i32_1 = arith.constant 0 : i32
    return %c0_i32, %arg0, %c0_i32_0 : i32, i32, i32
  }
  func.func @transform_2(%arg0: i32) -> (i32, i32, i32, i32) {
    %c0_i32 = arith.constant 0 : i32
    %c0_i32_0 = arith.constant 0 : i32
    %c0_i32_1 = arith.constant 0 : i32
    %c0_i32_2 = arith.constant 0 : i32
    return %arg0, %c0_i32, %c0_i32_0, %c0_i32_1 : i32, i32, i32, i32
  }
  func.func @transform_3(%arg0: i32) -> (i32, i32) {
    %c0_i32 = arith.constant 0 : i32
    %c0_i32_0 = arith.constant 0 : i32
    %c0_i32_1 = arith.constant 0 : i32
    return %c0_i32, %c0_i32_0 : i32, i32
  }
  func.func @transform_4(%arg0: i32) -> i32 {
    %c0_i32 = arith.constant 0 : i32
    %c0_i32_0 = arith.constant 0 : i32
    return %c0_i32 : i32
  }
  func.func @transform_5(%arg0: i32) -> (i32, i32) {
    %c0_i32 = arith.constant 0 : i32
    %c0_i32_0 = arith.constant 0 : i32
    %c0_i32_1 = arith.constant 0 : i32
    return %c0_i32, %c0_i32_0 : i32, i32
  }
  func.func @transform_6(%arg0: i32) -> i32 {
    %c0_i32 = arith.constant 0 : i32
    %c0_i32_0 = arith.constant 0 : i32
    return %c0_i32 : i32
  }
  func.func @transform_7(%arg0: i32) -> (i32, i32) {
    %c0_i32 = arith.constant 0 : i32
    %c0_i32_0 = arith.constant 0 : i32
    %c0_i32_1 = arith.constant 0 : i32
    return %c0_i32, %c0_i32_0 : i32, i32
  }
  func.func @transform_8(%arg0: i32) -> (i32, i32) {
    %c0_i32 = arith.constant 0 : i32
    %c0_i32_0 = arith.constant 0 : i32
    %c0_i32_1 = arith.constant 0 : i32
    return %c0_i32, %c0_i32_0 : i32, i32
  }
  func.func @transform_9(%arg0: i32) -> i32 {
    %c0_i32 = arith.constant 0 : i32
    %c0_i32_0 = arith.constant 0 : i32
    return %c0_i32 : i32
  }
  func.func @transform_10(%arg0: i32) -> (i32, i32) {
    %c0_i32 = arith.constant 0 : i32
    %c0_i32_0 = arith.constant 0 : i32
    %c0_i32_1 = arith.constant 0 : i32
    return %c0_i32, %c0_i32_0 : i32, i32
  }
  func.func @transform_11(%arg0: i32) -> i32 {
    %c0_i32 = arith.constant 0 : i32
    %c0_i32_0 = arith.constant 0 : i32
    return %c0_i32 : i32
  }
  func.func @transform_12(%arg0: i32) -> (i32, i32) {
    %c0_i32 = arith.constant 0 : i32
    %c0_i32_0 = arith.constant 0 : i32
    return %arg0, %c0_i32 : i32, i32
  }
  func.func @transform_13(%arg0: i32) -> (i32, i32) {
    %c0_i32 = arith.constant 0 : i32
    %c0_i32_0 = arith.constant 0 : i32
    %c0_i32_1 = arith.constant 0 : i32
    return %c0_i32, %c0_i32_0 : i32, i32
  }
  func.func @transform_14(%arg0: i32) -> (i32, i32, i32) {
    %c0_i32 = arith.constant 0 : i32
    %c0_i32_0 = arith.constant 0 : i32
    %c0_i32_1 = arith.constant 0 : i32
    return %arg0, %c0_i32, %c0_i32_0 : i32, i32, i32
  }
}

</mosaic_0001>

<sc_bundles>
// kernel: kernel.4.cloned.1.call-start
scs
__scs_entry_jumppad:
0x0: {  	(pc) =	sbr.rel $0x88, $3  }
0x1: {  	(tag) =	ssettag $0x0;
	lr =	simm.s32 $0x1  }
0x2: {  	[smem:$0x3F96] =	sst lr;
	_ =	strace $0xD0000000  }
0x3: {  	_ = 	snop  }
0x4: {  	_ = 	snop  }
0x5: {  	_ = 	snop  }
0x6: {  	_ = 	snop  }
0x7: {  	_ = 	snop  }
__scs_overlays_trampoline_lowered:
0x8: {  	[smem:$0x3FA5] =	sst s0  }
0x9: {  	[smem:$0x3FA6] =	sst s1  }
0xa: {  	[smem:$0x3FA7] =	sst s2  }
0xb: {  	[smem:$0x3FA8] =	sst s3  }
0xc: {  	[smem:$0x3FA9] =	sst s4  }
0xd: {  	[smem:$0x3FAA] =	sst s5  }
0xe: {  	[smem:$0x3FAB] =	sst s6  }
0xf: {  	[smem:$0x3FAC] =	sst s7  }
0x10: {  	[smem:$0x3FAD] =	sst s8  }
0x11: {  	[smem:$0x3FAE] =	sst s9;
	s0 =	simm.s32 @!p0 $0x0  }
0x12: {  	s1 =	sld [smem:$0x3F94];
	s0 =	simm.s32 @p0 $0x1  }
0x13: {  	[smem:$0x3FAF] =	sst s0;
	s0 =	simm.s32 @!p1 $0x0  }
0x14: {  	s2 =	sld [smem:$0x3F93];
	s0 =	simm.s32 @p1 $0x1  }
0x15: {  	[smem:$0x3FB0] =	sst s0;
	s0 =	simm.s32 @!p2 $0x0  }
0x16: {  	s3 =	sld [smem:$0x3FDB];
	s0 =	simm.s32 @p2 $0x1  }
0x17: {  	s4 =	simm.s32 $0x1BF5;
	[smem:$0x3FB2] =	sst s0  }
0x18: {  	s0 =	sld [smem:$0x3F95];
	_ =	swait.ge [sflag:s4], $0x0  }
0x19: {  	s7 =	sld [smem:$0x3F96]  }
0x1a: {  	s8 =	sadd.s32 $0xFFFFE003, lr  }
0x1b: {  	s9 =	sadd.s32 $0xFFFFFEF7, lr;
	s5 =	simm.s32 $0xFFFFFFFF;
	p2 =	slt.u32 s8, $0xFFFFF086  }
0x1c: {  	p1 =	slt.u32 s9, $0xF7A;
	s5 =	simm.s32 @!p2 $0x0  }
0x1d: {  	s5 =	simm.s32 @p1 $0x1;
	p0 =	seq.s32 s7, s2  }
0x1e: {  	s7 =	smul.u32 @!p0 $0xF7A, s2;
	p2 =	seq.s32 @!p0 s5, $0x0  }
0x1f: {  	s9 =	smul.u32 $0xF7A, s1;
	s8 =	simm.s32 @!p0 $0x1BF5;
	p2 =	por !p2, p0  }
0x20: {  	[sflag:s8] =	ssyncset.s32 @!p0 $0xFFFFF086;
	s6 =	sadd.s32 @!p0 s3, s7;
	s7 =	simm.s32 @!p0 $0x108  }
0x21: {  	s3 =	sadd.s32 s3, s9;
	s6 =	sadd.s32 @!p0 $0x88, s6;
	s7 =	simm.s32 @p2 $0x1082  }
0x22: {  	[simem:s7], [sflag:s8] =	dma.local @!p0 [hbm:s6], $0xF7A  }
0x23: {  	s9 =	sor.u32 $0xD0000000, s2;
	s6 =	simm.s32 $0x108;
	_ =	swait.ge @!p0 [sflag:s8], $0x0  }
0x24: {  	s3 =	sadd.s32 $0x88, s3;
	s6 =	simm.s32 @!p1 $0x1082;
	[sflag:s4] =	ssyncset.s32 $0xFFFFF086  }
0x25: {  	[simem:s6], [sflag:s4] =	dma.local [hbm:s3], $0xF7A  }
0x26: {  	[smem:$0x3F96] =	sst s1;
	(tag) =	ssettag s2;
	_ =	strace s9  }
0x27: {  	s1 =	sld [smem:$0x3FA6]  }
0x28: {  	s2 =	sld [smem:$0x3FA7]  }
0x29: {  	s4 =	sld [smem:$0x3FA9]  }
0x2a: {  	p0 =	seq.s32 s5, $0x0;
	s5 =	sld [smem:$0x3FAA]  }
0x2b: {  	s6 =	sld [smem:$0x3FAB]  }
0x2c: {  	s7 =	sld [smem:$0x3FAC]  }
0x2d: {  	s3 =	simm.s32 $0x108;
	s8 =	sld [smem:$0x3FAD]  }
0x2e: {  	s3 =	simm.s32 @!p0 $0x1082;
	s9 =	sld [smem:$0x3FAE]  }
0x2f: {  	lr =	sadd.s32 s0, s3;
	s0 =	sld [smem:$0x3FA5]  }
0x30: {  	s3 =	sld [smem:$0x3FA8]  }
0x31: {  	[smem:$0x3FB1] =	sst s10  }
0x32: {  	s10 =	sld [smem:$0x3FAF];
	_ =	sdelay $0x3  }
0x33: {  	p0 =	seq.s32 s10, $0x1;
	s10 =	sld [smem:$0x3FB1];
	_ =	sdelay $0x3  }
0x34: {  	[smem:$0x3FB1] =	sst s10  }
0x35: {  	s10 =	sld [smem:$0x3FB0];
	_ =	sdelay $0x3  }
0x36: {  	p1 =	seq.s32 s10, $0x1;
	s10 =	sld [smem:$0x3FB1];
	_ =	sdelay $0x3  }
0x37: {  	[smem:$0x3FB1] =	sst s10  }
0x38: {  	s10 =	sld [smem:$0x3FB2]  }
0x39: {  	_ = 	snop;
	(pc) =	sbr.ind lr, $3  }
0x3a: {  	_ = 	snop  }
0x3b: {  	_ = 	snop  }
0x3c: {  	p2 =	seq.s32 s10, $0x1;
	s10 =	sld [smem:$0x3FB1]  }
0x3d: {  	_ =	shalt  }
0x3e: {  	_ =	shalt  }
0x3f: {  	_ =	shalt  }
0x40: {  	_ =	shalt  }
0x41: {  	_ =	shalt  }
0x42: {  	_ =	shalt  }
0x43: {  	_ =	shalt  }
0x44: {  	_ =	shalt  }
0x45: {  	_ =	shalt  }
0x46: {  	_ =	shalt  }
0x47: {  	_ =	shalt  }
0x48: {  	_ =	shalt  }
0x49: {  	_ =	shalt  }
0x4a: {  	_ =	shalt  }
0x4b: {  	_ =	shalt  }
0x4c: {  	_ =	shalt  }
0x4d: {  	_ =	shalt  }
0x4e: {  	_ =	shalt  }
0x4f: {  	_ =	shalt  }
0x50: {  	_ =	shalt  }
0x51: {  	_ =	shalt  }
0x52: {  	_ =	shalt  }
0x53: {  	_ =	shalt  }
0x54: {  	_ =	shalt  }
0x55: {  	_ =	shalt  }
0x56: {  	_ =	shalt  }
0x57: {  	_ =	shalt  }
0x58: {  	_ =	shalt  }
0x59: {  	_ =	shalt  }
0x5a: {  	_ =	shalt  }
0x5b: {  	_ =	shalt  }
0x5c: {  	_ =	shalt  }
0x5d: {  	_ =	shalt  }
0x5e: {  	_ =	shalt  }
0x5f: {  	_ =	shalt  }
0x60: {  	_ =	shalt  }
0x61: {  	_ =	shalt  }
0x62: {  	_ =	shalt  }
0x63: {  	_ =	shalt  }
0x64: {  	_ =	shalt  }
0x65: {  	_ =	shalt  }
0x66: {  	_ =	shalt  }
0x67: {  	_ =	shalt  }
0x68: {  	_ =	shalt  }
0x69: {  	_ =	shalt  }
0x6a: {  	_ =	shalt  }
0x6b: {  	_ =	shalt  }
0x6c: {  	_ =	shalt  }
0x6d: {  	_ =	shalt  }
0x6e: {  	_ =	shalt  }
0x6f: {  	_ =	shalt  }
0x70: {  	_ =	shalt  }
0x71: {  	_ =	shalt  }
0x72: {  	_ =	shalt  }
0x73: {  	_ =	shalt  }
0x74: {  	_ =	shalt  }
0x75: {  	_ =	shalt  }
0x76: {  	_ =	shalt  }
0x77: {  	_ =	shalt  }
0x78: {  	_ =	shalt  }
0x79: {  	_ =	shalt  }
0x7a: {  	_ =	shalt  }
0x7b: {  	_ =	shalt  }
0x7c: {  	_ =	shalt  }
0x7d: {  	_ =	shalt  }
0x7e: {  	_ =	shalt  }
0x7f: {  	_ =	shalt  }
0x80: {  	_ =	shalt  }
0x81: {  	_ =	shalt  }
0x82: {  	_ =	shalt  }
0x83: {  	_ =	shalt  }
0x84: {  	_ =	shalt  }
0x85: {  	_ =	shalt  }
0x86: {  	_ =	shalt  }
0x87: {  	_ =	shalt  }
.Lfunc_end0:
.L_simem_size_0:
called_computation_lowered:
.L_overlay_start_0:
0x88: {  	s2 =	sld [smem:$0x3FD9]  }
0x89: {  	s3 =	sld [smem:$0x3FFE];
	_ =	sdelay $0x1  }
0x8a: {  	s1 =	srdreg.scid  }
0x8b: {  	s0 =	sand.u32 $0x1, s1  }
0x8c: {  	s14 =	sshll.u32 s0, $0xA;
	s2 =	sadd.s32 s3, s2  }
0x8d: {  	s2 =	sadd.s32 s2, s14  }
0x8e: {  	[smem:$0x3FBD] =	sst s2  }
0x8f: {  	_ = 	snop  }
0x90: {  	s2 =	sld [smem:$0x3FD0];
	_ =	sdelay $0x2  }
0x91: {  	s15 =	simm.s32 $0xA;
	s4 =	simm.s32 $0x10  }
0x92: {  	[smem:s4], [sflag:s15] =	dma.local [hbm:s2], $0x1  }
0x93: {  	_ =	swait.eq [sflag:s15], $0x1  }
0x94: {  	[sflag:s15] =	ssyncset.done $0x0  }
0x95: {  	[sflag:s15] =	ssyncadd.s32 $0xFFFFFFFF  }
0x96: {  	s16 =	sld [smem:$0x10];
	(tm) =	ssettm $0x1  }
0x97: {  	s17 =	sld [smem:$0x3FFB];
	_ =	sdelay $0x3  }
0x98: {  	_ =	strace s17  }
0x99: {  	s3 =	sld [smem:$0x3FFC];
	_ =	sdelay $0x3  }
0x9a: {  	_ =	strace s3  }
0x9b: {  	s3 =	sld [smem:$0x3FFD];
	_ =	sdelay $0x3  }
0x9c: {  	_ =	strace s3  }
0x9d: {  	_ =	strace $0x8FFFFFFF  }
0x9e: {  	s18 =	sld [smem:$0x3FDB];
	_ =	sdelay $0x1  }
0x9f: {  	s19 =	simm.s32 $_scs_section_size  }
0xa0: {  	s5 =	simm.s32 $_size__tile_overlayer_lowered;
	s6 =	simm.s32 $_tile_overlayer_lowered  }
0xa1: {  	s22 =	simm.s32 $0x1BFF;
	s21 =	sshll.u32 s6, $0x1;
	s3 =	sadd.s32 s19, s18  }
0xa2: {  	s7 =	simm.s32 $0x0;
	s20 =	sshll.u32 s5, $0x1;
	s5 =	sadd.s32 s21, s3  }
0xa3: {  	[timem:s7], [sflag:s22] =	dma.local [hbm:s5], s20  }
0xa4: {  	_ =	swait.ge [sflag:s22], s20  }
0xa5: {  	s4 =	ssub.s32 $0x0, s20;
	[sflag:s22] =	ssyncset.done $0x0  }
0xa6: {  	[sflag:s22] =	ssyncadd.s32 s4;
	_ =	sdelay $0x1  }
0xa7: {  	s23 =	simm.s32 $0x1B8B  }
0xa8: {  	_ =	swait.ge [sflag:s23], $0x1  }
0xa9: {  	[sflag:s23] =	ssyncset.done $0x0  }
0xaa: {  	s25 =	simm.s32 $0x1B8E;
	s24 =	sld [smem:$0x3FFE];
	[sflag:s23] =	ssyncadd.s32 $0xFFFFFFFF  }
0xab: {  	s26 =	simm.s32 $execute0_lowered;
	[smem:$0x3FD2] =	sst s25  }
0xac: {  	s5 =	sshll.u32 s26, $0x1;
	_ =	strace $0x80000046;
	[dreg:$0x1] =	wrdreg $0xFFFFFFFF  }
0xad: {  	s28 =	simm.s32 $_size_execute0_lowered;
	s3 =	sadd.s32 s3, s5;
	[dreg:$0x0] =	wrdreg $0x0  }
0xae: {  	s5 =	sshll.u32 s28, $0x1;
	[dreg:$0x2] =	wrdreg s3  }
0xaf: {  	[dreg:$0x3] =	wrdreg s5  }
0xb0: {  	[dreg:$0x4] =	wrdreg $0xC0  }
0xb1: {  	_ =	task [dreg:s7], $0x5FFFF  }
0xb2: {  	[dreg:$0x1] =	wrdreg $0xFFFFFFFF  }
0xb3: {  	[dreg:$0x0] =	wrdreg $0x60  }
0xb4: {  	[dreg:$0x2] =	wrdreg s16  }
0xb5: {  	[dreg:$0x3] =	wrdreg s24  }
0xb6: {  	[dreg:$0x4] =	wrdreg $0xAB800  }
0xb7: {  	[dreg:$0x5] =	wrdreg $0x9  }
0xb8: {  	_ =	task.clear_ibuf [dreg:s7], $0x6FFFF;
	_ =	strace $0x90000046  }
0xb9: {  	s29 =	simm.s32 $0x9;
	_ =	strace $0x80000048  }
0xba: {  	_ =	swait.ge [sflag:s29], $0x1  }
0xbb: {  	[sflag:s29] =	ssyncadd.s32 $0xFFFFFFFF  }
0xbc: {  	_ =	strace $0x90000048  }
0xbd: {  	_ =	sfence  }
0xbe: {  	s30 =	sld [smem:$0x0];
	_ =	sdelay $0x2  }
0xbf: {  	s31 =	sshll.u32 s1, $0xD;
	s1 =	sshrl.u32 s1, $0x2  }
0xc0: {  	s3 =	sand.u32 $0x4000, s31;
	s1 =	sadd.s32 s1, s30  }
0xc1: {  	s0 =	sor.u32 s3, s0;
	s1 =	sshll.u32 s1, $0x11  }
0xc2: {  	s0 =	sor.u32 s1, s0  }
0xc3: {  	s0 =	sadd.s32 $0x8F2B, s0  }
0xc4: {  	[sflag:s0] =	ssyncadd.remote.s32 $0x1  }
0xc5: {  	_ =	sfence.sel $0xFFFF  }
0xc6: {  	[dreg:$0x0] =	wrdreg $0xFFFFFFFF;
	(pc) =	sbr.abs _section_cstart, $3  }
0xc7: {  	[dreg:$0x1] =	wrdreg $0xFFFFFFFF  }
0xc8: {  	_ =	task.clear_ibuf [dreg:s7], $0x2FFFF;
	_ =	strace $0x9FFFFFFF  }
0xc9: {  	(tm) =	ssettm $0x7FFFFFFF  }
tec
execute0_lowered:
.L_overlay_start_1:
0x0: {  	(tag) =	ssettag $0x1  }
0x1: {  	s1 =	rddreg [dreg:$0x0]  }
0x2: {  	s0 =	rddreg [dreg:$0x1]  }
0x3: {  	s2 =	rddreg [dreg:$0x2]  }
0x4: {  	s4 =	simm.s32 $0x0;
	s3 =	stileid.u32;
	s5 =	srdreg.scid  }
0x5: {  	s24 =	simm.s32 $0x180;
	s30 =	simm.s32 $0x3;
	s31 =	simm.s32 $0x80  }
0x6: {  	[smem:$0x7FF] =	sst s4;
	s6 =	sshll.u32 s3, $0x5;
	s13 =	sand.u32 $0x1, s5  }
0x7: {  	s25 =	smul.u32 $0x50000, s3;
	s7 =	sadd.s32 $0x16000, s0;
	s9 =	sshll.u32 s3, $0x8  }
0x8: {  	s14 =	sadd.s32 $0x130000, s2;
	s17 =	smul.u32 $0x14000, s3;
	s19 =	ssub.s32 $0x4C2, s3  }
0x9: {  	s20 =	ssub.s32 $0x4B2, s3;
	_ =	strace $0x80000047;
	[dreg:$0xb] =	wrdreg s14  }
0xa: {  	p0 =	seq.s32 s3, $0xF;
	s6 =	sadd.s32 s6, s0;
	[dreg:$0x4] =	wrdreg s19  }
0xb: {  	s8 =	sshll.u32 s13, $0xC;
	s10 =	ssub.s32 $0x2, s13;
	[dreg:$0x6] =	wrdreg s20  }
0xc: {  	s15 =	smul.u32 $0x138800, s13;
	[dreg:$0x5] =	wrdreg s24;
	s5 =	sshrl.u32 s25, $0x2  }
0xd: {  	s8 =	sor.u32 s9, s8;
	s26 =	sshrl.u32 s10, $0x1;
	s16 =	sadd.s32 $0x2400, s6  }
0xe: {  	s18 =	sadd.s32 $0x2800, s6;
	s5 =	sadd.s32 s5, s2;
	[dreg:$0xd] =	wrdreg s16  }
0xf: {  	s0 =	sadd.s32 s8, s0;
	[dreg:$0xf] =	wrdreg s18;
	s29 =	sadd.s32 $0x4000, s5  }
0x10: {  	s8 =	ssub.s32 s10, s26;
	s10 =	sadd.s32 $0x8000, s5;
	[dreg:$0x7] =	wrdreg s29  }
0x11: {  	s28 =	sshll.u32 s13, $0x6;
	s11 =	sadd.s32 $0xC000, s5;
	[dreg:$0x8] =	wrdreg s10  }
0x12: {  	v0 =	vmov s13;
	s13 =	simm.s32 $0x0;
	s12 =	sadd.s32 $0x10000, s5;
	[dreg:$0x9] =	wrdreg s11  }
0x13: {  	s9 =	sshrl.u32 s15, $0x3;
	s22 =	sadd.s32 $0xC000, s0;
	[dreg:$0xa] =	wrdreg s12  }
0x14: {  	s9 =	sadd.s32 s7, s9;
	s23 =	sadd.s32 $0xE000, s0;
	[dreg:$0x12] =	wrdreg s22  }
0x15: {  	s25 =	sadd.s32 $0x10000, s0;
	s26 =	sadd.s32 $0x12000, s0;
	[dreg:$0x13] =	wrdreg s23  }
0x16: {  	s0 =	sadd.s32 $0x14000, s0;
	s10 =	sadd.s32 $0x12C000, s2;
	[dreg:$0x14] =	wrdreg s25  }
0x17: {  	s11 =	sadd.s32 $0x2200, s6;
	s12 =	sadd.s32 $0x2600, s6;
	[dreg:$0x15] =	wrdreg s26  }
0x18: {  	s21 =	sadd.s32 $0x25800, s9;
	[dreg:$0x16] =	wrdreg s0;
	s29 =	smax.u32 s8, $0x1  }
0x19: {  	s25 =	sadd.s32 $0x134000, s2;
	s26 =	sadd.s32 $0x138000, s2;
	[dreg:$0xc] =	wrdreg s11  }
0x1a: {  	s0 =	simm.s32 $0x400;
	s8 =	simm.s32 $0x1;
	[dreg:$0xe] =	wrdreg s12  }
0x1b: {  	s9 =	simm.s32 $0x7;
	s11 =	sadd.s32 s17, s15;
	[dreg:$0x11] =	wrdreg s21  }
0x1c: {  	[dreg:$0x17] =	wrdreg s29;
	s15 =	sadd.s32 $0x3000, s6;
	s11 =	sshrl.u32 s11, $0x3  }
0x1d: {  	s6 =	simm.s32 $0x4;
	s12 =	simm.s32 $0x2;
	s7 =	sadd.s32 s7, s11  }
0x1e: {  	v1 =	vimm.f32 $0.0e+00;
	v2 =	vimm.f32 $1.000000000e+00;
	s11 =	simm.s32 $0x8400;
	[dreg:$0x10] =	wrdreg s7;
	s7 =	simm.s32 $0x4400  }
.LBB2_1:
0x1f: {  	s14 =	simm.s32 $0x0;
	s16 =	simm.s32 $0x200  }
.LBB2_2:
0x20: {  	p1 =	sne.s32 s16, $0xFE00;
	[tilespmem:s14+$0x470] =	vst v1  }
0x21: {  	[tilespmem:s14+$0x400] =	vst v1  }
0x22: {  	[tilespmem:s14+$0x410] =	vst v1  }
.Ltmp0:
0x23: {  	[tilespmem:s14+$0x420] =	vst v1;
	(pc) =	sbr.rel @p1 .LBB2_2-.Ltmp0, $4  }
0x24: {  	[tilespmem:s14+$0x430] =	vst v1  }
0x25: {  	[tilespmem:s14+$0x440] =	vst v1  }
0x26: {  	[tilespmem:s14+$0x450] =	vst v1  }
0x27: {  	[tilespmem:s14+$0x460] =	vst v1;
	s14 =	sshra.s32 s16, $0x2;
	s16 =	sadd.s32 $0x200, s16  }
0x28: {  	[tilespmem:s14+$0x470] =	vst v1  }
0x29: {  	[tilespmem:s14+$0x400] =	vst v1  }
0x2a: {  	[tilespmem:s14+$0x410] =	vst v1  }
0x2b: {  	[tilespmem:s14+$0x420] =	vst v1  }
0x2c: {  	[tilespmem:s14+$0x430] =	vst v1  }
0x2d: {  	[tilespmem:s14+$0x440] =	vst v1  }
0x2e: {  	[tilespmem:s14+$0x450] =	vst v1  }
0x2f: {  	[tilespmem:s14+$0x460] =	vst v1;
	s14 =	simm.s32 @p0 $0x400;
	s16 =	simm.s32 @p0 $0x7  }
0x30: {  	[spmem:s10] =	stream.linear.scatter @p0 [tilespmem:s14], [sflag:$0x7], $0x4000, $0x38;
	[tilespmem:$0x1E400] =	vst v63  }
0x31: {  	_ =	swait.ge @p0 [sflag:s16], $0x4000  }
0x32: {  	[sflag:s16] =	ssyncset.done @p0 $0x0  }
0x33: {  	s17 =	rddreg [dreg:$0xb];
	[sflag:s16] =	ssyncadd.s32 @p0 $0xFFFFC000  }
0x34: {  	[spmem:s17] =	stream.linear.scatter @p0 [tilespmem:s14], [sflag:$0x7], $0x4000, $0x38;
	[tilespmem:$0x1E400] =	vst v63  }
0x35: {  	_ =	swait.ge @p0 [sflag:s16], $0x4000  }
0x36: {  	[sflag:s16] =	ssyncset.done @p0 $0x0  }
0x37: {  	[sflag:s16] =	ssyncadd.s32 @p0 $0xFFFFC000  }
0x38: {  	[spmem:s25] =	stream.linear.scatter @p0 [tilespmem:s14], [sflag:$0x7], $0x4000, $0x38;
	[tilespmem:$0x1E400] =	vst v63  }
0x39: {  	_ =	swait.ge @p0 [sflag:s16], $0x4000  }
0x3a: {  	[sflag:s16] =	ssyncset.done @p0 $0x0  }
0x3b: {  	[sflag:s16] =	ssyncadd.s32 @p0 $0xFFFFC000  }
0x3c: {  	[spmem:s26] =	stream.linear.scatter @p0 [tilespmem:s14], [sflag:$0x7], $0x800, $0x38;
	[tilespmem:$0x1E400] =	vst v63  }
0x3d: {  	_ =	swait.ge @p0 [sflag:s16], $0x800  }
0x3e: {  	[sflag:s16] =	ssyncset.done @p0 $0x0  }
0x3f: {  	s14 =	simm.s32 @!p0 $0x400;
	[sflag:s16] =	ssyncadd.s32 @p0 $0xFFFFF800;
	s16 =	simm.s32 @!p0 $0x7  }
0x40: {  	[spmem:s5] =	stream.linear.scatter @!p0 [tilespmem:s14], [sflag:$0x7], $0x4000, $0x38;
	[tilespmem:$0x1E400] =	vst v63  }
0x41: {  	_ =	swait.ge @!p0 [sflag:s16], $0x4000  }
0x42: {  	[sflag:s16] =	ssyncset.done @!p0 $0x0  }
0x43: {  	s17 =	rddreg [dreg:$0x7];
	[sflag:s16] =	ssyncadd.s32 @!p0 $0xFFFFC000  }
0x44: {  	[spmem:s17] =	stream.linear.scatter @!p0 [tilespmem:s14], [sflag:$0x7], $0x4000, $0x38;
	[tilespmem:$0x1E400] =	vst v63  }
0x45: {  	_ =	swait.ge @!p0 [sflag:s16], $0x4000  }
0x46: {  	[sflag:s16] =	ssyncset.done @!p0 $0x0  }
0x47: {  	s17 =	rddreg [dreg:$0x8];
	[sflag:s16] =	ssyncadd.s32 @!p0 $0xFFFFC000  }
0x48: {  	[spmem:s17] =	stream.linear.scatter @!p0 [tilespmem:s14], [sflag:$0x7], $0x4000, $0x38;
	[tilespmem:$0x1E400] =	vst v63  }
0x49: {  	_ =	swait.ge @!p0 [sflag:s16], $0x4000  }
0x4a: {  	[sflag:s16] =	ssyncset.done @!p0 $0x0  }
0x4b: {  	s17 =	rddreg [dreg:$0x9];
	[sflag:s16] =	ssyncadd.s32 @!p0 $0xFFFFC000  }
0x4c: {  	[spmem:s17] =	stream.linear.scatter @!p0 [tilespmem:s14], [sflag:$0x7], $0x4000, $0x38;
	[tilespmem:$0x1E400] =	vst v63  }
0x4d: {  	_ =	swait.ge @!p0 [sflag:s16], $0x4000  }
0x4e: {  	[sflag:s16] =	ssyncset.done @!p0 $0x0  }
0x4f: {  	s17 =	rddreg [dreg:$0xa];
	[sflag:s16] =	ssyncadd.s32 @!p0 $0xFFFFC000  }
0x50: {  	[spmem:s17] =	stream.linear.scatter @!p0 [tilespmem:s14], [sflag:$0x7], $0x4000, $0x38;
	[tilespmem:$0x1E400] =	vst v63  }
0x51: {  	_ =	swait.ge @!p0 [sflag:s16], $0x4000  }
0x52: {  	[sflag:s16] =	ssyncset.done @!p0 $0x0  }
0x53: {  	s14 =	simm.s32 $0x40;
	[sflag:s16] =	ssyncadd.s32 @!p0 $0xFFFFC000;
	s16 =	simm.s32 $0x0  }
.LBB2_4:
0x54: {  	p1 =	sne.s32 s14, $0x9C00;
	[tilespmem:s16+$0x8400] =	vst v1;
	s16 =	smov.u32 s14;
	s14 =	sadd.s32 $0x40, s14  }
.Ltmp1:
0x55: {  	(pc) =	sbr.rel @p1 .LBB2_4-.Ltmp1, $2  }
0x56: {  	_ =	sdelay $0x2  }
0x57: {  	s16 =	sshra.s32 s16, $0x2  }
0x58: {  	[tilespmem:s16+$0x8400] =	vst v1  }
0x59: {  	[bflag:$0x0] =	sbarrier.arrive $0xFFFF  }
0x5a: {  	s14 =	simm.s32 $0x0;
	s21 =	rddreg [dreg:$0xc]  }
0x5b: {  	[tilespmem:s14], [sflag:$0x3] =	stream.linear.gather [hbm4b:s21+s14], $0x100, $0x38;
	[tilespmem:$0x1E400] =	vst v63  }
0x5c: {  	s17 =	simm.s32 $0x100;
	s22 =	rddreg [dreg:$0xd]  }
0x5d: {  	[tilespmem:s17], [sflag:$0x4] =	stream.linear.gather [hbm4b:s22+s14], $0x100, $0x38;
	[tilespmem:$0x1E400] =	vst v63  }
0x5e: {  	_ =	swait.ge [sflag:s30], $0x100  }
0x5f: {  	[sflag:s30] =	ssyncset.done $0x0  }
0x60: {  	[sflag:s30] =	ssyncadd.s32 $0xFFFFFF00  }
0x61: {  	v3 =	vld [tilespmem:$0x0]  }
0x62: {  	v4 =	vld [tilespmem:$0x10]  }
0x63: {  	v5 =	vld [tilespmem:$0x20]  }
0x64: {  	v6 =	vld [tilespmem:$0x30]  }
0x65: {  	v7 =	vld [tilespmem:$0x40]  }
0x66: {  	v8 =	vld [tilespmem:$0x50];
	v3 =	vshll.u32 v3, $0x1  }
0x67: {  	v9 =	vld [tilespmem:$0x60];
	v4 =	vshll.u32 v4, $0x1;
	v3 =	vor.u32 v0, v3  }
0x68: {  	v45 =	vld [tilespmem:$0x70];
	v44 =	vshll.u32 v5, $0x1;
	[tilespmem:$0x0] =	vst v3;
	v3 =	vor.u32 v0, v4  }
0x69: {  	v46 =	vshll.u32 v6, $0x1;
	[tilespmem:$0x10] =	vst v3;
	v3 =	vor.u32 v0, v44  }
0x6a: {  	v47 =	vshll.u32 v7, $0x1;
	[tilespmem:$0x20] =	vst v3;
	v3 =	vor.u32 v0, v46  }
0x6b: {  	v48 =	vshll.u32 v8, $0x1;
	[tilespmem:$0x30] =	vst v3;
	v3 =	vor.u32 v0, v47  }
0x6c: {  	v49 =	vshll.u32 v9, $0x1;
	[tilespmem:$0x40] =	vst v3;
	v3 =	vor.u32 v0, v48  }
0x6d: {  	v50 =	vshll.u32 v45, $0x1;
	[tilespmem:$0x50] =	vst v3;
	v3 =	vor.u32 v0, v49  }
0x6e: {  	[tilespmem:$0x60] =	vst v3;
	v3 =	vor.u32 v0, v50  }
0x6f: {  	[tilespmem:$0x70] =	vst v3  }
0x70: {  	[tilespmem:s0], [sflag:$0x1] =	stream.indirect.gather [hbm4b:s1+s31], $0x80, s14, s31, $0xb8;
	[tilespmem:$0x1E400] =	vst v63  }
0x71: {  	s18 =	simm.s32 $0x200;
	s23 =	rddreg [dreg:$0xe]  }
0x72: {  	[tilespmem:s18], [sflag:$0x5] =	stream.linear.gather [hbm4b:s23+s14], $0x100, $0x38;
	[tilespmem:$0x1E400] =	vst v63  }
0x73: {  	_ =	swait.ge [sflag:s6], $0x100  }
0x74: {  	[sflag:s6] =	ssyncset.done $0x0  }
0x75: {  	[sflag:s6] =	ssyncadd.s32 $0xFFFFFF00  }
0x76: {  	v3 =	vld [tilespmem:$0x100]  }
0x77: {  	v51 =	vld [tilespmem:$0x110]  }
0x78: {  	v52 =	vld [tilespmem:$0x120]  }
0x79: {  	v53 =	vld [tilespmem:$0x130]  }
0x7a: {  	v54 =	vld [tilespmem:$0x140]  }
0x7b: {  	v55 =	vld [tilespmem:$0x150];
	v3 =	vshll.u32 v3, $0x1  }
0x7c: {  	v56 =	vld [tilespmem:$0x160];
	v4 =	vshll.u32 v51, $0x1;
	v3 =	vor.u32 v0, v3  }
0x7d: {  	v58 =	vld [tilespmem:$0x170];
	v57 =	vshll.u32 v52, $0x1;
	[tilespmem:$0x100] =	vst v3;
	v3 =	vor.u32 v0, v4  }
0x7e: {  	v59 =	vshll.u32 v53, $0x1;
	[tilespmem:$0x110] =	vst v3;
	v3 =	vor.u32 v0, v57  }
0x7f: {  	v60 =	vshll.u32 v54, $0x1;
	[tilespmem:$0x120] =	vst v3;
	v3 =	vor.u32 v0, v59  }
0x80: {  	v61 =	vshll.u32 v55, $0x1;
	[tilespmem:$0x130] =	vst v3;
	v3 =	vor.u32 v0, v60  }
0x81: {  	v62 =	vshll.u32 v56, $0x1;
	[tilespmem:$0x140] =	vst v3;
	v3 =	vor.u32 v0, v61  }
0x82: {  	v63 =	vshll.u32 v58, $0x1;
	[tilespmem:$0x150] =	vst v3;
	v3 =	vor.u32 v0, v62  }
0x83: {  	[tilespmem:$0x160] =	vst v3;
	v3 =	vor.u32 v0, v63  }
0x84: {  	[tilespmem:$0x170] =	vst v3  }
0x85: {  	[tilespmem:s7], [sflag:$0x2] =	stream.indirect.gather [hbm4b:s1+s31], $0x80, s17, s31, $0xb8;
	[tilespmem:$0x1E400] =	vst v63  }
0x86: {  	s29 =	simm.s32 $0x300;
	s24 =	rddreg [dreg:$0xf]  }
0x87: {  	[tilespmem:s29], [sflag:$0x6] =	stream.linear.gather [hbm4b:s24+s14], $0x100, $0x38;
	[tilespmem:$0x1E400] =	vst v63  }
0x88: {  	s24 =	smov.u32 s15  }
.LBB2_6:
0x89: {  	_ =	swait.ge [sflag:s8], $0x4000  }
0x8a: {  	[sflag:s8] =	ssyncset.done $0x0  }
0x8b: {  	[sflag:s8] =	ssyncadd.s32 $0xFFFFC000  }
0x8c: {  	[spmem:s2] =	stream.indirect.scatter.add.f32 [tilespmem:s0], [sflag:$0x7], $0x80, s31, s31, $0xb8;
	[tilespmem:$0x1E400] =	vst v63  }
0x8d: {  	_ =	swait.ge [sflag:s9], $0x4000  }
0x8e: {  	[sflag:s9] =	ssyncset.done $0x0  }
0x8f: {  	[sflag:s9] =	ssyncadd.s32 $0xFFFFC000  }
0x90: {  	v3 =	vld [tilespmem:s28+$0x80];
	_ =	sdelay $0x7  }
0x91: {  	[tilespmem:v3+s11+$0x0] =	vst.idx.add.f32.msk $0xffff, v2  }
0x92: {  	v3 =	vld [tilespmem:s28+$0x90];
	_ =	sdelay $0x7  }
0x93: {  	[tilespmem:v3+s11+$0x0] =	vst.idx.add.f32.msk $0xffff, v2  }
0x94: {  	v3 =	vld [tilespmem:s28+$0xA0];
	_ =	sdelay $0x7  }
0x95: {  	[tilespmem:v3+s11+$0x0] =	vst.idx.add.f32.msk $0xffff, v2  }
0x96: {  	v3 =	vld [tilespmem:s28+$0xB0];
	_ =	sdelay $0x5  }
0x97: {  	s16 =	rddreg [dreg:$0x4]  }
0x98: {  	p2 =	sge.u32 s14, s16  }
0x99: {  	s16 =	simm.s32 @!p2 $0x5;
	[tilespmem:v3+s11+$0x0] =	vst.idx.add.f32.msk $0xffff, v2  }
0x9a: {  	_ =	swait.ge @!p2 [sflag:s16], $0x100  }
0x9b: {  	[sflag:s16] =	ssyncset.done @!p2 $0x0  }
0x9c: {  	[sflag:s16] =	ssyncadd.s32 @!p2 $0xFFFFFF00  }
0x9d: {  	v3 =	vld @!p2 [tilespmem:$0x200]  }
0x9e: {  	v4 =	vld @!p2 [tilespmem:$0x210]  }
0x9f: {  	v5 =	vld @!p2 [tilespmem:$0x220]  }
0xa0: {  	v6 =	vld @!p2 [tilespmem:$0x230]  }
0xa1: {  	v7 =	vld @!p2 [tilespmem:$0x240]  }
0xa2: {  	v8 =	vld @!p2 [tilespmem:$0x250];
	v3 =	vshll.u32 @!p2 v3, $0x1  }
0xa3: {  	v9 =	vld @!p2 [tilespmem:$0x260];
	v4 =	vshll.u32 @!p2 v4, $0x1;
	v3 =	vor.u32 @!p2 v0, v3  }
0xa4: {  	[tilespmem:$0x200] =	vst @!p2 v3;
	v3 =	vor.u32 @!p2 v0, v4;
	v4 =	vshll.u32 @!p2 v5, $0x1;
	v5 =	vld @!p2 [tilespmem:$0x270]  }
0xa5: {  	[tilespmem:$0x210] =	vst @!p2 v3;
	v3 =	vor.u32 @!p2 v0, v4;
	v4 =	vshll.u32 @!p2 v6, $0x1  }
0xa6: {  	[tilespmem:$0x220] =	vst @!p2 v3;
	v3 =	vor.u32 @!p2 v0, v4;
	v4 =	vshll.u32 @!p2 v7, $0x1  }
0xa7: {  	[tilespmem:$0x230] =	vst @!p2 v3;
	v3 =	vor.u32 @!p2 v0, v4;
	v4 =	vshll.u32 @!p2 v8, $0x1  }
0xa8: {  	[tilespmem:$0x240] =	vst @!p2 v3;
	v3 =	vor.u32 @!p2 v0, v4;
	v4 =	vshll.u32 @!p2 v9, $0x1  }
0xa9: {  	[tilespmem:$0x250] =	vst @!p2 v3;
	v3 =	vor.u32 @!p2 v0, v4;
	v4 =	vshll.u32 @!p2 v5, $0x1  }
0xaa: {  	[tilespmem:$0x260] =	vst @!p2 v3;
	v3 =	vor.u32 @!p2 v0, v4  }
0xab: {  	s20 =	simm.s32 @!p2 $0x80;
	s29 =	simm.s32 @!p2 $0x400;
	s16 =	simm.s32 @!p2 $0x200;
	[tilespmem:$0x270] =	vst @!p2 v3  }
0xac: {  	[tilespmem:s29], [sflag:$0x1] =	stream.indirect.gather @!p2 [hbm4b:s1+s20], $0x80, s16, s20, $0xb8;
	[tilespmem:$0x1E400] =	vst v63  }
0xad: {  	s16 =	sadd.s32 s14, s3  }
0xae: {  	s17 =	sadd.s32 $0x40, s16  }
0xaf: {  	p4 =	sgt.u32 s17, $0x4E1  }
0xb0: {  	s17 =	sadd.s32 @!p4 $0xFFFFFA00, s24;
	s18 =	simm.s32 @!p4 $0x0  }
0xb1: {  	[tilespmem:s18], [sflag:$0x3] =	stream.linear.gather @!p4 [hbm4b:s17+s18], $0x100, $0x38;
	[tilespmem:$0x1E400] =	vst v63  }
0xb2: {  	_ =	swait.ge [sflag:s12], $0x4000  }
0xb3: {  	[sflag:s12] =	ssyncset.done $0x0  }
0xb4: {  	s21 =	rddreg [dreg:$0x5];
	[sflag:s12] =	ssyncadd.s32 $0xFFFFC000  }
0xb5: {  	[spmem:s2] =	stream.indirect.scatter.add.f32 [tilespmem:s7], [sflag:$0x7], $0x80, s21, s31, $0xb8;
	[tilespmem:$0x1E400] =	vst v63  }
0xb6: {  	_ =	swait.ge [sflag:s9], $0x4000  }
0xb7: {  	[sflag:s9] =	ssyncset.done $0x0  }
0xb8: {  	[sflag:s9] =	ssyncadd.s32 $0xFFFFC000  }
0xb9: {  	v3 =	vld [tilespmem:s28+$0x180];
	_ =	sdelay $0x7  }
0xba: {  	[tilespmem:v3+s11+$0x0] =	vst.idx.add.f32.msk $0xffff, v2  }
0xbb: {  	v3 =	vld [tilespmem:s28+$0x190];
	_ =	sdelay $0x7  }
0xbc: {  	[tilespmem:v3+s11+$0x0] =	vst.idx.add.f32.msk $0xffff, v2  }
0xbd: {  	v3 =	vld [tilespmem:s28+$0x1A0];
	_ =	sdelay $0x7  }
0xbe: {  	[tilespmem:v3+s11+$0x0] =	vst.idx.add.f32.msk $0xffff, v2  }
0xbf: {  	v3 =	vld [tilespmem:s28+$0x1B0];
	_ =	sdelay $0x5  }
0xc0: {  	s22 =	rddreg [dreg:$0x6]  }
0xc1: {  	p1 =	sge.u32 s14, s22  }
0xc2: {  	s17 =	simm.s32 @!p1 $0x6;
	[tilespmem:v3+s11+$0x0] =	vst.idx.add.f32.msk $0xffff, v2  }
0xc3: {  	_ =	swait.ge @!p1 [sflag:s17], $0x100  }
0xc4: {  	[sflag:s17] =	ssyncset.done @!p1 $0x0  }
0xc5: {  	[sflag:s17] =	ssyncadd.s32 @!p1 $0xFFFFFF00  }
0xc6: {  	v3 =	vld @!p1 [tilespmem:$0x300]  }
0xc7: {  	v4 =	vld @!p1 [tilespmem:$0x310]  }
0xc8: {  	v5 =	vld @!p1 [tilespmem:$0x320]  }
0xc9: {  	v6 =	vld @!p1 [tilespmem:$0x330]  }
0xca: {  	v7 =	vld @!p1 [tilespmem:$0x340]  }
0xcb: {  	v8 =	vld @!p1 [tilespmem:$0x350];
	v3 =	vshll.u32 @!p1 v3, $0x1  }
0xcc: {  	v9 =	vld @!p1 [tilespmem:$0x360];
	v4 =	vshll.u32 @!p1 v4, $0x1;
	v3 =	vor.u32 @!p1 v0, v3  }
0xcd: {  	[tilespmem:$0x300] =	vst @!p1 v3;
	v3 =	vor.u32 @!p1 v0, v4;
	v4 =	vshll.u32 @!p1 v5, $0x1;
	v5 =	vld @!p1 [tilespmem:$0x370]  }
0xce: {  	[tilespmem:$0x310] =	vst @!p1 v3;
	v3 =	vor.u32 @!p1 v0, v4;
	v4 =	vshll.u32 @!p1 v6, $0x1  }
0xcf: {  	[tilespmem:$0x320] =	vst @!p1 v3;
	v3 =	vor.u32 @!p1 v0, v4;
	v4 =	vshll.u32 @!p1 v7, $0x1  }
0xd0: {  	[tilespmem:$0x330] =	vst @!p1 v3;
	v3 =	vor.u32 @!p1 v0, v4;
	v4 =	vshll.u32 @!p1 v8, $0x1  }
0xd1: {  	[tilespmem:$0x340] =	vst @!p1 v3;
	v3 =	vor.u32 @!p1 v0, v4;
	v4 =	vshll.u32 @!p1 v9, $0x1  }
0xd2: {  	s23 =	sadd.s32 $0x50, s16;
	[tilespmem:$0x350] =	vst @!p1 v3;
	v3 =	vor.u32 @!p1 v0, v4;
	v4 =	vshll.u32 @!p1 v5, $0x1  }
0xd3: {  	p3 =	sgt.u32 s23, $0x4E1;
	[tilespmem:$0x360] =	vst @!p1 v3;
	v3 =	vor.u32 @!p1 v0, v4  }
0xd4: {  	s19 =	simm.s32 @!p1 $0x80;
	s21 =	simm.s32 @!p1 $0x4400;
	s17 =	simm.s32 @!p1 $0x300;
	[tilespmem:$0x370] =	vst @!p1 v3  }
0xd5: {  	[tilespmem:s21], [sflag:$0x2] =	stream.indirect.gather @!p1 [hbm4b:s1+s19], $0x80, s17, s19, $0xb8;
	[tilespmem:$0x1E400] =	vst v63  }
0xd6: {  	s23 =	simm.s32 @!p3 $0x0;
	s22 =	sadd.s32 @!p3 $0xFFFFFC00, s24;
	s17 =	simm.s32 @!p3 $0x100  }
0xd7: {  	[tilespmem:s17], [sflag:$0x4] =	stream.linear.gather @!p3 [hbm4b:s22+s23], $0x100, $0x38;
	[tilespmem:$0x1E400] =	vst v63  }
0xd8: {  	s22 =	simm.s32 @!p2 $0x1  }
0xd9: {  	_ =	swait.ge @!p2 [sflag:s22], $0x4000  }
0xda: {  	[sflag:s22] =	ssyncset.done @!p2 $0x0  }
0xdb: {  	[sflag:s22] =	ssyncadd.s32 @!p2 $0xFFFFC000;
	s22 =	simm.s32 @!p2 $0x280  }
0xdc: {  	[spmem:s2] =	stream.indirect.scatter.add.f32 @!p2 [tilespmem:s29], [sflag:$0x7], $0x80, s22, s20, $0xb8;
	[tilespmem:$0x1E400] =	vst v63  }
0xdd: {  	s20 =	simm.s32 @!p2 $0x7  }
0xde: {  	_ =	swait.ge @!p2 [sflag:s20], $0x4000  }
0xdf: {  	[sflag:s20] =	ssyncset.done @!p2 $0x0  }
0xe0: {  	[sflag:s20] =	ssyncadd.s32 @!p2 $0xFFFFC000  }
0xe1: {  	v3 =	vld @!p2 [tilespmem:s28+$0x280];
	_ =	sdelay $0x6  }
0xe2: {  	v4 =	vimm.f32 @!p2 $1.000000000e+00;
	s20 =	simm.s32 @!p2 $0x8400  }
0xe3: {  	[tilespmem:v3+s20+$0x0] =	vst.idx.add.f32.msk @!p2 $0xffff, v4  }
0xe4: {  	v3 =	vld @!p2 [tilespmem:s28+$0x290];
	_ =	sdelay $0x7  }
0xe5: {  	[tilespmem:v3+s20+$0x0] =	vst.idx.add.f32.msk @!p2 $0xffff, v4  }
0xe6: {  	v3 =	vld @!p2 [tilespmem:s28+$0x2A0];
	_ =	sdelay $0x7  }
0xe7: {  	[tilespmem:v3+s20+$0x0] =	vst.idx.add.f32.msk @!p2 $0xffff, v4  }
0xe8: {  	v3 =	vld @!p2 [tilespmem:s28+$0x2B0];
	_ =	sdelay $0x7  }
0xe9: {  	[tilespmem:v3+s20+$0x0] =	vst.idx.add.f32.msk @!p2 $0xffff, v4;
	s20 =	simm.s32 @!p4 $0x3  }
0xea: {  	_ =	swait.ge @!p4 [sflag:s20], $0x100  }
0xeb: {  	[sflag:s20] =	ssyncset.done @!p4 $0x0  }
0xec: {  	[sflag:s20] =	ssyncadd.s32 @!p4 $0xFFFFFF00  }
0xed: {  	v3 =	vld @!p4 [tilespmem:$0x0]  }
0xee: {  	v4 =	vld @!p4 [tilespmem:$0x10]  }
0xef: {  	v5 =	vld @!p4 [tilespmem:$0x20]  }
0xf0: {  	v6 =	vld @!p4 [tilespmem:$0x30]  }
0xf1: {  	v7 =	vld @!p4 [tilespmem:$0x40]  }
0xf2: {  	v8 =	vld @!p4 [tilespmem:$0x50];
	v3 =	vshll.u32 @!p4 v3, $0x1  }
0xf3: {  	v9 =	vld @!p4 [tilespmem:$0x60];
	v4 =	vshll.u32 @!p4 v4, $0x1;
	v3 =	vor.u32 @!p4 v0, v3  }
0xf4: {  	[tilespmem:$0x0] =	vst @!p4 v3;
	v3 =	vor.u32 @!p4 v0, v4;
	v4 =	vshll.u32 @!p4 v5, $0x1;
	v5 =	vld @!p4 [tilespmem:$0x70]  }
0xf5: {  	[tilespmem:$0x10] =	vst @!p4 v3;
	v3 =	vor.u32 @!p4 v0, v4;
	v4 =	vshll.u32 @!p4 v6, $0x1  }
0xf6: {  	[tilespmem:$0x20] =	vst @!p4 v3;
	v3 =	vor.u32 @!p4 v0, v4;
	v4 =	vshll.u32 @!p4 v7, $0x1  }
0xf7: {  	[tilespmem:$0x30] =	vst @!p4 v3;
	v3 =	vor.u32 @!p4 v0, v4;
	v4 =	vshll.u32 @!p4 v8, $0x1  }
0xf8: {  	[tilespmem:$0x40] =	vst @!p4 v3;
	v3 =	vor.u32 @!p4 v0, v4;
	v4 =	vshll.u32 @!p4 v9, $0x1  }
0xf9: {  	[tilespmem:$0x50] =	vst @!p4 v3;
	v3 =	vor.u32 @!p4 v0, v4;
	v4 =	vshll.u32 @!p4 v5, $0x1  }
0xfa: {  	s29 =	sadd.s32 $0x60, s16;
	[tilespmem:$0x60] =	vst @!p4 v3;
	v3 =	vor.u32 @!p4 v0, v4  }
0xfb: {  	s22 =	simm.s32 @!p4 $0x400;
	p2 =	sgt.u32 s29, $0x4E1;
	s20 =	simm.s32 @!p4 $0x80;
	[tilespmem:$0x70] =	vst @!p4 v3  }
0xfc: {  	[tilespmem:s22], [sflag:$0x1] =	stream.indirect.gather @!p4 [hbm4b:s1+s20], $0x80, s18, s20, $0xb8;
	[tilespmem:$0x1E400] =	vst v63  }
0xfd: {  	s18 =	sadd.s32 @!p2 $0xFFFFFE00, s24;
	s20 =	simm.s32 @!p2 $0x0;
	s22 =	simm.s32 @!p2 $0x200  }
0xfe: {  	[tilespmem:s22], [sflag:$0x5] =	stream.linear.gather @!p2 [hbm4b:s18+s20], $0x100, $0x38;
	[tilespmem:$0x1E400] =	vst v63  }
0xff: {  	s18 =	simm.s32 @!p1 $0x2  }
0x100: {  	_ =	swait.ge @!p1 [sflag:s18], $0x4000  }
0x101: {  	[sflag:s18] =	ssyncset.done @!p1 $0x0  }
0x102: {  	[sflag:s18] =	ssyncadd.s32 @!p1 $0xFFFFC000;
	s18 =	simm.s32 @!p1 $0x380  }
0x103: {  	[spmem:s2] =	stream.indirect.scatter.add.f32 @!p1 [tilespmem:s21], [sflag:$0x7], $0x80, s18, s19, $0xb8;
	[tilespmem:$0x1E400] =	vst v63  }
0x104: {  	s18 =	simm.s32 @!p1 $0x7  }
0x105: {  	_ =	swait.ge @!p1 [sflag:s18], $0x4000  }
0x106: {  	[sflag:s18] =	ssyncset.done @!p1 $0x0  }
0x107: {  	[sflag:s18] =	ssyncadd.s32 @!p1 $0xFFFFC000  }
0x108: {  	v3 =	vld @!p1 [tilespmem:s28+$0x380];
	_ =	sdelay $0x6  }
0x109: {  	v4 =	vimm.f32 @!p1 $1.000000000e+00;
	s18 =	simm.s32 @!p1 $0x8400  }
0x10a: {  	[tilespmem:v3+s18+$0x0] =	vst.idx.add.f32.msk @!p1 $0xffff, v4  }
0x10b: {  	v3 =	vld @!p1 [tilespmem:s28+$0x390];
	_ =	sdelay $0x7  }
0x10c: {  	[tilespmem:v3+s18+$0x0] =	vst.idx.add.f32.msk @!p1 $0xffff, v4  }
0x10d: {  	v3 =	vld @!p1 [tilespmem:s28+$0x3A0];
	_ =	sdelay $0x7  }
0x10e: {  	[tilespmem:v3+s18+$0x0] =	vst.idx.add.f32.msk @!p1 $0xffff, v4  }
0x10f: {  	v3 =	vld @!p1 [tilespmem:s28+$0x3B0];
	_ =	sdelay $0x7  }
0x110: {  	[tilespmem:v3+s18+$0x0] =	vst.idx.add.f32.msk @!p1 $0xffff, v4;
	s18 =	simm.s32 @!p3 $0x4  }
0x111: {  	_ =	swait.ge @!p3 [sflag:s18], $0x100  }
0x112: {  	[sflag:s18] =	ssyncset.done @!p3 $0x0  }
0x113: {  	[sflag:s18] =	ssyncadd.s32 @!p3 $0xFFFFFF00  }
0x114: {  	v3 =	vld @!p3 [tilespmem:$0x100]  }
0x115: {  	v4 =	vld @!p3 [tilespmem:$0x110]  }
0x116: {  	v5 =	vld @!p3 [tilespmem:$0x120]  }
0x117: {  	v6 =	vld @!p3 [tilespmem:$0x130]  }
0x118: {  	v7 =	vld @!p3 [tilespmem:$0x140]  }
0x119: {  	v8 =	vld @!p3 [tilespmem:$0x150];
	v3 =	vshll.u32 @!p3 v3, $0x1  }
0x11a: {  	v9 =	vld @!p3 [tilespmem:$0x160];
	v4 =	vshll.u32 @!p3 v4, $0x1;
	v3 =	vor.u32 @!p3 v0, v3  }
0x11b: {  	[tilespmem:$0x100] =	vst @!p3 v3;
	v3 =	vor.u32 @!p3 v0, v4;
	v4 =	vshll.u32 @!p3 v5, $0x1;
	v5 =	vld @!p3 [tilespmem:$0x170]  }
0x11c: {  	[tilespmem:$0x110] =	vst @!p3 v3;
	v3 =	vor.u32 @!p3 v0, v4;
	v4 =	vshll.u32 @!p3 v6, $0x1  }
0x11d: {  	[tilespmem:$0x120] =	vst @!p3 v3;
	v3 =	vor.u32 @!p3 v0, v4;
	v4 =	vshll.u32 @!p3 v7, $0x1  }
0x11e: {  	[tilespmem:$0x130] =	vst @!p3 v3;
	v3 =	vor.u32 @!p3 v0, v4;
	v4 =	vshll.u32 @!p3 v8, $0x1  }
0x11f: {  	[tilespmem:$0x140] =	vst @!p3 v3;
	v3 =	vor.u32 @!p3 v0, v4;
	v4 =	vshll.u32 @!p3 v9, $0x1  }
0x120: {  	[tilespmem:$0x150] =	vst @!p3 v3;
	v3 =	vor.u32 @!p3 v0, v4;
	v4 =	vshll.u32 @!p3 v5, $0x1  }
0x121: {  	s16 =	sadd.s32 $0x70, s16;
	[tilespmem:$0x160] =	vst @!p3 v3;
	v3 =	vor.u32 @!p3 v0, v4  }
0x122: {  	s19 =	simm.s32 @!p3 $0x4400;
	p1 =	sgt.u32 s16, $0x4E1;
	s18 =	simm.s32 @!p3 $0x80;
	[tilespmem:$0x170] =	vst @!p3 v3  }
0x123: {  	[tilespmem:s19], [sflag:$0x2] =	stream.indirect.gather @!p3 [hbm4b:s1+s18], $0x80, s17, s18, $0xb8;
	[tilespmem:$0x1E400] =	vst v63  }
0x124: {  	s14 =	sadd.s32 $0x40, s14;
	s16 =	simm.s32 @!p1 $0x0;
	s17 =	simm.s32 @!p1 $0x300  }
0x125: {  	[tilespmem:s17], [sflag:$0x6] =	stream.linear.gather @!p1 [hbm4b:s24+s16], $0x100, $0x38;
	[tilespmem:$0x1E400] =	vst v63  }
0x126: {  	p1 =	sne.s32 s14, $0x500  }
.Ltmp2:
0x127: {  	_ = 	snop;
	(pc) =	sbr.rel @p1 .LBB2_6-.Ltmp2, $2  }
0x128: {  	_ =	sdelay $0x2  }
0x129: {  	s24 =	sadd.s32 $0x800, s24  }
0x12a: {  	[bflag:$0x0] =	sbarrier.arrive $0xFFFF  }
0x12b: {  	s14 =	sshrl.u32 @p0 s10, $0x3;
	s16 =	simm.s32 @p0 $0x1FC7;
	s17 =	rddreg [dreg:$0x11]  }
0x12c: {  	[hbm:s17], [sflag:s16] =	dma.local @p0 [spmem:s14], $0x1900  }
0x12d: {  	s14 =	simm.s32 @p0 $0x7  }
0x12e: {  	_ =	swait.ge @p0 [sflag:s14], $0x1900  }
0x12f: {  	s16 =	sshll.u32 @!p0 s3, $0x6;
	[sflag:s14] =	ssyncset.done @p0 $0x0;
	s17 =	rddreg [dreg:$0x10]  }
0x130: {  	[sflag:s14] =	ssyncadd.s32 @p0 $0xFFFFE700;
	s14 =	sor.u32 @!p0 $0x1C07, s16;
	s16 =	sshrl.u32 @!p0 s5, $0x3  }
0x131: {  	[hbm:s17], [sflag:s14] =	dma.local @!p0 [spmem:s16], $0x2800  }
0x132: {  	s14 =	simm.s32 @!p0 $0x7  }
0x133: {  	_ =	swait.ge @!p0 [sflag:s14], $0x2800  }
0x134: {  	[sflag:s14] =	ssyncset.done @!p0 $0x0  }
0x135: {  	s16 =	rddreg [dreg:$0x12];
	[sflag:s14] =	ssyncadd.s32 @!p0 $0xFFFFD800  }
0x136: {  	[hbm4b:s16+s4] =	stream.linear.scatter [tilespmem:s11], [sflag:$0x7], $0x7D0, $0x38;
	[tilespmem:$0x1E400] =	vst v63  }
0x137: {  	_ =	swait.ge [sflag:s9], $0x7D0  }
0x138: {  	[sflag:s9] =	ssyncset.done $0x0  }
0x139: {  	s18 =	simm.s32 $0x8BD0;
	s17 =	rddreg [dreg:$0x13];
	[sflag:s9] =	ssyncadd.s32 $0xFFFFF830  }
0x13a: {  	[hbm4b:s17+s4] =	stream.linear.scatter [tilespmem:s18], [sflag:$0x7], $0x7D0, $0x38;
	[tilespmem:$0x1E400] =	vst v63  }
0x13b: {  	_ =	swait.ge [sflag:s9], $0x7D0  }
0x13c: {  	[sflag:s9] =	ssyncset.done $0x0  }
0x13d: {  	s20 =	simm.s32 $0x93A0;
	s19 =	rddreg [dreg:$0x14];
	[sflag:s9] =	ssyncadd.s32 $0xFFFFF830  }
0x13e: {  	[hbm4b:s19+s4] =	stream.linear.scatter [tilespmem:s20], [sflag:$0x7], $0x7D0, $0x38;
	[tilespmem:$0x1E400] =	vst v63  }
0x13f: {  	_ =	swait.ge [sflag:s9], $0x7D0  }
0x140: {  	[sflag:s9] =	ssyncset.done $0x0  }
0x141: {  	s22 =	simm.s32 $0x9B70;
	s21 =	rddreg [dreg:$0x15];
	[sflag:s9] =	ssyncadd.s32 $0xFFFFF830  }
0x142: {  	[hbm4b:s21+s4] =	stream.linear.scatter [tilespmem:s22], [sflag:$0x7], $0x7D0, $0x38;
	[tilespmem:$0x1E400] =	vst v63  }
0x143: {  	_ =	swait.ge [sflag:s9], $0x7D0  }
0x144: {  	[sflag:s9] =	ssyncset.done $0x0  }
0x145: {  	s24 =	simm.s32 $0xA340;
	s23 =	rddreg [dreg:$0x16];
	[sflag:s9] =	ssyncadd.s32 $0xFFFFF830  }
0x146: {  	[hbm4b:s23+s4] =	stream.linear.scatter [tilespmem:s24], [sflag:$0x7], $0x7D0, $0x38;
	[tilespmem:$0x1E400] =	vst v63  }
0x147: {  	_ =	swait.ge [sflag:s9], $0x7D0  }
0x148: {  	s13 =	sadd.s32 $0x1, s13;
	s29 =	rddreg [dreg:$0x17]  }
0x149: {  	p1 =	sne.s32 s13, s29  }
.Ltmp3:
0x14a: {  	_ = 	snop;
	(pc) =	sbr.rel @p1 .LBB2_1-.Ltmp3, $3  }
0x14b: {  	_ =	sdelay $0x1  }
0x14c: {  	[sflag:s9] =	ssyncset.done $0x0  }
0x14d: {  	[sflag:s9] =	ssyncadd.s32 $0xFFFFF830  }
0x14e: {  	_ =	sfence.sel $0x180000  }
0x14f: {  	[bflag:$0x0] =	sbarrier.arrive $0xFFFF  }
0x150: {  	_ =	strace $0x90000047  }
0x151: {  	[bflag:$0x2] =	sbarrier.arrive $0xFFFF  }
0x152: {  	p0 =	sne.s32 s3, $0x0;
	s0 =	rddreg [dreg:$0x3]  }
0x153: {  	s0 =	sadd.s32 @!p0 $0x100000, s0  }
0x154: {  	[sflag:s0] =	ssyncadd.tile.s32 @!p0 $0x1;
	_ =	shalt  }
.Lfunc_end2:
_tile_overlayer_lowered:
.L_overlay_start_2:
0x155: {  	(tag) =	ssettag $0x2  }
0x156: {  	s0 =	rddreg [dreg:$0x0];
	s2 =	stileid.u32  }
0x157: {  	s1 =	rddreg [dreg:$0x1];
	p0 =	sne.s32 s2, $0x0  }
0x158: {  	s3 =	rddreg [dreg:$0x2];
	[bflag:$0x3] =	sbarrier.arrive $0xFFFF;
	s2 =	simm.s32 @!p0 $0x1C07  }
0x159: {  	[timem:s3], [sflag:s2] =	dma.local @!p0 [hbm:s0], s1  }
0x15a: {  	s0 =	simm.s32 @!p0 $0x7  }
0x15b: {  	_ =	swait.ge @!p0 [sflag:s0], s1  }
0x15c: {  	s1 =	ssub.s32 @!p0 $0x0, s1;
	[sflag:s0] =	ssyncset.done @!p0 $0x0  }
0x15d: {  	[sflag:s0] =	ssyncadd.s32 @!p0 s1  }
0x15e: {  	[bflag:$0x3] =	sbarrier.arrive $0xFFFF  }
0x15f: {  	_ =	shalt  }

</sc_bundles>
